<compile_context>
chip_gen: v7x
topology: tpu7x:2x2x1
jax: 0.10.2.dev20260603
libtpu: 0.0.44.dev20260713+nightly
codegen_flags: <defaults>
</compile_context>

<pallas_src>
import functools
import jax
import jax.numpy as jnp
from jax import lax
from jax.experimental import pallas as pl
from jax.experimental.pallas import tpu as pltpu
from jax.experimental.pallas import tpu_sc as plsc

N = 4096
H = 128
NRBF = 50
NRBF_PAD = 64
CUTOFF = 0.2
L = 4
VMAX = 100
VMAX_PAD = 128
NM = 128
OUT = 1
K = 256
PADV = -1e4
BI = 16




def _emb_body(an_ref, emb_ref, out_ref):
    an = an_ref[...]
    ids = lax.broadcasted_iota(jnp.int32, (1, VMAX_PAD), 1)
    onehot = (jnp.clip(an, 0, VMAX - 1) == ids).astype(jnp.float32)
    out_ref[...] = jnp.dot(onehot, emb_ref[...], preferred_element_type=jnp.float32, precision=lax.Precision.HIGHEST)


def _embed(an, emb_pad):
    return pl.pallas_call(
        _emb_body,
        out_shape=jax.ShapeDtypeStruct((N, H), jnp.float32),
    )(an.reshape(N, 1).astype(jnp.int32), emb_pad)


def _pre_body(x_ref, w_ref, b_ref, out_ref):
    pre = jnp.dot(x_ref[...], w_ref[...], preferred_element_type=jnp.float32) + b_ref[...]
    out_ref[:N, :] = pre
    out_ref[N:, :] = jnp.full((8, H), PADV, jnp.float32)


def _pre(x, W1x, b1):
    return pl.pallas_call(
        _pre_body,
        out_shape=jax.ShapeDtypeStruct((N + 8, H), jnp.float32),
    )(x, W1x, b1.reshape(1, H))


def _msg_body(cen_ref, w1r_ref, w2_ref, b2_ref, wih_ref, bih_ref, bhh_ref,
              g_ref, d2_ref, vm_ref, deg_ref, x_ref, out_ref):
    width = CUTOFF / NRBF
    d = jnp.sqrt(d2_ref[...])
    rbf = jnp.exp(-((d - cen_ref[...]) ** 2) / (2.0 * width * width))
    rbfw = jnp.dot(rbf, w1r_ref[...], preferred_element_type=jnp.float32)
    z = g_ref[...] + rbfw
    m = z * lax.logistic(z) * vm_ref[...]
    y = jnp.dot(m, w2_ref[...], preferred_element_type=jnp.float32)
    aggr = y.reshape(BI, K, H).sum(axis=1)
    aggr = aggr + deg_ref[...] * b2_ref[...]
    gi = jnp.dot(aggr, wih_ref[...], preferred_element_type=jnp.float32) + bih_ref[...]
    bhh = bhh_ref[...]
    r = lax.logistic(gi[:, :H] + bhh[:, :H])
    zz = lax.logistic(gi[:, H:2 * H] + bhh[:, H:2 * H])
    n = jnp.tanh(gi[:, 2 * H:] + r * bhh[:, 2 * H:])
    out_ref[...] = x_ref[...] + (1.0 - zz) * n


def _msg_layer(centers, W1r, W2, b2, Wih, bih, bhh, G, d2e, vmask, deg, x):
    nblk = N // BI
    grid = (nblk,)
    return pl.pallas_call(
        _msg_body,
        grid=grid,
        in_specs=[
            pl.BlockSpec((1, NRBF_PAD), lambda i: (0, 0)),
            pl.BlockSpec((NRBF_PAD, H), lambda i: (0, 0)),
            pl.BlockSpec((H, H), lambda i: (0, 0)),
            pl.BlockSpec((1, H), lambda i: (0, 0)),
            pl.BlockSpec((H, 3 * H), lambda i: (0, 0)),
            pl.BlockSpec((1, 3 * H), lambda i: (0, 0)),
            pl.BlockSpec((1, 3 * H), lambda i: (0, 0)),
            pl.BlockSpec((BI * K, H), lambda i: (i, 0)),
            pl.BlockSpec((BI * K, 1), lambda i: (i, 0)),
            pl.BlockSpec((BI * K, 1), lambda i: (i, 0)),
            pl.BlockSpec((BI, 1), lambda i: (i, 0)),
            pl.BlockSpec((BI, H), lambda i: (i, 0)),
        ],
        out_specs=pl.BlockSpec((BI, H), lambda i: (i, 0)),
        out_shape=jax.ShapeDtypeStruct((N, H), jnp.float32),
    )(centers, W1r, W2, b2.reshape(1, H), Wih, bih.reshape(1, 3 * H),
      bhh.reshape(1, 3 * H), G, d2e.reshape(N * K, 1), vmask.reshape(N * K, 1), deg, x)


def _head_body(x_ref, batch_ref, g_ref, b_ref, w1_ref, b1_ref, w2_ref, b2_ref, out_ref):
    x = x_ref[...]
    mu = jnp.mean(x, axis=1, keepdims=True)
    xc = x - mu
    var = jnp.mean(xc * xc, axis=1, keepdims=True)
    xh = xc * lax.rsqrt(var + 1e-5) * g_ref[...] + b_ref[...]
    mids = lax.broadcasted_iota(jnp.int32, (NM, 1), 0)
    sel = (mids == batch_ref[...]).astype(jnp.float32)
    graph = jnp.dot(sel, xh, preferred_element_type=jnp.float32, precision=lax.Precision.HIGHEST)
    counts = jnp.sum(sel, axis=1, keepdims=True)
    graph = graph / jnp.maximum(counts, 1.0)
    h1 = jnp.dot(graph, w1_ref[...], preferred_element_type=jnp.float32) + b1_ref[...]
    h1 = h1 * lax.logistic(h1)
    out_ref[...] = jnp.dot(h1, w2_ref[...], preferred_element_type=jnp.float32) + b2_ref[...]


def _head(x, batch, ln_g, ln_b, hW1, hb1, hW2, hb2):
    return pl.pallas_call(
        _head_body,
        out_shape=jax.ShapeDtypeStruct((NM, OUT), jnp.float32),
    )(x, batch.reshape(1, N).astype(jnp.int32), ln_g.reshape(1, H), ln_b.reshape(1, H),
      hW1, hb1.reshape(1, H), hW2, hb2.reshape(1, OUT))


def _neighbor_lists(positions):
    diff = positions[:, None, :] - positions[None, :, :]
    d2 = (diff * diff).sum(-1)
    mask = (d2 < CUTOFF * CUTOFF) & (~jnp.eye(N, dtype=bool))
    deg = mask.sum(1)
    order = jnp.argsort(~mask, axis=1, stable=True)
    nbr = order[:, :K]
    slot_valid = jnp.arange(K)[None, :] < deg[:, None]
    own = jnp.broadcast_to(jnp.arange(N)[:, None], (N, K))
    nbr = jnp.where(slot_valid, nbr, own)
    d2e = jnp.where(slot_valid, jnp.take_along_axis(d2, nbr, axis=1), 1e6)
    vmask = slot_valid.astype(jnp.float32)
    return (nbr.astype(jnp.int32), d2e, vmask,
            deg.astype(jnp.float32).reshape(N, 1))


NC = 2
NS = 16
NW = NC * NS
GROWS = N * K // NW
GSUB = 128
GITER_SUB = 4
GCHUNK = GSUB * GITER_SUB


def _sc_gather(pre_pad, nbr2):
    mesh = plsc.VectorSubcoreMesh(core_axis_name="c", subcore_axis_name="s",
                                  num_cores=NC, num_subcores=NS)

    half = 2 * GSUB
    nsteps = GROWS // half

    @functools.partial(
        pl.kernel,
        out_type=jax.ShapeDtypeStruct((N * K, H), jnp.float32),
        mesh=mesh,
        scratch_types=[
            pltpu.VMEM((2, GSUB), jnp.int32),
            pltpu.VMEM((2, GSUB), jnp.int32),
            pltpu.VMEM((half, H), jnp.float32),
            pltpu.VMEM((half, H), jnp.float32),
            pltpu.SemaphoreType.DMA,
            pltpu.SemaphoreType.DMA,
            pltpu.SemaphoreType.DMA,
        ],
    )
    def k(pre_hbm, nbr_hbm, out_hbm, idx_a, idx_b, rows_a, rows_b, gsem, wsem_a, wsem_b):
        wid = lax.axis_index("s") * NC + lax.axis_index("c")
        nbr_row0 = wid * (GROWS // GSUB)
        out_row0 = wid * GROWS

        def body(i, carry):
            for h, (idxv, rowsv, wsem) in enumerate(
                    ((idx_a, rows_a, wsem_a), (idx_b, rows_b, wsem_b))):
                s = i * 2 + h
                @pl.when(s >= 2)
                def _():
                    pltpu.make_async_copy(out_hbm.at[pl.ds(0, half)], rowsv, wsem).wait()
                pltpu.sync_copy(nbr_hbm.at[pl.ds(nbr_row0 + s * 2, 2)], idxv)
                c0 = pltpu.async_copy(pre_hbm.at[idxv.at[0]],
                                      rowsv.at[pl.ds(0, GSUB)], gsem)
                c1 = pltpu.async_copy(pre_hbm.at[idxv.at[1]],
                                      rowsv.at[pl.ds(GSUB, GSUB)], gsem)
                c0.wait()
                c1.wait()
                pltpu.async_copy(rowsv, out_hbm.at[pl.ds(out_row0 + s * half, half)],
                                 wsem)
            return carry

        lax.fori_loop(0, nsteps // 2, body, 0)
        pltpu.make_async_copy(out_hbm.at[pl.ds(0, half)], rows_a, wsem_a).wait()
        pltpu.make_async_copy(out_hbm.at[pl.ds(0, half)], rows_b, wsem_b).wait()

    return k(pre_pad, nbr2)


def kernel(atomic_numbers, positions, batch, emb, msg_W1, msg_b1, msg_W2, msg_b2,
           gru_Wih, gru_Whh, gru_bih, gru_bhh, ln_g, ln_b,
           head_W1, head_b1, head_W2, head_b2):
    emb_pad = jnp.zeros((VMAX_PAD, H), jnp.float32).at[:VMAX].set(emb)
    centers = jnp.full((NRBF_PAD,), 1e6, jnp.float32).at[:NRBF].set(
        jnp.linspace(0.0, CUTOFF, NRBF)).reshape(1, NRBF_PAD)
    W1r_pad = jnp.zeros((L, NRBF_PAD, H), jnp.float32).at[:, :NRBF].set(msg_W1[:, H:])

    x = _embed(atomic_numbers, emb_pad)
    nbr, d2e, vmask, deg = _neighbor_lists(positions)
    nbr2 = nbr.reshape(N * K // GSUB, GSUB)
    for l in range(L):
        pre_pad = _pre(x, msg_W1[l, :H], msg_b1[l])
        G = _sc_gather(pre_pad, nbr2)
        x = _msg_layer(centers, W1r_pad[l], msg_W2[l], msg_b2[l],
                       gru_Wih[l], gru_bih[l], gru_bhh[l], G, d2e, vmask, deg, x)
    return _head(x, batch, ln_g, ln_b, head_W1, head_b1, head_W2, head_b2)

# --- scband reference (transcript-rebuilt; emitter-appended) ---
"""Pipeline reference for scband-three-dinfomax-28587302322457 (READ-ONLY COPY).

The authoritative reference and input builder live on the scoring server;
editing this copy changes nothing except your own understanding.
"""

import jax, jax.numpy as jnp
import numpy as np

N = 4096
H = 128
NRBF = 50
CUTOFF = 0.2
L = 4
OUT = 1
VMAX = 100
NMOLMAX = 128


def _init(key, shape, scale):
    return jax.random.normal(key, shape, dtype=jnp.float32) * scale


def setup_inputs(seed: int = 0):
    key = jax.random.key(seed)
    ks = jax.random.split(key, 16)
    atomic_numbers = jax.random.randint(ks[0], (N,), 0, VMAX)
    positions = jax.random.uniform(ks[1], (N, 3), dtype=jnp.float32)
    batch = jnp.sort(jax.random.randint(ks[2], (N,), 0, NMOLMAX))
    s1 = 1.0 / np.sqrt(H + NRBF)
    s2 = 1.0 / np.sqrt(H)
    return {
        "atomic_numbers": atomic_numbers,
        "positions": positions,
        "batch": batch,
        "emb": _init(ks[3], (VMAX, H), 1.0),
        "msg_W1": _init(ks[4], (L, H + NRBF, H), s1),
        "msg_b1": jnp.zeros((L, H), jnp.float32),
        "msg_W2": _init(ks[5], (L, H, H), s2),
        "msg_b2": jnp.zeros((L, H), jnp.float32),
        "gru_Wih": _init(ks[6], (L, H, 3 * H), s2),
        "gru_Whh": _init(ks[7], (L, H, 3 * H), s2),
        "gru_bih": jnp.zeros((L, 3 * H), jnp.float32),
        "gru_bhh": jnp.zeros((L, 3 * H), jnp.float32),
        "ln_g": jnp.ones((H,), jnp.float32),
        "ln_b": jnp.zeros((H,), jnp.float32),
        "head_W1": _init(ks[8], (H, H), s2),
        "head_b1": jnp.zeros((H,), jnp.float32),
        "head_W2": _init(ks[9], (H, OUT), s2),
        "head_b2": jnp.zeros((OUT,), jnp.float32),
    }


def reference(atomic_numbers, positions, batch, emb, msg_W1, msg_b1, msg_W2, msg_b2,
              gru_Wih, gru_Whh, gru_bih, gru_bhh, ln_g, ln_b,
              head_W1, head_b1, head_W2, head_b2):
    # embedding lookup (gather)
    x = emb[jnp.clip(atomic_numbers, 0, VMAX - 1)]
    # dense all-pairs radius graph construction
    diff = positions[:, None, :] - positions[None, :, :]
    dist = jnp.sqrt((diff * diff).sum(-1))
    mask = (dist < CUTOFF) & (~jnp.eye(N, dtype=bool))
    centers = jnp.linspace(0.0, CUTOFF, NRBF)
    width = CUTOFF / NRBF
    for l in range(L):
        def _pair_step(aggr, inp):
            xj, dj, mj = inp
            rbf_j = jnp.exp(-((dj[:, None] - centers) ** 2) / (2.0 * width * width))
            feat = jnp.concatenate([jnp.broadcast_to(xj, (N, H)), rbf_j], axis=-1)
            mrow = feat @ msg_W1[l] + msg_b1[l]
            mrow = jax.nn.silu(mrow) @ msg_W2[l] + msg_b2[l]
            return aggr + jnp.where(mj[:, None], mrow, 0.0), None
        aggr, _ = jax.lax.scan(_pair_step, jnp.zeros_like(x), (x, dist, mask))
        # GRU with seq_len=1 and zero initial hidden state
        gi = aggr @ gru_Wih[l] + gru_bih[l]
        hb = gru_bhh[l]
        i_r, i_z, i_n = jnp.split(gi, 3, axis=-1)
        h_r, h_z, h_n = jnp.split(hb, 3, axis=-1)
        r = jax.nn.sigmoid(i_r + h_r)
        z = jax.nn.sigmoid(i_z + h_z)
        n = jnp.tanh(i_n + r * h_n)
        x = x + (1.0 - z) * n
    mu = x.mean(-1, keepdims=True)
    var = ((x - mu) ** 2).mean(-1, keepdims=True)
    x = (x - mu) / jnp.sqrt(var + 1e-5) * ln_g + ln_b
    # per-molecule mean pooling (scatter-add)
    nm = NMOLMAX
    graph = jnp.zeros((nm, H), x.dtype).at[batch].add(x)
    counts = jnp.zeros((nm,), x.dtype).at[batch].add(1.0)
    graph = graph / jnp.clip(counts, 1.0)[:, None]
    pred = jax.nn.silu(graph @ head_W1 + head_b1) @ head_W2 + head_b2
    return pred

if __name__ == "__main__":
    import jax
    _d = setup_inputs()
    print(jax.jit(kernel)(*tuple(_d.values())))

</pallas_src>

<mosaic_0001>
#map = affine_map<(d0, d1) -> (0, 0)>
module attributes {stable_mosaic.version = 14 : i64} {
  func.func @k(%arg0: i32, %arg1: i32, %arg2: memref<4104x128xf32, #tpu.memory_space<hbm>>, %arg3: memref<8192x128xi32, #tpu.memory_space<hbm>>, %arg4: memref<1048576x128xf32, #tpu.memory_space<hbm>>, %arg5: memref<2x128xi32, #tpu.memory_space<vmem>>, %arg6: memref<2x128xi32, #tpu.memory_space<vmem>>, %arg7: memref<256x128xf32, #tpu.memory_space<vmem>>, %arg8: memref<256x128xf32, #tpu.memory_space<vmem>>, %arg9: memref<!tpu.dma_semaphore, #tpu.memory_space<semaphore_mem>>, %arg10: memref<!tpu.dma_semaphore, #tpu.memory_space<semaphore_mem>>, %arg11: memref<!tpu.dma_semaphore, #tpu.memory_space<semaphore_mem>>) attributes {dimension_semantics = [#tpu.dimension_semantics<core_parallel>, #tpu.dimension_semantics<subcore_parallel>], iteration_bounds = array<i64: 2, 16>, scalar_prefetch = 0 : i64, scratch_operands = 7 : i64, tpu.core_type = #tpu.core_type<sc_vector_subcore>, window_params = [{transform_indices = #map}, {transform_indices = #map}, {transform_indices = #map}]} {
    %mul3A = arith.constant 2 : i32
    %mul3A_0 = arith.muli %arg1, %mul3A : i32
    %add3A = arith.addi %mul3A_0, %arg0 : i32
    %mul3A_1 = arith.constant 256 : i32
    %mul3A_2 = arith.muli %add3A, %mul3A_1 : i32
    %mul3A_3 = arith.constant 32768 : i32
    %mul3A_4 = arith.muli %add3A, %mul3A_3 : i32
    %scan3A = arith.constant 0 : i32
    %scan3A_5 = arith.constant 0 : i32
    %scan3A_6 = arith.constant 64 : i32
    %scan3A_7 = arith.addi %scan3A_5, %scan3A_6 : i32
    %scan3A_8 = arith.constant 1 : i32
    scf.for %scan3A_21 = %scan3A_5 to %scan3A_7 step %scan3A_8  : i32 {
      %mul3A_22 = arith.constant 2 : i32
      %mul3A_23 = arith.muli %scan3A_21, %mul3A_22 : i32
      %add3A_24 = arith.constant 0 : i32
      %add3A_25 = arith.addi %mul3A_23, %add3A_24 : i32
      %ge3A = arith.constant 2 : i32
      %ge3A_26 = arith.cmpi sge, %add3A_25, %ge3A : i32
      %convert_element_type3A = arith.extui %ge3A_26 : i1 to i32
      %cond3A = arith.constant 0 : i32
      %cond3A_27 = arith.cmpi ne, %convert_element_type3A, %cond3A : i32
      scf.if %cond3A_27 {
        %dma_wait3A_136 = arith.constant 0 : i32
        %dma_wait3A_137 = arith.constant 0 : i32
        %dma_wait3A_138 = tpu.memref_slice %arg4[%dma_wait3A_136, %dma_wait3A_137] : memref<1048576x128xf32, #tpu.memory_space<hbm>> -> memref<256x128xf32, #tpu.memory_space<hbm>>
        %dma_wait3A_139 = arith.constant 0 : i32
        %dma_wait3A_140 = arith.constant 0 : i32
        %dma_wait3A_141 = tpu.memref_slice %arg4[%dma_wait3A_139, %dma_wait3A_140] : memref<1048576x128xf32, #tpu.memory_space<hbm>> -> memref<256x128xf32, #tpu.memory_space<hbm>>
        tpu.wait_dma2 semaphore(%arg10 : memref<!tpu.dma_semaphore, #tpu.memory_space<semaphore_mem>>) src(%dma_wait3A_141 : memref<256x128xf32, #tpu.memory_space<hbm>>) dst(%arg7 : memref<256x128xf32, #tpu.memory_space<vmem>>)
      } else {
      }
      %mul3A_28 = arith.constant 2 : i32
      %mul3A_29 = arith.muli %add3A_25, %mul3A_28 : i32
      %add3A_30 = arith.addi %mul3A_2, %mul3A_29 : i32
      "tpu.region"() ({
        %run_scoped3A = tpu.sem_alloc : memref<!tpu.dma_semaphore, #tpu.memory_space<semaphore_mem>>
        %dma_start3A_136 = arith.constant 0 : i32
        %dma_start3A_137 = tpu.memref_slice %arg3[%add3A_30, %dma_start3A_136] : memref<8192x128xi32, #tpu.memory_space<hbm>> -> memref<2x128xi32, #tpu.memory_space<hbm>>
        %dma_start3A_138 = arith.constant 0 : i32
        %dma_start3A_139 = tpu.memref_slice %arg3[%add3A_30, %dma_start3A_138] : memref<8192x128xi32, #tpu.memory_space<hbm>> -> memref<2x128xi32, #tpu.memory_space<hbm>>
        tpu.enqueue_dma source(%dma_start3A_139 : memref<2x128xi32, #tpu.memory_space<hbm>>) target(%arg5 : memref<2x128xi32, #tpu.memory_space<vmem>>) target_semaphore(%run_scoped3A : memref<!tpu.dma_semaphore, #tpu.memory_space<semaphore_mem>>)
        %dma_wait3A_140 = arith.constant 0 : i32
        %dma_wait3A_141 = tpu.memref_slice %arg3[%add3A_30, %dma_wait3A_140] : memref<8192x128xi32, #tpu.memory_space<hbm>> -> memref<2x128xi32, #tpu.memory_space<hbm>>
        %dma_wait3A_142 = arith.constant 0 : i32
        %dma_wait3A_143 = tpu.memref_slice %arg3[%add3A_30, %dma_wait3A_142] : memref<8192x128xi32, #tpu.memory_space<hbm>> -> memref<2x128xi32, #tpu.memory_space<hbm>>
        tpu.wait_dma2 semaphore(%run_scoped3A : memref<!tpu.dma_semaphore, #tpu.memory_space<semaphore_mem>>) src(%dma_wait3A_143 : memref<2x128xi32, #tpu.memory_space<hbm>>) dst(%arg5 : memref<2x128xi32, #tpu.memory_space<vmem>>)
        tpu.yield
      }) : () -> ()
      %dma_start3A = arith.constant 0 : i32
      %dma_start3A_31 = arith.constant 0 : i32
      %dma_start3A_32 = arith.constant 0 : i32
      %dma_start3A_33 = tpu.memref_slice %arg7[%dma_start3A_31, %dma_start3A_32] : memref<256x128xf32, #tpu.memory_space<vmem>> -> memref<128x128xf32, #tpu.memory_space<vmem>>
      %dma_start3A_34 = arith.constant 0 : i32
      %dma_start3A_35 = tpu.memref_slice %arg5[%dma_start3A, %dma_start3A_34] : memref<2x128xi32, #tpu.memory_space<vmem>> -> memref<1x128xi32, #tpu.memory_space<vmem>>
      %dma_start3A_36 = tpu.memref_squeeze %dma_start3A_35 : memref<1x128xi32, #tpu.memory_space<vmem>> -> memref<128xi32, #tpu.memory_space<vmem>>
      %dma_start3A_37 = arith.constant 0 : i32
      %dma_start3A_38 = arith.constant 0 : i32
      %dma_start3A_39 = tpu.memref_slice %arg2[%dma_start3A_37, %dma_start3A_38] : memref<4104x128xf32, #tpu.memory_space<hbm>> -> memref<4104x128xf32, #tpu.memory_space<hbm>>
      tpu.enqueue_indirect_dma source(%dma_start3A_39 : memref<4104x128xf32, #tpu.memory_space<hbm>>) target(%dma_start3A_33 : memref<128x128xf32, #tpu.memory_space<vmem>>) offsets(%dma_start3A_36 : memref<128xi32, #tpu.memory_space<vmem>>) semaphore(%arg9 : memref<!tpu.dma_semaphore, #tpu.memory_space<semaphore_mem>>)
      %dma_start3A_40 = arith.constant 1 : i32
      %dma_start3A_41 = arith.constant 128 : i32
      %dma_start3A_42 = arith.constant 0 : i32
      %dma_start3A_43 = tpu.memref_slice %arg7[%dma_start3A_41, %dma_start3A_42] : memref<256x128xf32, #tpu.memory_space<vmem>> -> memref<128x128xf32, #tpu.memory_space<vmem>>
      %dma_start3A_44 = arith.constant 0 : i32
      %dma_start3A_45 = tpu.memref_slice %arg5[%dma_start3A_40, %dma_start3A_44] : memref<2x128xi32, #tpu.memory_space<vmem>> -> memref<1x128xi32, #tpu.memory_space<vmem>>
      %dma_start3A_46 = tpu.memref_squeeze %dma_start3A_45 : memref<1x128xi32, #tpu.memory_space<vmem>> -> memref<128xi32, #tpu.memory_space<vmem>>
      %dma_start3A_47 = arith.constant 0 : i32
      %dma_start3A_48 = arith.constant 0 : i32
      %dma_start3A_49 = tpu.memref_slice %arg2[%dma_start3A_47, %dma_start3A_48] : memref<4104x128xf32, #tpu.memory_space<hbm>> -> memref<4104x128xf32, #tpu.memory_space<hbm>>
      tpu.enqueue_indirect_dma source(%dma_start3A_49 : memref<4104x128xf32, #tpu.memory_space<hbm>>) target(%dma_start3A_43 : memref<128x128xf32, #tpu.memory_space<vmem>>) offsets(%dma_start3A_46 : memref<128xi32, #tpu.memory_space<vmem>>) semaphore(%arg9 : memref<!tpu.dma_semaphore, #tpu.memory_space<semaphore_mem>>)
      %dma_wait3A_50 = arith.constant 0 : i32
      %dma_wait3A_51 = arith.constant 0 : i32
      %dma_wait3A_52 = arith.constant 0 : i32
      %dma_wait3A_53 = tpu.memref_slice %arg7[%dma_wait3A_51, %dma_wait3A_52] : memref<256x128xf32, #tpu.memory_space<vmem>> -> memref<128x128xf32, #tpu.memory_space<vmem>>
      %dma_wait3A_54 = arith.constant 0 : i32
      %dma_wait3A_55 = tpu.memref_slice %arg5[%dma_wait3A_50, %dma_wait3A_54] : memref<2x128xi32, #tpu.memory_space<vmem>> -> memref<1x128xi32, #tpu.memory_space<vmem>>
      %dma_wait3A_56 = tpu.memref_squeeze %dma_wait3A_55 : memref<1x128xi32, #tpu.memory_space<vmem>> -> memref<128xi32, #tpu.memory_space<vmem>>
      %dma_wait3A_57 = arith.constant 0 : i32
      %dma_wait3A_58 = arith.constant 0 : i32
      %dma_wait3A_59 = tpu.memref_slice %arg2[%dma_wait3A_57, %dma_wait3A_58] : memref<4104x128xf32, #tpu.memory_space<hbm>> -> memref<4104x128xf32, #tpu.memory_space<hbm>>
      tpu.wait_indirect_dma semaphore(%arg9 : memref<!tpu.dma_semaphore, #tpu.memory_space<semaphore_mem>>) src(%dma_wait3A_59 : memref<4104x128xf32, #tpu.memory_space<hbm>>) dst(%dma_wait3A_53 : memref<128x128xf32, #tpu.memory_space<vmem>>)
      %dma_wait3A_60 = arith.constant 1 : i32
      %dma_wait3A_61 = arith.constant 128 : i32
      %dma_wait3A_62 = arith.constant 0 : i32
      %dma_wait3A_63 = tpu.memref_slice %arg7[%dma_wait3A_61, %dma_wait3A_62] : memref<256x128xf32, #tpu.memory_space<vmem>> -> memref<128x128xf32, #tpu.memory_space<vmem>>
      %dma_wait3A_64 = arith.constant 0 : i32
      %dma_wait3A_65 = tpu.memref_slice %arg5[%dma_wait3A_60, %dma_wait3A_64] : memref<2x128xi32, #tpu.memory_space<vmem>> -> memref<1x128xi32, #tpu.memory_space<vmem>>
      %dma_wait3A_66 = tpu.memref_squeeze %dma_wait3A_65 : memref<1x128xi32, #tpu.memory_space<vmem>> -> memref<128xi32, #tpu.memory_space<vmem>>
      %dma_wait3A_67 = arith.constant 0 : i32
      %dma_wait3A_68 = arith.constant 0 : i32
      %dma_wait3A_69 = tpu.memref_slice %arg2[%dma_wait3A_67, %dma_wait3A_68] : memref<4104x128xf32, #tpu.memory_space<hbm>> -> memref<4104x128xf32, #tpu.memory_space<hbm>>
      tpu.wait_indirect_dma semaphore(%arg9 : memref<!tpu.dma_semaphore, #tpu.memory_space<semaphore_mem>>) src(%dma_wait3A_69 : memref<4104x128xf32, #tpu.memory_space<hbm>>) dst(%dma_wait3A_63 : memref<128x128xf32, #tpu.memory_space<vmem>>)
      %mul3A_70 = arith.constant 256 : i32
      %mul3A_71 = arith.muli %add3A_25, %mul3A_70 : i32
      %add3A_72 = arith.addi %mul3A_4, %mul3A_71 : i32
      %dma_start3A_73 = arith.constant 0 : i32
      %dma_start3A_74 = tpu.memref_slice %arg4[%add3A_72, %dma_start3A_73] : memref<1048576x128xf32, #tpu.memory_space<hbm>> -> memref<256x128xf32, #tpu.memory_space<hbm>>
      %dma_start3A_75 = arith.constant 0 : i32
      %dma_start3A_76 = tpu.memref_slice %arg4[%add3A_72, %dma_start3A_75] : memref<1048576x128xf32, #tpu.memory_space<hbm>> -> memref<256x128xf32, #tpu.memory_space<hbm>>
      tpu.enqueue_dma source(%arg7 : memref<256x128xf32, #tpu.memory_space<vmem>>) target(%dma_start3A_76 : memref<256x128xf32, #tpu.memory_space<hbm>>) target_semaphore(%arg10 : memref<!tpu.dma_semaphore, #tpu.memory_space<semaphore_mem>>)
      %mul3A_77 = arith.constant 2 : i32
      %mul3A_78 = arith.muli %scan3A_21, %mul3A_77 : i32
      %add3A_79 = arith.constant 1 : i32
      %add3A_80 = arith.addi %mul3A_78, %add3A_79 : i32
      %ge3A_81 = arith.constant 2 : i32
      %ge3A_82 = arith.cmpi sge, %add3A_80, %ge3A_81 : i32
      %convert_element_type3A_83 = arith.extui %ge3A_82 : i1 to i32
      %cond3A_84 = arith.constant 0 : i32
      %cond3A_85 = arith.cmpi ne, %convert_element_type3A_83, %cond3A_84 : i32
      scf.if %cond3A_85 {
        %dma_wait3A_136 = arith.constant 0 : i32
        %dma_wait3A_137 = arith.constant 0 : i32
        %dma_wait3A_138 = tpu.memref_slice %arg4[%dma_wait3A_136, %dma_wait3A_137] : memref<1048576x128xf32, #tpu.memory_space<hbm>> -> memref<256x128xf32, #tpu.memory_space<hbm>>
        %dma_wait3A_139 = arith.constant 0 : i32
        %dma_wait3A_140 = arith.constant 0 : i32
        %dma_wait3A_141 = tpu.memref_slice %arg4[%dma_wait3A_139, %dma_wait3A_140] : memref<1048576x128xf32, #tpu.memory_space<hbm>> -> memref<256x128xf32, #tpu.memory_space<hbm>>
        tpu.wait_dma2 semaphore(%arg11 : memref<!tpu.dma_semaphore, #tpu.memory_space<semaphore_mem>>) src(%dma_wait3A_141 : memref<256x128xf32, #tpu.memory_space<hbm>>) dst(%arg8 : memref<256x128xf32, #tpu.memory_space<vmem>>)
      } else {
      }
      %mul3A_86 = arith.constant 2 : i32
      %mul3A_87 = arith.muli %add3A_80, %mul3A_86 : i32
      %add3A_88 = arith.addi %mul3A_2, %mul3A_87 : i32
      "tpu.region"() ({
        %run_scoped3A = tpu.sem_alloc : memref<!tpu.dma_semaphore, #tpu.memory_space<semaphore_mem>>
        %dma_start3A_136 = arith.constant 0 : i32
        %dma_start3A_137 = tpu.memref_slice %arg3[%add3A_88, %dma_start3A_136] : memref<8192x128xi32, #tpu.memory_space<hbm>> -> memref<2x128xi32, #tpu.memory_space<hbm>>
        %dma_start3A_138 = arith.constant 0 : i32
        %dma_start3A_139 = tpu.memref_slice %arg3[%add3A_88, %dma_start3A_138] : memref<8192x128xi32, #tpu.memory_space<hbm>> -> memref<2x128xi32, #tpu.memory_space<hbm>>
        tpu.enqueue_dma source(%dma_start3A_139 : memref<2x128xi32, #tpu.memory_space<hbm>>) target(%arg6 : memref<2x128xi32, #tpu.memory_space<vmem>>) target_semaphore(%run_scoped3A : memref<!tpu.dma_semaphore, #tpu.memory_space<semaphore_mem>>)
        %dma_wait3A_140 = arith.constant 0 : i32
        %dma_wait3A_141 = tpu.memref_slice %arg3[%add3A_88, %dma_wait3A_140] : memref<8192x128xi32, #tpu.memory_space<hbm>> -> memref<2x128xi32, #tpu.memory_space<hbm>>
        %dma_wait3A_142 = arith.constant 0 : i32
        %dma_wait3A_143 = tpu.memref_slice %arg3[%add3A_88, %dma_wait3A_142] : memref<8192x128xi32, #tpu.memory_space<hbm>> -> memref<2x128xi32, #tpu.memory_space<hbm>>
        tpu.wait_dma2 semaphore(%run_scoped3A : memref<!tpu.dma_semaphore, #tpu.memory_space<semaphore_mem>>) src(%dma_wait3A_143 : memref<2x128xi32, #tpu.memory_space<hbm>>) dst(%arg6 : memref<2x128xi32, #tpu.memory_space<vmem>>)
        tpu.yield
      }) : () -> ()
      %dma_start3A_89 = arith.constant 0 : i32
      %dma_start3A_90 = arith.constant 0 : i32
      %dma_start3A_91 = arith.constant 0 : i32
      %dma_start3A_92 = tpu.memref_slice %arg8[%dma_start3A_90, %dma_start3A_91] : memref<256x128xf32, #tpu.memory_space<vmem>> -> memref<128x128xf32, #tpu.memory_space<vmem>>
      %dma_start3A_93 = arith.constant 0 : i32
      %dma_start3A_94 = tpu.memref_slice %arg6[%dma_start3A_89, %dma_start3A_93] : memref<2x128xi32, #tpu.memory_space<vmem>> -> memref<1x128xi32, #tpu.memory_space<vmem>>
      %dma_start3A_95 = tpu.memref_squeeze %dma_start3A_94 : memref<1x128xi32, #tpu.memory_space<vmem>> -> memref<128xi32, #tpu.memory_space<vmem>>
      %dma_start3A_96 = arith.constant 0 : i32
      %dma_start3A_97 = arith.constant 0 : i32
      %dma_start3A_98 = tpu.memref_slice %arg2[%dma_start3A_96, %dma_start3A_97] : memref<4104x128xf32, #tpu.memory_space<hbm>> -> memref<4104x128xf32, #tpu.memory_space<hbm>>
      tpu.enqueue_indirect_dma source(%dma_start3A_98 : memref<4104x128xf32, #tpu.memory_space<hbm>>) target(%dma_start3A_92 : memref<128x128xf32, #tpu.memory_space<vmem>>) offsets(%dma_start3A_95 : memref<128xi32, #tpu.memory_space<vmem>>) semaphore(%arg9 : memref<!tpu.dma_semaphore, #tpu.memory_space<semaphore_mem>>)
      %dma_start3A_99 = arith.constant 1 : i32
      %dma_start3A_100 = arith.constant 128 : i32
      %dma_start3A_101 = arith.constant 0 : i32
      %dma_start3A_102 = tpu.memref_slice %arg8[%dma_start3A_100, %dma_start3A_101] : memref<256x128xf32, #tpu.memory_space<vmem>> -> memref<128x128xf32, #tpu.memory_space<vmem>>
      %dma_start3A_103 = arith.constant 0 : i32
      %dma_start3A_104 = tpu.memref_slice %arg6[%dma_start3A_99, %dma_start3A_103] : memref<2x128xi32, #tpu.memory_space<vmem>> -> memref<1x128xi32, #tpu.memory_space<vmem>>
      %dma_start3A_105 = tpu.memref_squeeze %dma_start3A_104 : memref<1x128xi32, #tpu.memory_space<vmem>> -> memref<128xi32, #tpu.memory_space<vmem>>
      %dma_start3A_106 = arith.constant 0 : i32
      %dma_start3A_107 = arith.constant 0 : i32
      %dma_start3A_108 = tpu.memref_slice %arg2[%dma_start3A_106, %dma_start3A_107] : memref<4104x128xf32, #tpu.memory_space<hbm>> -> memref<4104x128xf32, #tpu.memory_space<hbm>>
      tpu.enqueue_indirect_dma source(%dma_start3A_108 : memref<4104x128xf32, #tpu.memory_space<hbm>>) target(%dma_start3A_102 : memref<128x128xf32, #tpu.memory_space<vmem>>) offsets(%dma_start3A_105 : memref<128xi32, #tpu.memory_space<vmem>>) semaphore(%arg9 : memref<!tpu.dma_semaphore, #tpu.memory_space<semaphore_mem>>)
      %dma_wait3A_109 = arith.constant 0 : i32
      %dma_wait3A_110 = arith.constant 0 : i32
      %dma_wait3A_111 = arith.constant 0 : i32
      %dma_wait3A_112 = tpu.memref_slice %arg8[%dma_wait3A_110, %dma_wait3A_111] : memref<256x128xf32, #tpu.memory_space<vmem>> -> memref<128x128xf32, #tpu.memory_space<vmem>>
      %dma_wait3A_113 = arith.constant 0 : i32
      %dma_wait3A_114 = tpu.memref_slice %arg6[%dma_wait3A_109, %dma_wait3A_113] : memref<2x128xi32, #tpu.memory_space<vmem>> -> memref<1x128xi32, #tpu.memory_space<vmem>>
      %dma_wait3A_115 = tpu.memref_squeeze %dma_wait3A_114 : memref<1x128xi32, #tpu.memory_space<vmem>> -> memref<128xi32, #tpu.memory_space<vmem>>
      %dma_wait3A_116 = arith.constant 0 : i32
      %dma_wait3A_117 = arith.constant 0 : i32
      %dma_wait3A_118 = tpu.memref_slice %arg2[%dma_wait3A_116, %dma_wait3A_117] : memref<4104x128xf32, #tpu.memory_space<hbm>> -> memref<4104x128xf32, #tpu.memory_space<hbm>>
      tpu.wait_indirect_dma semaphore(%arg9 : memref<!tpu.dma_semaphore, #tpu.memory_space<semaphore_mem>>) src(%dma_wait3A_118 : memref<4104x128xf32, #tpu.memory_space<hbm>>) dst(%dma_wait3A_112 : memref<128x128xf32, #tpu.memory_space<vmem>>)
      %dma_wait3A_119 = arith.constant 1 : i32
      %dma_wait3A_120 = arith.constant 128 : i32
      %dma_wait3A_121 = arith.constant 0 : i32
      %dma_wait3A_122 = tpu.memref_slice %arg8[%dma_wait3A_120, %dma_wait3A_121] : memref<256x128xf32, #tpu.memory_space<vmem>> -> memref<128x128xf32, #tpu.memory_space<vmem>>
      %dma_wait3A_123 = arith.constant 0 : i32
      %dma_wait3A_124 = tpu.memref_slice %arg6[%dma_wait3A_119, %dma_wait3A_123] : memref<2x128xi32, #tpu.memory_space<vmem>> -> memref<1x128xi32, #tpu.memory_space<vmem>>
      %dma_wait3A_125 = tpu.memref_squeeze %dma_wait3A_124 : memref<1x128xi32, #tpu.memory_space<vmem>> -> memref<128xi32, #tpu.memory_space<vmem>>
      %dma_wait3A_126 = arith.constant 0 : i32
      %dma_wait3A_127 = arith.constant 0 : i32
      %dma_wait3A_128 = tpu.memref_slice %arg2[%dma_wait3A_126, %dma_wait3A_127] : memref<4104x128xf32, #tpu.memory_space<hbm>> -> memref<4104x128xf32, #tpu.memory_space<hbm>>
      tpu.wait_indirect_dma semaphore(%arg9 : memref<!tpu.dma_semaphore, #tpu.memory_space<semaphore_mem>>) src(%dma_wait3A_128 : memref<4104x128xf32, #tpu.memory_space<hbm>>) dst(%dma_wait3A_122 : memref<128x128xf32, #tpu.memory_space<vmem>>)
      %mul3A_129 = arith.constant 256 : i32
      %mul3A_130 = arith.muli %add3A_80, %mul3A_129 : i32
      %add3A_131 = arith.addi %mul3A_4, %mul3A_130 : i32
      %dma_start3A_132 = arith.constant 0 : i32
      %dma_start3A_133 = tpu.memref_slice %arg4[%add3A_131, %dma_start3A_132] : memref<1048576x128xf32, #tpu.memory_space<hbm>> -> memref<256x128xf32, #tpu.memory_space<hbm>>
      %dma_start3A_134 = arith.constant 0 : i32
      %dma_start3A_135 = tpu.memref_slice %arg4[%add3A_131, %dma_start3A_134] : memref<1048576x128xf32, #tpu.memory_space<hbm>> -> memref<256x128xf32, #tpu.memory_space<hbm>>
      tpu.enqueue_dma source(%arg8 : memref<256x128xf32, #tpu.memory_space<vmem>>) target(%dma_start3A_135 : memref<256x128xf32, #tpu.memory_space<hbm>>) target_semaphore(%arg11 : memref<!tpu.dma_semaphore, #tpu.memory_space<semaphore_mem>>)
    }
    %scan3A_9 = arith.constant 64 : i32
    %dma_wait3A = arith.constant 0 : i32
    %dma_wait3A_10 = arith.constant 0 : i32
    %dma_wait3A_11 = tpu.memref_slice %arg4[%dma_wait3A, %dma_wait3A_10] : memref<1048576x128xf32, #tpu.memory_space<hbm>> -> memref<256x128xf32, #tpu.memory_space<hbm>>
    %dma_wait3A_12 = arith.constant 0 : i32
    %dma_wait3A_13 = arith.constant 0 : i32
    %dma_wait3A_14 = tpu.memref_slice %arg4[%dma_wait3A_12, %dma_wait3A_13] : memref<1048576x128xf32, #tpu.memory_space<hbm>> -> memref<256x128xf32, #tpu.memory_space<hbm>>
    tpu.wait_dma2 semaphore(%arg10 : memref<!tpu.dma_semaphore, #tpu.memory_space<semaphore_mem>>) src(%dma_wait3A_14 : memref<256x128xf32, #tpu.memory_space<hbm>>) dst(%arg7 : memref<256x128xf32, #tpu.memory_space<vmem>>)
    %dma_wait3A_15 = arith.constant 0 : i32
    %dma_wait3A_16 = arith.constant 0 : i32
    %dma_wait3A_17 = tpu.memref_slice %arg4[%dma_wait3A_15, %dma_wait3A_16] : memref<1048576x128xf32, #tpu.memory_space<hbm>> -> memref<256x128xf32, #tpu.memory_space<hbm>>
    %dma_wait3A_18 = arith.constant 0 : i32
    %dma_wait3A_19 = arith.constant 0 : i32
    %dma_wait3A_20 = tpu.memref_slice %arg4[%dma_wait3A_18, %dma_wait3A_19] : memref<1048576x128xf32, #tpu.memory_space<hbm>> -> memref<256x128xf32, #tpu.memory_space<hbm>>
    tpu.wait_dma2 semaphore(%arg11 : memref<!tpu.dma_semaphore, #tpu.memory_space<semaphore_mem>>) src(%dma_wait3A_20 : memref<256x128xf32, #tpu.memory_space<hbm>>) dst(%arg8 : memref<256x128xf32, #tpu.memory_space<vmem>>)
    return
  }
}

#map = affine_map<(d0, d1) -> (0, 0)>
module attributes {stable_mosaic.version = 14 : i64} {
  func.func @k(%arg0: i32, %arg1: i32, %arg2: memref<4104x128xf32, #tpu.memory_space<hbm>>, %arg3: memref<8192x128xi32, #tpu.memory_space<hbm>>, %arg4: memref<1048576x128xf32, #tpu.memory_space<hbm>>, %arg5: memref<2x128xi32, #tpu.memory_space<vmem>>, %arg6: memref<2x128xi32, #tpu.memory_space<vmem>>, %arg7: memref<256x128xf32, #tpu.memory_space<vmem>>, %arg8: memref<256x128xf32, #tpu.memory_space<vmem>>, %arg9: memref<!tpu.dma_semaphore, #tpu.memory_space<semaphore_mem>>, %arg10: memref<!tpu.dma_semaphore, #tpu.memory_space<semaphore_mem>>, %arg11: memref<!tpu.dma_semaphore, #tpu.memory_space<semaphore_mem>>) attributes {dimension_semantics = [#tpu.dimension_semantics<core_parallel>, #tpu.dimension_semantics<subcore_parallel>], iteration_bounds = array<i64: 2, 16>, scalar_prefetch = 0 : i64, scratch_operands = 7 : i64, tpu.core_type = #tpu.core_type<sc_vector_subcore>, window_params = [{transform_indices = #map}, {transform_indices = #map}, {transform_indices = #map}]} {
    %mul3A = arith.constant 2 : i32
    %mul3A_0 = arith.muli %arg1, %mul3A : i32
    %add3A = arith.addi %mul3A_0, %arg0 : i32
    %mul3A_1 = arith.constant 256 : i32
    %mul3A_2 = arith.muli %add3A, %mul3A_1 : i32
    %mul3A_3 = arith.constant 32768 : i32
    %mul3A_4 = arith.muli %add3A, %mul3A_3 : i32
    %scan3A = arith.constant 0 : i32
    %scan3A_5 = arith.constant 0 : i32
    %scan3A_6 = arith.constant 64 : i32
    %scan3A_7 = arith.addi %scan3A_5, %scan3A_6 : i32
    %scan3A_8 = arith.constant 1 : i32
    scf.for %scan3A_21 = %scan3A_5 to %scan3A_7 step %scan3A_8  : i32 {
      %mul3A_22 = arith.constant 2 : i32
      %mul3A_23 = arith.muli %scan3A_21, %mul3A_22 : i32
      %add3A_24 = arith.constant 0 : i32
      %add3A_25 = arith.addi %mul3A_23, %add3A_24 : i32
      %ge3A = arith.constant 2 : i32
      %ge3A_26 = arith.cmpi sge, %add3A_25, %ge3A : i32
      %convert_element_type3A = arith.extui %ge3A_26 : i1 to i32
      %cond3A = arith.constant 0 : i32
      %cond3A_27 = arith.cmpi ne, %convert_element_type3A, %cond3A : i32
      scf.if %cond3A_27 {
        %dma_wait3A_136 = arith.constant 0 : i32
        %dma_wait3A_137 = arith.constant 0 : i32
        %dma_wait3A_138 = tpu.memref_slice %arg4[%dma_wait3A_136, %dma_wait3A_137] : memref<1048576x128xf32, #tpu.memory_space<hbm>> -> memref<256x128xf32, #tpu.memory_space<hbm>>
        %dma_wait3A_139 = arith.constant 0 : i32
        %dma_wait3A_140 = arith.constant 0 : i32
        %dma_wait3A_141 = tpu.memref_slice %arg4[%dma_wait3A_139, %dma_wait3A_140] : memref<1048576x128xf32, #tpu.memory_space<hbm>> -> memref<256x128xf32, #tpu.memory_space<hbm>>
        tpu.wait_dma2 semaphore(%arg10 : memref<!tpu.dma_semaphore, #tpu.memory_space<semaphore_mem>>) src(%dma_wait3A_141 : memref<256x128xf32, #tpu.memory_space<hbm>>) dst(%arg7 : memref<256x128xf32, #tpu.memory_space<vmem>>)
      } else {
      }
      %mul3A_28 = arith.constant 2 : i32
      %mul3A_29 = arith.muli %add3A_25, %mul3A_28 : i32
      %add3A_30 = arith.addi %mul3A_2, %mul3A_29 : i32
      "tpu.region"() ({
        %run_scoped3A = tpu.sem_alloc : memref<!tpu.dma_semaphore, #tpu.memory_space<semaphore_mem>>
        %dma_start3A_136 = arith.constant 0 : i32
        %dma_start3A_137 = tpu.memref_slice %arg3[%add3A_30, %dma_start3A_136] : memref<8192x128xi32, #tpu.memory_space<hbm>> -> memref<2x128xi32, #tpu.memory_space<hbm>>
        %dma_start3A_138 = arith.constant 0 : i32
        %dma_start3A_139 = tpu.memref_slice %arg3[%add3A_30, %dma_start3A_138] : memref<8192x128xi32, #tpu.memory_space<hbm>> -> memref<2x128xi32, #tpu.memory_space<hbm>>
        tpu.enqueue_dma source(%dma_start3A_139 : memref<2x128xi32, #tpu.memory_space<hbm>>) target(%arg5 : memref<2x128xi32, #tpu.memory_space<vmem>>) target_semaphore(%run_scoped3A : memref<!tpu.dma_semaphore, #tpu.memory_space<semaphore_mem>>)
        %dma_wait3A_140 = arith.constant 0 : i32
        %dma_wait3A_141 = tpu.memref_slice %arg3[%add3A_30, %dma_wait3A_140] : memref<8192x128xi32, #tpu.memory_space<hbm>> -> memref<2x128xi32, #tpu.memory_space<hbm>>
        %dma_wait3A_142 = arith.constant 0 : i32
        %dma_wait3A_143 = tpu.memref_slice %arg3[%add3A_30, %dma_wait3A_142] : memref<8192x128xi32, #tpu.memory_space<hbm>> -> memref<2x128xi32, #tpu.memory_space<hbm>>
        tpu.wait_dma2 semaphore(%run_scoped3A : memref<!tpu.dma_semaphore, #tpu.memory_space<semaphore_mem>>) src(%dma_wait3A_143 : memref<2x128xi32, #tpu.memory_space<hbm>>) dst(%arg5 : memref<2x128xi32, #tpu.memory_space<vmem>>)
        tpu.yield
      }) : () -> ()
      %dma_start3A = arith.constant 0 : i32
      %dma_start3A_31 = arith.constant 0 : i32
      %dma_start3A_32 = arith.constant 0 : i32
      %dma_start3A_33 = tpu.memref_slice %arg7[%dma_start3A_31, %dma_start3A_32] : memref<256x128xf32, #tpu.memory_space<vmem>> -> memref<128x128xf32, #tpu.memory_space<vmem>>
      %dma_start3A_34 = arith.constant 0 : i32
      %dma_start3A_35 = tpu.memref_slice %arg5[%dma_start3A, %dma_start3A_34] : memref<2x128xi32, #tpu.memory_space<vmem>> -> memref<1x128xi32, #tpu.memory_space<vmem>>
      %dma_start3A_36 = tpu.memref_squeeze %dma_start3A_35 : memref<1x128xi32, #tpu.memory_space<vmem>> -> memref<128xi32, #tpu.memory_space<vmem>>
      %dma_start3A_37 = arith.constant 0 : i32
      %dma_start3A_38 = arith.constant 0 : i32
      %dma_start3A_39 = tpu.memref_slice %arg2[%dma_start3A_37, %dma_start3A_38] : memref<4104x128xf32, #tpu.memory_space<hbm>> -> memref<4104x128xf32, #tpu.memory_space<hbm>>
      tpu.enqueue_indirect_dma source(%dma_start3A_39 : memref<4104x128xf32, #tpu.memory_space<hbm>>) target(%dma_start3A_33 : memref<128x128xf32, #tpu.memory_space<vmem>>) offsets(%dma_start3A_36 : memref<128xi32, #tpu.memory_space<vmem>>) semaphore(%arg9 : memref<!tpu.dma_semaphore, #tpu.memory_space<semaphore_mem>>)
      %dma_start3A_40 = arith.constant 1 : i32
      %dma_start3A_41 = arith.constant 128 : i32
      %dma_start3A_42 = arith.constant 0 : i32
      %dma_start3A_43 = tpu.memref_slice %arg7[%dma_start3A_41, %dma_start3A_42] : memref<256x128xf32, #tpu.memory_space<vmem>> -> memref<128x128xf32, #tpu.memory_space<vmem>>
      %dma_start3A_44 = arith.constant 0 : i32
      %dma_start3A_45 = tpu.memref_slice %arg5[%dma_start3A_40, %dma_start3A_44] : memref<2x128xi32, #tpu.memory_space<vmem>> -> memref<1x128xi32, #tpu.memory_space<vmem>>
      %dma_start3A_46 = tpu.memref_squeeze %dma_start3A_45 : memref<1x128xi32, #tpu.memory_space<vmem>> -> memref<128xi32, #tpu.memory_space<vmem>>
      %dma_start3A_47 = arith.constant 0 : i32
      %dma_start3A_48 = arith.constant 0 : i32
      %dma_start3A_49 = tpu.memref_slice %arg2[%dma_start3A_47, %dma_start3A_48] : memref<4104x128xf32, #tpu.memory_space<hbm>> -> memref<4104x128xf32, #tpu.memory_space<hbm>>
      tpu.enqueue_indirect_dma source(%dma_start3A_49 : memref<4104x128xf32, #tpu.memory_space<hbm>>) target(%dma_start3A_43 : memref<128x128xf32, #tpu.memory_space<vmem>>) offsets(%dma_start3A_46 : memref<128xi32, #tpu.memory_space<vmem>>) semaphore(%arg9 : memref<!tpu.dma_semaphore, #tpu.memory_space<semaphore_mem>>)
      %dma_wait3A_50 = arith.constant 0 : i32
      %dma_wait3A_51 = arith.constant 0 : i32
      %dma_wait3A_52 = arith.constant 0 : i32
      %dma_wait3A_53 = tpu.memref_slice %arg7[%dma_wait3A_51, %dma_wait3A_52] : memref<256x128xf32, #tpu.memory_space<vmem>> -> memref<128x128xf32, #tpu.memory_space<vmem>>
      %dma_wait3A_54 = arith.constant 0 : i32
      %dma_wait3A_55 = tpu.memref_slice %arg5[%dma_wait3A_50, %dma_wait3A_54] : memref<2x128xi32, #tpu.memory_space<vmem>> -> memref<1x128xi32, #tpu.memory_space<vmem>>
      %dma_wait3A_56 = tpu.memref_squeeze %dma_wait3A_55 : memref<1x128xi32, #tpu.memory_space<vmem>> -> memref<128xi32, #tpu.memory_space<vmem>>
      %dma_wait3A_57 = arith.constant 0 : i32
      %dma_wait3A_58 = arith.constant 0 : i32
      %dma_wait3A_59 = tpu.memref_slice %arg2[%dma_wait3A_57, %dma_wait3A_58] : memref<4104x128xf32, #tpu.memory_space<hbm>> -> memref<4104x128xf32, #tpu.memory_space<hbm>>
      tpu.wait_indirect_dma semaphore(%arg9 : memref<!tpu.dma_semaphore, #tpu.memory_space<semaphore_mem>>) src(%dma_wait3A_59 : memref<4104x128xf32, #tpu.memory_space<hbm>>) dst(%dma_wait3A_53 : memref<128x128xf32, #tpu.memory_space<vmem>>)
      %dma_wait3A_60 = arith.constant 1 : i32
      %dma_wait3A_61 = arith.constant 128 : i32
      %dma_wait3A_62 = arith.constant 0 : i32
      %dma_wait3A_63 = tpu.memref_slice %arg7[%dma_wait3A_61, %dma_wait3A_62] : memref<256x128xf32, #tpu.memory_space<vmem>> -> memref<128x128xf32, #tpu.memory_space<vmem>>
      %dma_wait3A_64 = arith.constant 0 : i32
      %dma_wait3A_65 = tpu.memref_slice %arg5[%dma_wait3A_60, %dma_wait3A_64] : memref<2x128xi32, #tpu.memory_space<vmem>> -> memref<1x128xi32, #tpu.memory_space<vmem>>
      %dma_wait3A_66 = tpu.memref_squeeze %dma_wait3A_65 : memref<1x128xi32, #tpu.memory_space<vmem>> -> memref<128xi32, #tpu.memory_space<vmem>>
      %dma_wait3A_67 = arith.constant 0 : i32
      %dma_wait3A_68 = arith.constant 0 : i32
      %dma_wait3A_69 = tpu.memref_slice %arg2[%dma_wait3A_67, %dma_wait3A_68] : memref<4104x128xf32, #tpu.memory_space<hbm>> -> memref<4104x128xf32, #tpu.memory_space<hbm>>
      tpu.wait_indirect_dma semaphore(%arg9 : memref<!tpu.dma_semaphore, #tpu.memory_space<semaphore_mem>>) src(%dma_wait3A_69 : memref<4104x128xf32, #tpu.memory_space<hbm>>) dst(%dma_wait3A_63 : memref<128x128xf32, #tpu.memory_space<vmem>>)
      %mul3A_70 = arith.constant 256 : i32
      %mul3A_71 = arith.muli %add3A_25, %mul3A_70 : i32
      %add3A_72 = arith.addi %mul3A_4, %mul3A_71 : i32
      %dma_start3A_73 = arith.constant 0 : i32
      %dma_start3A_74 = tpu.memref_slice %arg4[%add3A_72, %dma_start3A_73] : memref<1048576x128xf32, #tpu.memory_space<hbm>> -> memref<256x128xf32, #tpu.memory_space<hbm>>
      %dma_start3A_75 = arith.constant 0 : i32
      %dma_start3A_76 = tpu.memref_slice %arg4[%add3A_72, %dma_start3A_75] : memref<1048576x128xf32, #tpu.memory_space<hbm>> -> memref<256x128xf32, #tpu.memory_space<hbm>>
      tpu.enqueue_dma source(%arg7 : memref<256x128xf32, #tpu.memory_space<vmem>>) target(%dma_start3A_76 : memref<256x128xf32, #tpu.memory_space<hbm>>) target_semaphore(%arg10 : memref<!tpu.dma_semaphore, #tpu.memory_space<semaphore_mem>>)
      %mul3A_77 = arith.constant 2 : i32
      %mul3A_78 = arith.muli %scan3A_21, %mul3A_77 : i32
      %add3A_79 = arith.constant 1 : i32
      %add3A_80 = arith.addi %mul3A_78, %add3A_79 : i32
      %ge3A_81 = arith.constant 2 : i32
      %ge3A_82 = arith.cmpi sge, %add3A_80, %ge3A_81 : i32
      %convert_element_type3A_83 = arith.extui %ge3A_82 : i1 to i32
      %cond3A_84 = arith.constant 0 : i32
      %cond3A_85 = arith.cmpi ne, %convert_element_type3A_83, %cond3A_84 : i32
      scf.if %cond3A_85 {
        %dma_wait3A_136 = arith.constant 0 : i32
        %dma_wait3A_137 = arith.constant 0 : i32
        %dma_wait3A_138 = tpu.memref_slice %arg4[%dma_wait3A_136, %dma_wait3A_137] : memref<1048576x128xf32, #tpu.memory_space<hbm>> -> memref<256x128xf32, #tpu.memory_space<hbm>>
        %dma_wait3A_139 = arith.constant 0 : i32
        %dma_wait3A_140 = arith.constant 0 : i32
        %dma_wait3A_141 = tpu.memref_slice %arg4[%dma_wait3A_139, %dma_wait3A_140] : memref<1048576x128xf32, #tpu.memory_space<hbm>> -> memref<256x128xf32, #tpu.memory_space<hbm>>
        tpu.wait_dma2 semaphore(%arg11 : memref<!tpu.dma_semaphore, #tpu.memory_space<semaphore_mem>>) src(%dma_wait3A_141 : memref<256x128xf32, #tpu.memory_space<hbm>>) dst(%arg8 : memref<256x128xf32, #tpu.memory_space<vmem>>)
      } else {
      }
      %mul3A_86 = arith.constant 2 : i32
      %mul3A_87 = arith.muli %add3A_80, %mul3A_86 : i32
      %add3A_88 = arith.addi %mul3A_2, %mul3A_87 : i32
      "tpu.region"() ({
        %run_scoped3A = tpu.sem_alloc : memref<!tpu.dma_semaphore, #tpu.memory_space<semaphore_mem>>
        %dma_start3A_136 = arith.constant 0 : i32
        %dma_start3A_137 = tpu.memref_slice %arg3[%add3A_88, %dma_start3A_136] : memref<8192x128xi32, #tpu.memory_space<hbm>> -> memref<2x128xi32, #tpu.memory_space<hbm>>
        %dma_start3A_138 = arith.constant 0 : i32
        %dma_start3A_139 = tpu.memref_slice %arg3[%add3A_88, %dma_start3A_138] : memref<8192x128xi32, #tpu.memory_space<hbm>> -> memref<2x128xi32, #tpu.memory_space<hbm>>
        tpu.enqueue_dma source(%dma_start3A_139 : memref<2x128xi32, #tpu.memory_space<hbm>>) target(%arg6 : memref<2x128xi32, #tpu.memory_space<vmem>>) target_semaphore(%run_scoped3A : memref<!tpu.dma_semaphore, #tpu.memory_space<semaphore_mem>>)
        %dma_wait3A_140 = arith.constant 0 : i32
        %dma_wait3A_141 = tpu.memref_slice %arg3[%add3A_88, %dma_wait3A_140] : memref<8192x128xi32, #tpu.memory_space<hbm>> -> memref<2x128xi32, #tpu.memory_space<hbm>>
        %dma_wait3A_142 = arith.constant 0 : i32
        %dma_wait3A_143 = tpu.memref_slice %arg3[%add3A_88, %dma_wait3A_142] : memref<8192x128xi32, #tpu.memory_space<hbm>> -> memref<2x128xi32, #tpu.memory_space<hbm>>
        tpu.wait_dma2 semaphore(%run_scoped3A : memref<!tpu.dma_semaphore, #tpu.memory_space<semaphore_mem>>) src(%dma_wait3A_143 : memref<2x128xi32, #tpu.memory_space<hbm>>) dst(%arg6 : memref<2x128xi32, #tpu.memory_space<vmem>>)
        tpu.yield
      }) : () -> ()
      %dma_start3A_89 = arith.constant 0 : i32
      %dma_start3A_90 = arith.constant 0 : i32
      %dma_start3A_91 = arith.constant 0 : i32
      %dma_start3A_92 = tpu.memref_slice %arg8[%dma_start3A_90, %dma_start3A_91] : memref<256x128xf32, #tpu.memory_space<vmem>> -> memref<128x128xf32, #tpu.memory_space<vmem>>
      %dma_start3A_93 = arith.constant 0 : i32
      %dma_start3A_94 = tpu.memref_slice %arg6[%dma_start3A_89, %dma_start3A_93] : memref<2x128xi32, #tpu.memory_space<vmem>> -> memref<1x128xi32, #tpu.memory_space<vmem>>
      %dma_start3A_95 = tpu.memref_squeeze %dma_start3A_94 : memref<1x128xi32, #tpu.memory_space<vmem>> -> memref<128xi32, #tpu.memory_space<vmem>>
      %dma_start3A_96 = arith.constant 0 : i32
      %dma_start3A_97 = arith.constant 0 : i32
      %dma_start3A_98 = tpu.memref_slice %arg2[%dma_start3A_96, %dma_start3A_97] : memref<4104x128xf32, #tpu.memory_space<hbm>> -> memref<4104x128xf32, #tpu.memory_space<hbm>>
      tpu.enqueue_indirect_dma source(%dma_start3A_98 : memref<4104x128xf32, #tpu.memory_space<hbm>>) target(%dma_start3A_92 : memref<128x128xf32, #tpu.memory_space<vmem>>) offsets(%dma_start3A_95 : memref<128xi32, #tpu.memory_space<vmem>>) semaphore(%arg9 : memref<!tpu.dma_semaphore, #tpu.memory_space<semaphore_mem>>)
      %dma_start3A_99 = arith.constant 1 : i32
      %dma_start3A_100 = arith.constant 128 : i32
      %dma_start3A_101 = arith.constant 0 : i32
      %dma_start3A_102 = tpu.memref_slice %arg8[%dma_start3A_100, %dma_start3A_101] : memref<256x128xf32, #tpu.memory_space<vmem>> -> memref<128x128xf32, #tpu.memory_space<vmem>>
      %dma_start3A_103 = arith.constant 0 : i32
      %dma_start3A_104 = tpu.memref_slice %arg6[%dma_start3A_99, %dma_start3A_103] : memref<2x128xi32, #tpu.memory_space<vmem>> -> memref<1x128xi32, #tpu.memory_space<vmem>>
      %dma_start3A_105 = tpu.memref_squeeze %dma_start3A_104 : memref<1x128xi32, #tpu.memory_space<vmem>> -> memref<128xi32, #tpu.memory_space<vmem>>
      %dma_start3A_106 = arith.constant 0 : i32
      %dma_start3A_107 = arith.constant 0 : i32
      %dma_start3A_108 = tpu.memref_slice %arg2[%dma_start3A_106, %dma_start3A_107] : memref<4104x128xf32, #tpu.memory_space<hbm>> -> memref<4104x128xf32, #tpu.memory_space<hbm>>
      tpu.enqueue_indirect_dma source(%dma_start3A_108 : memref<4104x128xf32, #tpu.memory_space<hbm>>) target(%dma_start3A_102 : memref<128x128xf32, #tpu.memory_space<vmem>>) offsets(%dma_start3A_105 : memref<128xi32, #tpu.memory_space<vmem>>) semaphore(%arg9 : memref<!tpu.dma_semaphore, #tpu.memory_space<semaphore_mem>>)
      %dma_wait3A_109 = arith.constant 0 : i32
      %dma_wait3A_110 = arith.constant 0 : i32
      %dma_wait3A_111 = arith.constant 0 : i32
      %dma_wait3A_112 = tpu.memref_slice %arg8[%dma_wait3A_110, %dma_wait3A_111] : memref<256x128xf32, #tpu.memory_space<vmem>> -> memref<128x128xf32, #tpu.memory_space<vmem>>
      %dma_wait3A_113 = arith.constant 0 : i32
      %dma_wait3A_114 = tpu.memref_slice %arg6[%dma_wait3A_109, %dma_wait3A_113] : memref<2x128xi32, #tpu.memory_space<vmem>> -> memref<1x128xi32, #tpu.memory_space<vmem>>
      %dma_wait3A_115 = tpu.memref_squeeze %dma_wait3A_114 : memref<1x128xi32, #tpu.memory_space<vmem>> -> memref<128xi32, #tpu.memory_space<vmem>>
      %dma_wait3A_116 = arith.constant 0 : i32
      %dma_wait3A_117 = arith.constant 0 : i32
      %dma_wait3A_118 = tpu.memref_slice %arg2[%dma_wait3A_116, %dma_wait3A_117] : memref<4104x128xf32, #tpu.memory_space<hbm>> -> memref<4104x128xf32, #tpu.memory_space<hbm>>
      tpu.wait_indirect_dma semaphore(%arg9 : memref<!tpu.dma_semaphore, #tpu.memory_space<semaphore_mem>>) src(%dma_wait3A_118 : memref<4104x128xf32, #tpu.memory_space<hbm>>) dst(%dma_wait3A_112 : memref<128x128xf32, #tpu.memory_space<vmem>>)
      %dma_wait3A_119 = arith.constant 1 : i32
      %dma_wait3A_120 = arith.constant 128 : i32
      %dma_wait3A_121 = arith.constant 0 : i32
      %dma_wait3A_122 = tpu.memref_slice %arg8[%dma_wait3A_120, %dma_wait3A_121] : memref<256x128xf32, #tpu.memory_space<vmem>> -> memref<128x128xf32, #tpu.memory_space<vmem>>
      %dma_wait3A_123 = arith.constant 0 : i32
      %dma_wait3A_124 = tpu.memref_slice %arg6[%dma_wait3A_119, %dma_wait3A_123] : memref<2x128xi32, #tpu.memory_space<vmem>> -> memref<1x128xi32, #tpu.memory_space<vmem>>
      %dma_wait3A_125 = tpu.memref_squeeze %dma_wait3A_124 : memref<1x128xi32, #tpu.memory_space<vmem>> -> memref<128xi32, #tpu.memory_space<vmem>>
      %dma_wait3A_126 = arith.constant 0 : i32
      %dma_wait3A_127 = arith.constant 0 : i32
      %dma_wait3A_128 = tpu.memref_slice %arg2[%dma_wait3A_126, %dma_wait3A_127] : memref<4104x128xf32, #tpu.memory_space<hbm>> -> memref<4104x128xf32, #tpu.memory_space<hbm>>
      tpu.wait_indirect_dma semaphore(%arg9 : memref<!tpu.dma_semaphore, #tpu.memory_space<semaphore_mem>>) src(%dma_wait3A_128 : memref<4104x128xf32, #tpu.memory_space<hbm>>) dst(%dma_wait3A_122 : memref<128x128xf32, #tpu.memory_space<vmem>>)
      %mul3A_129 = arith.constant 256 : i32
      %mul3A_130 = arith.muli %add3A_80, %mul3A_129 : i32
      %add3A_131 = arith.addi %mul3A_4, %mul3A_130 : i32
      %dma_start3A_132 = arith.constant 0 : i32
      %dma_start3A_133 = tpu.memref_slice %arg4[%add3A_131, %dma_start3A_132] : memref<1048576x128xf32, #tpu.memory_space<hbm>> -> memref<256x128xf32, #tpu.memory_space<hbm>>
      %dma_start3A_134 = arith.constant 0 : i32
      %dma_start3A_135 = tpu.memref_slice %arg4[%add3A_131, %dma_start3A_134] : memref<1048576x128xf32, #tpu.memory_space<hbm>> -> memref<256x128xf32, #tpu.memory_space<hbm>>
      tpu.enqueue_dma source(%arg8 : memref<256x128xf32, #tpu.memory_space<vmem>>) target(%dma_start3A_135 : memref<256x128xf32, #tpu.memory_space<hbm>>) target_semaphore(%arg11 : memref<!tpu.dma_semaphore, #tpu.memory_space<semaphore_mem>>)
    }
    %scan3A_9 = arith.constant 64 : i32
    %dma_wait3A = arith.constant 0 : i32
    %dma_wait3A_10 = arith.constant 0 : i32
    %dma_wait3A_11 = tpu.memref_slice %arg4[%dma_wait3A, %dma_wait3A_10] : memref<1048576x128xf32, #tpu.memory_space<hbm>> -> memref<256x128xf32, #tpu.memory_space<hbm>>
    %dma_wait3A_12 = arith.constant 0 : i32
    %dma_wait3A_13 = arith.constant 0 : i32
    %dma_wait3A_14 = tpu.memref_slice %arg4[%dma_wait3A_12, %dma_wait3A_13] : memref<1048576x128xf32, #tpu.memory_space<hbm>> -> memref<256x128xf32, #tpu.memory_space<hbm>>
    tpu.wait_dma2 semaphore(%arg10 : memref<!tpu.dma_semaphore, #tpu.memory_space<semaphore_mem>>) src(%dma_wait3A_14 : memref<256x128xf32, #tpu.memory_space<hbm>>) dst(%arg7 : memref<256x128xf32, #tpu.memory_space<vmem>>)
    %dma_wait3A_15 = arith.constant 0 : i32
    %dma_wait3A_16 = arith.constant 0 : i32
    %dma_wait3A_17 = tpu.memref_slice %arg4[%dma_wait3A_15, %dma_wait3A_16] : memref<1048576x128xf32, #tpu.memory_space<hbm>> -> memref<256x128xf32, #tpu.memory_space<hbm>>
    %dma_wait3A_18 = arith.constant 0 : i32
    %dma_wait3A_19 = arith.constant 0 : i32
    %dma_wait3A_20 = tpu.memref_slice %arg4[%dma_wait3A_18, %dma_wait3A_19] : memref<1048576x128xf32, #tpu.memory_space<hbm>> -> memref<256x128xf32, #tpu.memory_space<hbm>>
    tpu.wait_dma2 semaphore(%arg11 : memref<!tpu.dma_semaphore, #tpu.memory_space<semaphore_mem>>) src(%dma_wait3A_20 : memref<256x128xf32, #tpu.memory_space<hbm>>) dst(%arg8 : memref<256x128xf32, #tpu.memory_space<vmem>>)
    return
  }
}

#map = affine_map<(d0, d1) -> (0, 0)>
module attributes {stable_mosaic.version = 14 : i64} {
  func.func @k(%arg0: i32, %arg1: i32, %arg2: memref<4104x128xf32, #tpu.memory_space<hbm>>, %arg3: memref<8192x128xi32, #tpu.memory_space<hbm>>, %arg4: memref<1048576x128xf32, #tpu.memory_space<hbm>>, %arg5: memref<2x128xi32, #tpu.memory_space<vmem>>, %arg6: memref<2x128xi32, #tpu.memory_space<vmem>>, %arg7: memref<256x128xf32, #tpu.memory_space<vmem>>, %arg8: memref<256x128xf32, #tpu.memory_space<vmem>>, %arg9: memref<!tpu.dma_semaphore, #tpu.memory_space<semaphore_mem>>, %arg10: memref<!tpu.dma_semaphore, #tpu.memory_space<semaphore_mem>>, %arg11: memref<!tpu.dma_semaphore, #tpu.memory_space<semaphore_mem>>) attributes {dimension_semantics = [#tpu.dimension_semantics<core_parallel>, #tpu.dimension_semantics<subcore_parallel>], iteration_bounds = array<i64: 2, 16>, scalar_prefetch = 0 : i64, scratch_operands = 7 : i64, tpu.core_type = #tpu.core_type<sc_vector_subcore>, window_params = [{transform_indices = #map}, {transform_indices = #map}, {transform_indices = #map}]} {
    %mul3A = arith.constant 2 : i32
    %mul3A_0 = arith.muli %arg1, %mul3A : i32
    %add3A = arith.addi %mul3A_0, %arg0 : i32
    %mul3A_1 = arith.constant 256 : i32
    %mul3A_2 = arith.muli %add3A, %mul3A_1 : i32
    %mul3A_3 = arith.constant 32768 : i32
    %mul3A_4 = arith.muli %add3A, %mul3A_3 : i32
    %scan3A = arith.constant 0 : i32
    %scan3A_5 = arith.constant 0 : i32
    %scan3A_6 = arith.constant 64 : i32
    %scan3A_7 = arith.addi %scan3A_5, %scan3A_6 : i32
    %scan3A_8 = arith.constant 1 : i32
    scf.for %scan3A_21 = %scan3A_5 to %scan3A_7 step %scan3A_8  : i32 {
      %mul3A_22 = arith.constant 2 : i32
      %mul3A_23 = arith.muli %scan3A_21, %mul3A_22 : i32
      %add3A_24 = arith.constant 0 : i32
      %add3A_25 = arith.addi %mul3A_23, %add3A_24 : i32
      %ge3A = arith.constant 2 : i32
      %ge3A_26 = arith.cmpi sge, %add3A_25, %ge3A : i32
      %convert_element_type3A = arith.extui %ge3A_26 : i1 to i32
      %cond3A = arith.constant 0 : i32
      %cond3A_27 = arith.cmpi ne, %convert_element_type3A, %cond3A : i32
      scf.if %cond3A_27 {
        %dma_wait3A_136 = arith.constant 0 : i32
        %dma_wait3A_137 = arith.constant 0 : i32
        %dma_wait3A_138 = tpu.memref_slice %arg4[%dma_wait3A_136, %dma_wait3A_137] : memref<1048576x128xf32, #tpu.memory_space<hbm>> -> memref<256x128xf32, #tpu.memory_space<hbm>>
        %dma_wait3A_139 = arith.constant 0 : i32
        %dma_wait3A_140 = arith.constant 0 : i32
        %dma_wait3A_141 = tpu.memref_slice %arg4[%dma_wait3A_139, %dma_wait3A_140] : memref<1048576x128xf32, #tpu.memory_space<hbm>> -> memref<256x128xf32, #tpu.memory_space<hbm>>
        tpu.wait_dma2 semaphore(%arg10 : memref<!tpu.dma_semaphore, #tpu.memory_space<semaphore_mem>>) src(%dma_wait3A_141 : memref<256x128xf32, #tpu.memory_space<hbm>>) dst(%arg7 : memref<256x128xf32, #tpu.memory_space<vmem>>)
      } else {
      }
      %mul3A_28 = arith.constant 2 : i32
      %mul3A_29 = arith.muli %add3A_25, %mul3A_28 : i32
      %add3A_30 = arith.addi %mul3A_2, %mul3A_29 : i32
      "tpu.region"() ({
        %run_scoped3A = tpu.sem_alloc : memref<!tpu.dma_semaphore, #tpu.memory_space<semaphore_mem>>
        %dma_start3A_136 = arith.constant 0 : i32
        %dma_start3A_137 = tpu.memref_slice %arg3[%add3A_30, %dma_start3A_136] : memref<8192x128xi32, #tpu.memory_space<hbm>> -> memref<2x128xi32, #tpu.memory_space<hbm>>
        %dma_start3A_138 = arith.constant 0 : i32
        %dma_start3A_139 = tpu.memref_slice %arg3[%add3A_30, %dma_start3A_138] : memref<8192x128xi32, #tpu.memory_space<hbm>> -> memref<2x128xi32, #tpu.memory_space<hbm>>
        tpu.enqueue_dma source(%dma_start3A_139 : memref<2x128xi32, #tpu.memory_space<hbm>>) target(%arg5 : memref<2x128xi32, #tpu.memory_space<vmem>>) target_semaphore(%run_scoped3A : memref<!tpu.dma_semaphore, #tpu.memory_space<semaphore_mem>>)
        %dma_wait3A_140 = arith.constant 0 : i32
        %dma_wait3A_141 = tpu.memref_slice %arg3[%add3A_30, %dma_wait3A_140] : memref<8192x128xi32, #tpu.memory_space<hbm>> -> memref<2x128xi32, #tpu.memory_space<hbm>>
        %dma_wait3A_142 = arith.constant 0 : i32
        %dma_wait3A_143 = tpu.memref_slice %arg3[%add3A_30, %dma_wait3A_142] : memref<8192x128xi32, #tpu.memory_space<hbm>> -> memref<2x128xi32, #tpu.memory_space<hbm>>
        tpu.wait_dma2 semaphore(%run_scoped3A : memref<!tpu.dma_semaphore, #tpu.memory_space<semaphore_mem>>) src(%dma_wait3A_143 : memref<2x128xi32, #tpu.memory_space<hbm>>) dst(%arg5 : memref<2x128xi32, #tpu.memory_space<vmem>>)
        tpu.yield
      }) : () -> ()
      %dma_start3A = arith.constant 0 : i32
      %dma_start3A_31 = arith.constant 0 : i32
      %dma_start3A_32 = arith.constant 0 : i32
      %dma_start3A_33 = tpu.memref_slice %arg7[%dma_start3A_31, %dma_start3A_32] : memref<256x128xf32, #tpu.memory_space<vmem>> -> memref<128x128xf32, #tpu.memory_space<vmem>>
      %dma_start3A_34 = arith.constant 0 : i32
      %dma_start3A_35 = tpu.memref_slice %arg5[%dma_start3A, %dma_start3A_34] : memref<2x128xi32, #tpu.memory_space<vmem>> -> memref<1x128xi32, #tpu.memory_space<vmem>>
      %dma_start3A_36 = tpu.memref_squeeze %dma_start3A_35 : memref<1x128xi32, #tpu.memory_space<vmem>> -> memref<128xi32, #tpu.memory_space<vmem>>
      %dma_start3A_37 = arith.constant 0 : i32
      %dma_start3A_38 = arith.constant 0 : i32
      %dma_start3A_39 = tpu.memref_slice %arg2[%dma_start3A_37, %dma_start3A_38] : memref<4104x128xf32, #tpu.memory_space<hbm>> -> memref<4104x128xf32, #tpu.memory_space<hbm>>
      tpu.enqueue_indirect_dma source(%dma_start3A_39 : memref<4104x128xf32, #tpu.memory_space<hbm>>) target(%dma_start3A_33 : memref<128x128xf32, #tpu.memory_space<vmem>>) offsets(%dma_start3A_36 : memref<128xi32, #tpu.memory_space<vmem>>) semaphore(%arg9 : memref<!tpu.dma_semaphore, #tpu.memory_space<semaphore_mem>>)
      %dma_start3A_40 = arith.constant 1 : i32
      %dma_start3A_41 = arith.constant 128 : i32
      %dma_start3A_42 = arith.constant 0 : i32
      %dma_start3A_43 = tpu.memref_slice %arg7[%dma_start3A_41, %dma_start3A_42] : memref<256x128xf32, #tpu.memory_space<vmem>> -> memref<128x128xf32, #tpu.memory_space<vmem>>
      %dma_start3A_44 = arith.constant 0 : i32
      %dma_start3A_45 = tpu.memref_slice %arg5[%dma_start3A_40, %dma_start3A_44] : memref<2x128xi32, #tpu.memory_space<vmem>> -> memref<1x128xi32, #tpu.memory_space<vmem>>
      %dma_start3A_46 = tpu.memref_squeeze %dma_start3A_45 : memref<1x128xi32, #tpu.memory_space<vmem>> -> memref<128xi32, #tpu.memory_space<vmem>>
      %dma_start3A_47 = arith.constant 0 : i32
      %dma_start3A_48 = arith.constant 0 : i32
      %dma_start3A_49 = tpu.memref_slice %arg2[%dma_start3A_47, %dma_start3A_48] : memref<4104x128xf32, #tpu.memory_space<hbm>> -> memref<4104x128xf32, #tpu.memory_space<hbm>>
      tpu.enqueue_indirect_dma source(%dma_start3A_49 : memref<4104x128xf32, #tpu.memory_space<hbm>>) target(%dma_start3A_43 : memref<128x128xf32, #tpu.memory_space<vmem>>) offsets(%dma_start3A_46 : memref<128xi32, #tpu.memory_space<vmem>>) semaphore(%arg9 : memref<!tpu.dma_semaphore, #tpu.memory_space<semaphore_mem>>)
      %dma_wait3A_50 = arith.constant 0 : i32
      %dma_wait3A_51 = arith.constant 0 : i32
      %dma_wait3A_52 = arith.constant 0 : i32
      %dma_wait3A_53 = tpu.memref_slice %arg7[%dma_wait3A_51, %dma_wait3A_52] : memref<256x128xf32, #tpu.memory_space<vmem>> -> memref<128x128xf32, #tpu.memory_space<vmem>>
      %dma_wait3A_54 = arith.constant 0 : i32
      %dma_wait3A_55 = tpu.memref_slice %arg5[%dma_wait3A_50, %dma_wait3A_54] : memref<2x128xi32, #tpu.memory_space<vmem>> -> memref<1x128xi32, #tpu.memory_space<vmem>>
      %dma_wait3A_56 = tpu.memref_squeeze %dma_wait3A_55 : memref<1x128xi32, #tpu.memory_space<vmem>> -> memref<128xi32, #tpu.memory_space<vmem>>
      %dma_wait3A_57 = arith.constant 0 : i32
      %dma_wait3A_58 = arith.constant 0 : i32
      %dma_wait3A_59 = tpu.memref_slice %arg2[%dma_wait3A_57, %dma_wait3A_58] : memref<4104x128xf32, #tpu.memory_space<hbm>> -> memref<4104x128xf32, #tpu.memory_space<hbm>>
      tpu.wait_indirect_dma semaphore(%arg9 : memref<!tpu.dma_semaphore, #tpu.memory_space<semaphore_mem>>) src(%dma_wait3A_59 : memref<4104x128xf32, #tpu.memory_space<hbm>>) dst(%dma_wait3A_53 : memref<128x128xf32, #tpu.memory_space<vmem>>)
      %dma_wait3A_60 = arith.constant 1 : i32
      %dma_wait3A_61 = arith.constant 128 : i32
      %dma_wait3A_62 = arith.constant 0 : i32
      %dma_wait3A_63 = tpu.memref_slice %arg7[%dma_wait3A_61, %dma_wait3A_62] : memref<256x128xf32, #tpu.memory_space<vmem>> -> memref<128x128xf32, #tpu.memory_space<vmem>>
      %dma_wait3A_64 = arith.constant 0 : i32
      %dma_wait3A_65 = tpu.memref_slice %arg5[%dma_wait3A_60, %dma_wait3A_64] : memref<2x128xi32, #tpu.memory_space<vmem>> -> memref<1x128xi32, #tpu.memory_space<vmem>>
      %dma_wait3A_66 = tpu.memref_squeeze %dma_wait3A_65 : memref<1x128xi32, #tpu.memory_space<vmem>> -> memref<128xi32, #tpu.memory_space<vmem>>
      %dma_wait3A_67 = arith.constant 0 : i32
      %dma_wait3A_68 = arith.constant 0 : i32
      %dma_wait3A_69 = tpu.memref_slice %arg2[%dma_wait3A_67, %dma_wait3A_68] : memref<4104x128xf32, #tpu.memory_space<hbm>> -> memref<4104x128xf32, #tpu.memory_space<hbm>>
      tpu.wait_indirect_dma semaphore(%arg9 : memref<!tpu.dma_semaphore, #tpu.memory_space<semaphore_mem>>) src(%dma_wait3A_69 : memref<4104x128xf32, #tpu.memory_space<hbm>>) dst(%dma_wait3A_63 : memref<128x128xf32, #tpu.memory_space<vmem>>)
      %mul3A_70 = arith.constant 256 : i32
      %mul3A_71 = arith.muli %add3A_25, %mul3A_70 : i32
      %add3A_72 = arith.addi %mul3A_4, %mul3A_71 : i32
      %dma_start3A_73 = arith.constant 0 : i32
      %dma_start3A_74 = tpu.memref_slice %arg4[%add3A_72, %dma_start3A_73] : memref<1048576x128xf32, #tpu.memory_space<hbm>> -> memref<256x128xf32, #tpu.memory_space<hbm>>
      %dma_start3A_75 = arith.constant 0 : i32
      %dma_start3A_76 = tpu.memref_slice %arg4[%add3A_72, %dma_start3A_75] : memref<1048576x128xf32, #tpu.memory_space<hbm>> -> memref<256x128xf32, #tpu.memory_space<hbm>>
      tpu.enqueue_dma source(%arg7 : memref<256x128xf32, #tpu.memory_space<vmem>>) target(%dma_start3A_76 : memref<256x128xf32, #tpu.memory_space<hbm>>) target_semaphore(%arg10 : memref<!tpu.dma_semaphore, #tpu.memory_space<semaphore_mem>>)
      %mul3A_77 = arith.constant 2 : i32
      %mul3A_78 = arith.muli %scan3A_21, %mul3A_77 : i32
      %add3A_79 = arith.constant 1 : i32
      %add3A_80 = arith.addi %mul3A_78, %add3A_79 : i32
      %ge3A_81 = arith.constant 2 : i32
      %ge3A_82 = arith.cmpi sge, %add3A_80, %ge3A_81 : i32
      %convert_element_type3A_83 = arith.extui %ge3A_82 : i1 to i32
      %cond3A_84 = arith.constant 0 : i32
      %cond3A_85 = arith.cmpi ne, %convert_element_type3A_83, %cond3A_84 : i32
      scf.if %cond3A_85 {
        %dma_wait3A_136 = arith.constant 0 : i32
        %dma_wait3A_137 = arith.constant 0 : i32
        %dma_wait3A_138 = tpu.memref_slice %arg4[%dma_wait3A_136, %dma_wait3A_137] : memref<1048576x128xf32, #tpu.memory_space<hbm>> -> memref<256x128xf32, #tpu.memory_space<hbm>>
        %dma_wait3A_139 = arith.constant 0 : i32
        %dma_wait3A_140 = arith.constant 0 : i32
        %dma_wait3A_141 = tpu.memref_slice %arg4[%dma_wait3A_139, %dma_wait3A_140] : memref<1048576x128xf32, #tpu.memory_space<hbm>> -> memref<256x128xf32, #tpu.memory_space<hbm>>
        tpu.wait_dma2 semaphore(%arg11 : memref<!tpu.dma_semaphore, #tpu.memory_space<semaphore_mem>>) src(%dma_wait3A_141 : memref<256x128xf32, #tpu.memory_space<hbm>>) dst(%arg8 : memref<256x128xf32, #tpu.memory_space<vmem>>)
      } else {
      }
      %mul3A_86 = arith.constant 2 : i32
      %mul3A_87 = arith.muli %add3A_80, %mul3A_86 : i32
      %add3A_88 = arith.addi %mul3A_2, %mul3A_87 : i32
      "tpu.region"() ({
        %run_scoped3A = tpu.sem_alloc : memref<!tpu.dma_semaphore, #tpu.memory_space<semaphore_mem>>
        %dma_start3A_136 = arith.constant 0 : i32
        %dma_start3A_137 = tpu.memref_slice %arg3[%add3A_88, %dma_start3A_136] : memref<8192x128xi32, #tpu.memory_space<hbm>> -> memref<2x128xi32, #tpu.memory_space<hbm>>
        %dma_start3A_138 = arith.constant 0 : i32
        %dma_start3A_139 = tpu.memref_slice %arg3[%add3A_88, %dma_start3A_138] : memref<8192x128xi32, #tpu.memory_space<hbm>> -> memref<2x128xi32, #tpu.memory_space<hbm>>
        tpu.enqueue_dma source(%dma_start3A_139 : memref<2x128xi32, #tpu.memory_space<hbm>>) target(%arg6 : memref<2x128xi32, #tpu.memory_space<vmem>>) target_semaphore(%run_scoped3A : memref<!tpu.dma_semaphore, #tpu.memory_space<semaphore_mem>>)
        %dma_wait3A_140 = arith.constant 0 : i32
        %dma_wait3A_141 = tpu.memref_slice %arg3[%add3A_88, %dma_wait3A_140] : memref<8192x128xi32, #tpu.memory_space<hbm>> -> memref<2x128xi32, #tpu.memory_space<hbm>>
        %dma_wait3A_142 = arith.constant 0 : i32
        %dma_wait3A_143 = tpu.memref_slice %arg3[%add3A_88, %dma_wait3A_142] : memref<8192x128xi32, #tpu.memory_space<hbm>> -> memref<2x128xi32, #tpu.memory_space<hbm>>
        tpu.wait_dma2 semaphore(%run_scoped3A : memref<!tpu.dma_semaphore, #tpu.memory_space<semaphore_mem>>) src(%dma_wait3A_143 : memref<2x128xi32, #tpu.memory_space<hbm>>) dst(%arg6 : memref<2x128xi32, #tpu.memory_space<vmem>>)
        tpu.yield
      }) : () -> ()
      %dma_start3A_89 = arith.constant 0 : i32
      %dma_start3A_90 = arith.constant 0 : i32
      %dma_start3A_91 = arith.constant 0 : i32
      %dma_start3A_92 = tpu.memref_slice %arg8[%dma_start3A_90, %dma_start3A_91] : memref<256x128xf32, #tpu.memory_space<vmem>> -> memref<128x128xf32, #tpu.memory_space<vmem>>
      %dma_start3A_93 = arith.constant 0 : i32
      %dma_start3A_94 = tpu.memref_slice %arg6[%dma_start3A_89, %dma_start3A_93] : memref<2x128xi32, #tpu.memory_space<vmem>> -> memref<1x128xi32, #tpu.memory_space<vmem>>
      %dma_start3A_95 = tpu.memref_squeeze %dma_start3A_94 : memref<1x128xi32, #tpu.memory_space<vmem>> -> memref<128xi32, #tpu.memory_space<vmem>>
      %dma_start3A_96 = arith.constant 0 : i32
      %dma_start3A_97 = arith.constant 0 : i32
      %dma_start3A_98 = tpu.memref_slice %arg2[%dma_start3A_96, %dma_start3A_97] : memref<4104x128xf32, #tpu.memory_space<hbm>> -> memref<4104x128xf32, #tpu.memory_space<hbm>>
      tpu.enqueue_indirect_dma source(%dma_start3A_98 : memref<4104x128xf32, #tpu.memory_space<hbm>>) target(%dma_start3A_92 : memref<128x128xf32, #tpu.memory_space<vmem>>) offsets(%dma_start3A_95 : memref<128xi32, #tpu.memory_space<vmem>>) semaphore(%arg9 : memref<!tpu.dma_semaphore, #tpu.memory_space<semaphore_mem>>)
      %dma_start3A_99 = arith.constant 1 : i32
      %dma_start3A_100 = arith.constant 128 : i32
      %dma_start3A_101 = arith.constant 0 : i32
      %dma_start3A_102 = tpu.memref_slice %arg8[%dma_start3A_100, %dma_start3A_101] : memref<256x128xf32, #tpu.memory_space<vmem>> -> memref<128x128xf32, #tpu.memory_space<vmem>>
      %dma_start3A_103 = arith.constant 0 : i32
      %dma_start3A_104 = tpu.memref_slice %arg6[%dma_start3A_99, %dma_start3A_103] : memref<2x128xi32, #tpu.memory_space<vmem>> -> memref<1x128xi32, #tpu.memory_space<vmem>>
      %dma_start3A_105 = tpu.memref_squeeze %dma_start3A_104 : memref<1x128xi32, #tpu.memory_space<vmem>> -> memref<128xi32, #tpu.memory_space<vmem>>
      %dma_start3A_106 = arith.constant 0 : i32
      %dma_start3A_107 = arith.constant 0 : i32
      %dma_start3A_108 = tpu.memref_slice %arg2[%dma_start3A_106, %dma_start3A_107] : memref<4104x128xf32, #tpu.memory_space<hbm>> -> memref<4104x128xf32, #tpu.memory_space<hbm>>
      tpu.enqueue_indirect_dma source(%dma_start3A_108 : memref<4104x128xf32, #tpu.memory_space<hbm>>) target(%dma_start3A_102 : memref<128x128xf32, #tpu.memory_space<vmem>>) offsets(%dma_start3A_105 : memref<128xi32, #tpu.memory_space<vmem>>) semaphore(%arg9 : memref<!tpu.dma_semaphore, #tpu.memory_space<semaphore_mem>>)
      %dma_wait3A_109 = arith.constant 0 : i32
      %dma_wait3A_110 = arith.constant 0 : i32
      %dma_wait3A_111 = arith.constant 0 : i32
      %dma_wait3A_112 = tpu.memref_slice %arg8[%dma_wait3A_110, %dma_wait3A_111] : memref<256x128xf32, #tpu.memory_space<vmem>> -> memref<128x128xf32, #tpu.memory_space<vmem>>
      %dma_wait3A_113 = arith.constant 0 : i32
      %dma_wait3A_114 = tpu.memref_slice %arg6[%dma_wait3A_109, %dma_wait3A_113] : memref<2x128xi32, #tpu.memory_space<vmem>> -> memref<1x128xi32, #tpu.memory_space<vmem>>
      %dma_wait3A_115 = tpu.memref_squeeze %dma_wait3A_114 : memref<1x128xi32, #tpu.memory_space<vmem>> -> memref<128xi32, #tpu.memory_space<vmem>>
      %dma_wait3A_116 = arith.constant 0 : i32
      %dma_wait3A_117 = arith.constant 0 : i32
      %dma_wait3A_118 = tpu.memref_slice %arg2[%dma_wait3A_116, %dma_wait3A_117] : memref<4104x128xf32, #tpu.memory_space<hbm>> -> memref<4104x128xf32, #tpu.memory_space<hbm>>
      tpu.wait_indirect_dma semaphore(%arg9 : memref<!tpu.dma_semaphore, #tpu.memory_space<semaphore_mem>>) src(%dma_wait3A_118 : memref<4104x128xf32, #tpu.memory_space<hbm>>) dst(%dma_wait3A_112 : memref<128x128xf32, #tpu.memory_space<vmem>>)
      %dma_wait3A_119 = arith.constant 1 : i32
      %dma_wait3A_120 = arith.constant 128 : i32
      %dma_wait3A_121 = arith.constant 0 : i32
      %dma_wait3A_122 = tpu.memref_slice %arg8[%dma_wait3A_120, %dma_wait3A_121] : memref<256x128xf32, #tpu.memory_space<vmem>> -> memref<128x128xf32, #tpu.memory_space<vmem>>
      %dma_wait3A_123 = arith.constant 0 : i32
      %dma_wait3A_124 = tpu.memref_slice %arg6[%dma_wait3A_119, %dma_wait3A_123] : memref<2x128xi32, #tpu.memory_space<vmem>> -> memref<1x128xi32, #tpu.memory_space<vmem>>
      %dma_wait3A_125 = tpu.memref_squeeze %dma_wait3A_124 : memref<1x128xi32, #tpu.memory_space<vmem>> -> memref<128xi32, #tpu.memory_space<vmem>>
      %dma_wait3A_126 = arith.constant 0 : i32
      %dma_wait3A_127 = arith.constant 0 : i32
      %dma_wait3A_128 = tpu.memref_slice %arg2[%dma_wait3A_126, %dma_wait3A_127] : memref<4104x128xf32, #tpu.memory_space<hbm>> -> memref<4104x128xf32, #tpu.memory_space<hbm>>
      tpu.wait_indirect_dma semaphore(%arg9 : memref<!tpu.dma_semaphore, #tpu.memory_space<semaphore_mem>>) src(%dma_wait3A_128 : memref<4104x128xf32, #tpu.memory_space<hbm>>) dst(%dma_wait3A_122 : memref<128x128xf32, #tpu.memory_space<vmem>>)
      %mul3A_129 = arith.constant 256 : i32
      %mul3A_130 = arith.muli %add3A_80, %mul3A_129 : i32
      %add3A_131 = arith.addi %mul3A_4, %mul3A_130 : i32
      %dma_start3A_132 = arith.constant 0 : i32
      %dma_start3A_133 = tpu.memref_slice %arg4[%add3A_131, %dma_start3A_132] : memref<1048576x128xf32, #tpu.memory_space<hbm>> -> memref<256x128xf32, #tpu.memory_space<hbm>>
      %dma_start3A_134 = arith.constant 0 : i32
      %dma_start3A_135 = tpu.memref_slice %arg4[%add3A_131, %dma_start3A_134] : memref<1048576x128xf32, #tpu.memory_space<hbm>> -> memref<256x128xf32, #tpu.memory_space<hbm>>
      tpu.enqueue_dma source(%arg8 : memref<256x128xf32, #tpu.memory_space<vmem>>) target(%dma_start3A_135 : memref<256x128xf32, #tpu.memory_space<hbm>>) target_semaphore(%arg11 : memref<!tpu.dma_semaphore, #tpu.memory_space<semaphore_mem>>)
    }
    %scan3A_9 = arith.constant 64 : i32
    %dma_wait3A = arith.constant 0 : i32
    %dma_wait3A_10 = arith.constant 0 : i32
    %dma_wait3A_11 = tpu.memref_slice %arg4[%dma_wait3A, %dma_wait3A_10] : memref<1048576x128xf32, #tpu.memory_space<hbm>> -> memref<256x128xf32, #tpu.memory_space<hbm>>
    %dma_wait3A_12 = arith.constant 0 : i32
    %dma_wait3A_13 = arith.constant 0 : i32
    %dma_wait3A_14 = tpu.memref_slice %arg4[%dma_wait3A_12, %dma_wait3A_13] : memref<1048576x128xf32, #tpu.memory_space<hbm>> -> memref<256x128xf32, #tpu.memory_space<hbm>>
    tpu.wait_dma2 semaphore(%arg10 : memref<!tpu.dma_semaphore, #tpu.memory_space<semaphore_mem>>) src(%dma_wait3A_14 : memref<256x128xf32, #tpu.memory_space<hbm>>) dst(%arg7 : memref<256x128xf32, #tpu.memory_space<vmem>>)
    %dma_wait3A_15 = arith.constant 0 : i32
    %dma_wait3A_16 = arith.constant 0 : i32
    %dma_wait3A_17 = tpu.memref_slice %arg4[%dma_wait3A_15, %dma_wait3A_16] : memref<1048576x128xf32, #tpu.memory_space<hbm>> -> memref<256x128xf32, #tpu.memory_space<hbm>>
    %dma_wait3A_18 = arith.constant 0 : i32
    %dma_wait3A_19 = arith.constant 0 : i32
    %dma_wait3A_20 = tpu.memref_slice %arg4[%dma_wait3A_18, %dma_wait3A_19] : memref<1048576x128xf32, #tpu.memory_space<hbm>> -> memref<256x128xf32, #tpu.memory_space<hbm>>
    tpu.wait_dma2 semaphore(%arg11 : memref<!tpu.dma_semaphore, #tpu.memory_space<semaphore_mem>>) src(%dma_wait3A_20 : memref<256x128xf32, #tpu.memory_space<hbm>>) dst(%arg8 : memref<256x128xf32, #tpu.memory_space<vmem>>)
    return
  }
}

#map = affine_map<(d0, d1) -> (0, 0)>
module attributes {stable_mosaic.version = 14 : i64} {
  func.func @k(%arg0: i32, %arg1: i32, %arg2: memref<4104x128xf32, #tpu.memory_space<hbm>>, %arg3: memref<8192x128xi32, #tpu.memory_space<hbm>>, %arg4: memref<1048576x128xf32, #tpu.memory_space<hbm>>, %arg5: memref<2x128xi32, #tpu.memory_space<vmem>>, %arg6: memref<2x128xi32, #tpu.memory_space<vmem>>, %arg7: memref<256x128xf32, #tpu.memory_space<vmem>>, %arg8: memref<256x128xf32, #tpu.memory_space<vmem>>, %arg9: memref<!tpu.dma_semaphore, #tpu.memory_space<semaphore_mem>>, %arg10: memref<!tpu.dma_semaphore, #tpu.memory_space<semaphore_mem>>, %arg11: memref<!tpu.dma_semaphore, #tpu.memory_space<semaphore_mem>>) attributes {dimension_semantics = [#tpu.dimension_semantics<core_parallel>, #tpu.dimension_semantics<subcore_parallel>], iteration_bounds = array<i64: 2, 16>, scalar_prefetch = 0 : i64, scratch_operands = 7 : i64, tpu.core_type = #tpu.core_type<sc_vector_subcore>, window_params = [{transform_indices = #map}, {transform_indices = #map}, {transform_indices = #map}]} {
    %mul3A = arith.constant 2 : i32
    %mul3A_0 = arith.muli %arg1, %mul3A : i32
    %add3A = arith.addi %mul3A_0, %arg0 : i32
    %mul3A_1 = arith.constant 256 : i32
    %mul3A_2 = arith.muli %add3A, %mul3A_1 : i32
    %mul3A_3 = arith.constant 32768 : i32
    %mul3A_4 = arith.muli %add3A, %mul3A_3 : i32
    %scan3A = arith.constant 0 : i32
    %scan3A_5 = arith.constant 0 : i32
    %scan3A_6 = arith.constant 64 : i32
    %scan3A_7 = arith.addi %scan3A_5, %scan3A_6 : i32
    %scan3A_8 = arith.constant 1 : i32
    scf.for %scan3A_21 = %scan3A_5 to %scan3A_7 step %scan3A_8  : i32 {
      %mul3A_22 = arith.constant 2 : i32
      %mul3A_23 = arith.muli %scan3A_21, %mul3A_22 : i32
      %add3A_24 = arith.constant 0 : i32
      %add3A_25 = arith.addi %mul3A_23, %add3A_24 : i32
      %ge3A = arith.constant 2 : i32
      %ge3A_26 = arith.cmpi sge, %add3A_25, %ge3A : i32
      %convert_element_type3A = arith.extui %ge3A_26 : i1 to i32
      %cond3A = arith.constant 0 : i32
      %cond3A_27 = arith.cmpi ne, %convert_element_type3A, %cond3A : i32
      scf.if %cond3A_27 {
        %dma_wait3A_136 = arith.constant 0 : i32
        %dma_wait3A_137 = arith.constant 0 : i32
        %dma_wait3A_138 = tpu.memref_slice %arg4[%dma_wait3A_136, %dma_wait3A_137] : memref<1048576x128xf32, #tpu.memory_space<hbm>> -> memref<256x128xf32, #tpu.memory_space<hbm>>
        %dma_wait3A_139 = arith.constant 0 : i32
        %dma_wait3A_140 = arith.constant 0 : i32
        %dma_wait3A_141 = tpu.memref_slice %arg4[%dma_wait3A_139, %dma_wait3A_140] : memref<1048576x128xf32, #tpu.memory_space<hbm>> -> memref<256x128xf32, #tpu.memory_space<hbm>>
        tpu.wait_dma2 semaphore(%arg10 : memref<!tpu.dma_semaphore, #tpu.memory_space<semaphore_mem>>) src(%dma_wait3A_141 : memref<256x128xf32, #tpu.memory_space<hbm>>) dst(%arg7 : memref<256x128xf32, #tpu.memory_space<vmem>>)
      } else {
      }
      %mul3A_28 = arith.constant 2 : i32
      %mul3A_29 = arith.muli %add3A_25, %mul3A_28 : i32
      %add3A_30 = arith.addi %mul3A_2, %mul3A_29 : i32
      "tpu.region"() ({
        %run_scoped3A = tpu.sem_alloc : memref<!tpu.dma_semaphore, #tpu.memory_space<semaphore_mem>>
        %dma_start3A_136 = arith.constant 0 : i32
        %dma_start3A_137 = tpu.memref_slice %arg3[%add3A_30, %dma_start3A_136] : memref<8192x128xi32, #tpu.memory_space<hbm>> -> memref<2x128xi32, #tpu.memory_space<hbm>>
        %dma_start3A_138 = arith.constant 0 : i32
        %dma_start3A_139 = tpu.memref_slice %arg3[%add3A_30, %dma_start3A_138] : memref<8192x128xi32, #tpu.memory_space<hbm>> -> memref<2x128xi32, #tpu.memory_space<hbm>>
        tpu.enqueue_dma source(%dma_start3A_139 : memref<2x128xi32, #tpu.memory_space<hbm>>) target(%arg5 : memref<2x128xi32, #tpu.memory_space<vmem>>) target_semaphore(%run_scoped3A : memref<!tpu.dma_semaphore, #tpu.memory_space<semaphore_mem>>)
        %dma_wait3A_140 = arith.constant 0 : i32
        %dma_wait3A_141 = tpu.memref_slice %arg3[%add3A_30, %dma_wait3A_140] : memref<8192x128xi32, #tpu.memory_space<hbm>> -> memref<2x128xi32, #tpu.memory_space<hbm>>
        %dma_wait3A_142 = arith.constant 0 : i32
        %dma_wait3A_143 = tpu.memref_slice %arg3[%add3A_30, %dma_wait3A_142] : memref<8192x128xi32, #tpu.memory_space<hbm>> -> memref<2x128xi32, #tpu.memory_space<hbm>>
        tpu.wait_dma2 semaphore(%run_scoped3A : memref<!tpu.dma_semaphore, #tpu.memory_space<semaphore_mem>>) src(%dma_wait3A_143 : memref<2x128xi32, #tpu.memory_space<hbm>>) dst(%arg5 : memref<2x128xi32, #tpu.memory_space<vmem>>)
        tpu.yield
      }) : () -> ()
      %dma_start3A = arith.constant 0 : i32
      %dma_start3A_31 = arith.constant 0 : i32
      %dma_start3A_32 = arith.constant 0 : i32
      %dma_start3A_33 = tpu.memref_slice %arg7[%dma_start3A_31, %dma_start3A_32] : memref<256x128xf32, #tpu.memory_space<vmem>> -> memref<128x128xf32, #tpu.memory_space<vmem>>
      %dma_start3A_34 = arith.constant 0 : i32
      %dma_start3A_35 = tpu.memref_slice %arg5[%dma_start3A, %dma_start3A_34] : memref<2x128xi32, #tpu.memory_space<vmem>> -> memref<1x128xi32, #tpu.memory_space<vmem>>
      %dma_start3A_36 = tpu.memref_squeeze %dma_start3A_35 : memref<1x128xi32, #tpu.memory_space<vmem>> -> memref<128xi32, #tpu.memory_space<vmem>>
      %dma_start3A_37 = arith.constant 0 : i32
      %dma_start3A_38 = arith.constant 0 : i32
      %dma_start3A_39 = tpu.memref_slice %arg2[%dma_start3A_37, %dma_start3A_38] : memref<4104x128xf32, #tpu.memory_space<hbm>> -> memref<4104x128xf32, #tpu.memory_space<hbm>>
      tpu.enqueue_indirect_dma source(%dma_start3A_39 : memref<4104x128xf32, #tpu.memory_space<hbm>>) target(%dma_start3A_33 : memref<128x128xf32, #tpu.memory_space<vmem>>) offsets(%dma_start3A_36 : memref<128xi32, #tpu.memory_space<vmem>>) semaphore(%arg9 : memref<!tpu.dma_semaphore, #tpu.memory_space<semaphore_mem>>)
      %dma_start3A_40 = arith.constant 1 : i32
      %dma_start3A_41 = arith.constant 128 : i32
      %dma_start3A_42 = arith.constant 0 : i32
      %dma_start3A_43 = tpu.memref_slice %arg7[%dma_start3A_41, %dma_start3A_42] : memref<256x128xf32, #tpu.memory_space<vmem>> -> memref<128x128xf32, #tpu.memory_space<vmem>>
      %dma_start3A_44 = arith.constant 0 : i32
      %dma_start3A_45 = tpu.memref_slice %arg5[%dma_start3A_40, %dma_start3A_44] : memref<2x128xi32, #tpu.memory_space<vmem>> -> memref<1x128xi32, #tpu.memory_space<vmem>>
      %dma_start3A_46 = tpu.memref_squeeze %dma_start3A_45 : memref<1x128xi32, #tpu.memory_space<vmem>> -> memref<128xi32, #tpu.memory_space<vmem>>
      %dma_start3A_47 = arith.constant 0 : i32
      %dma_start3A_48 = arith.constant 0 : i32
      %dma_start3A_49 = tpu.memref_slice %arg2[%dma_start3A_47, %dma_start3A_48] : memref<4104x128xf32, #tpu.memory_space<hbm>> -> memref<4104x128xf32, #tpu.memory_space<hbm>>
      tpu.enqueue_indirect_dma source(%dma_start3A_49 : memref<4104x128xf32, #tpu.memory_space<hbm>>) target(%dma_start3A_43 : memref<128x128xf32, #tpu.memory_space<vmem>>) offsets(%dma_start3A_46 : memref<128xi32, #tpu.memory_space<vmem>>) semaphore(%arg9 : memref<!tpu.dma_semaphore, #tpu.memory_space<semaphore_mem>>)
      %dma_wait3A_50 = arith.constant 0 : i32
      %dma_wait3A_51 = arith.constant 0 : i32
      %dma_wait3A_52 = arith.constant 0 : i32
      %dma_wait3A_53 = tpu.memref_slice %arg7[%dma_wait3A_51, %dma_wait3A_52] : memref<256x128xf32, #tpu.memory_space<vmem>> -> memref<128x128xf32, #tpu.memory_space<vmem>>
      %dma_wait3A_54 = arith.constant 0 : i32
      %dma_wait3A_55 = tpu.memref_slice %arg5[%dma_wait3A_50, %dma_wait3A_54] : memref<2x128xi32, #tpu.memory_space<vmem>> -> memref<1x128xi32, #tpu.memory_space<vmem>>
      %dma_wait3A_56 = tpu.memref_squeeze %dma_wait3A_55 : memref<1x128xi32, #tpu.memory_space<vmem>> -> memref<128xi32, #tpu.memory_space<vmem>>
      %dma_wait3A_57 = arith.constant 0 : i32
      %dma_wait3A_58 = arith.constant 0 : i32
      %dma_wait3A_59 = tpu.memref_slice %arg2[%dma_wait3A_57, %dma_wait3A_58] : memref<4104x128xf32, #tpu.memory_space<hbm>> -> memref<4104x128xf32, #tpu.memory_space<hbm>>
      tpu.wait_indirect_dma semaphore(%arg9 : memref<!tpu.dma_semaphore, #tpu.memory_space<semaphore_mem>>) src(%dma_wait3A_59 : memref<4104x128xf32, #tpu.memory_space<hbm>>) dst(%dma_wait3A_53 : memref<128x128xf32, #tpu.memory_space<vmem>>)
      %dma_wait3A_60 = arith.constant 1 : i32
      %dma_wait3A_61 = arith.constant 128 : i32
      %dma_wait3A_62 = arith.constant 0 : i32
      %dma_wait3A_63 = tpu.memref_slice %arg7[%dma_wait3A_61, %dma_wait3A_62] : memref<256x128xf32, #tpu.memory_space<vmem>> -> memref<128x128xf32, #tpu.memory_space<vmem>>
      %dma_wait3A_64 = arith.constant 0 : i32
      %dma_wait3A_65 = tpu.memref_slice %arg5[%dma_wait3A_60, %dma_wait3A_64] : memref<2x128xi32, #tpu.memory_space<vmem>> -> memref<1x128xi32, #tpu.memory_space<vmem>>
      %dma_wait3A_66 = tpu.memref_squeeze %dma_wait3A_65 : memref<1x128xi32, #tpu.memory_space<vmem>> -> memref<128xi32, #tpu.memory_space<vmem>>
      %dma_wait3A_67 = arith.constant 0 : i32
      %dma_wait3A_68 = arith.constant 0 : i32
      %dma_wait3A_69 = tpu.memref_slice %arg2[%dma_wait3A_67, %dma_wait3A_68] : memref<4104x128xf32, #tpu.memory_space<hbm>> -> memref<4104x128xf32, #tpu.memory_space<hbm>>
      tpu.wait_indirect_dma semaphore(%arg9 : memref<!tpu.dma_semaphore, #tpu.memory_space<semaphore_mem>>) src(%dma_wait3A_69 : memref<4104x128xf32, #tpu.memory_space<hbm>>) dst(%dma_wait3A_63 : memref<128x128xf32, #tpu.memory_space<vmem>>)
      %mul3A_70 = arith.constant 256 : i32
      %mul3A_71 = arith.muli %add3A_25, %mul3A_70 : i32
      %add3A_72 = arith.addi %mul3A_4, %mul3A_71 : i32
      %dma_start3A_73 = arith.constant 0 : i32
      %dma_start3A_74 = tpu.memref_slice %arg4[%add3A_72, %dma_start3A_73] : memref<1048576x128xf32, #tpu.memory_space<hbm>> -> memref<256x128xf32, #tpu.memory_space<hbm>>
      %dma_start3A_75 = arith.constant 0 : i32
      %dma_start3A_76 = tpu.memref_slice %arg4[%add3A_72, %dma_start3A_75] : memref<1048576x128xf32, #tpu.memory_space<hbm>> -> memref<256x128xf32, #tpu.memory_space<hbm>>
      tpu.enqueue_dma source(%arg7 : memref<256x128xf32, #tpu.memory_space<vmem>>) target(%dma_start3A_76 : memref<256x128xf32, #tpu.memory_space<hbm>>) target_semaphore(%arg10 : memref<!tpu.dma_semaphore, #tpu.memory_space<semaphore_mem>>)
      %mul3A_77 = arith.constant 2 : i32
      %mul3A_78 = arith.muli %scan3A_21, %mul3A_77 : i32
      %add3A_79 = arith.constant 1 : i32
      %add3A_80 = arith.addi %mul3A_78, %add3A_79 : i32
      %ge3A_81 = arith.constant 2 : i32
      %ge3A_82 = arith.cmpi sge, %add3A_80, %ge3A_81 : i32
      %convert_element_type3A_83 = arith.extui %ge3A_82 : i1 to i32
      %cond3A_84 = arith.constant 0 : i32
      %cond3A_85 = arith.cmpi ne, %convert_element_type3A_83, %cond3A_84 : i32
      scf.if %cond3A_85 {
        %dma_wait3A_136 = arith.constant 0 : i32
        %dma_wait3A_137 = arith.constant 0 : i32
        %dma_wait3A_138 = tpu.memref_slice %arg4[%dma_wait3A_136, %dma_wait3A_137] : memref<1048576x128xf32, #tpu.memory_space<hbm>> -> memref<256x128xf32, #tpu.memory_space<hbm>>
        %dma_wait3A_139 = arith.constant 0 : i32
        %dma_wait3A_140 = arith.constant 0 : i32
        %dma_wait3A_141 = tpu.memref_slice %arg4[%dma_wait3A_139, %dma_wait3A_140] : memref<1048576x128xf32, #tpu.memory_space<hbm>> -> memref<256x128xf32, #tpu.memory_space<hbm>>
        tpu.wait_dma2 semaphore(%arg11 : memref<!tpu.dma_semaphore, #tpu.memory_space<semaphore_mem>>) src(%dma_wait3A_141 : memref<256x128xf32, #tpu.memory_space<hbm>>) dst(%arg8 : memref<256x128xf32, #tpu.memory_space<vmem>>)
      } else {
      }
      %mul3A_86 = arith.constant 2 : i32
      %mul3A_87 = arith.muli %add3A_80, %mul3A_86 : i32
      %add3A_88 = arith.addi %mul3A_2, %mul3A_87 : i32
      "tpu.region"() ({
        %run_scoped3A = tpu.sem_alloc : memref<!tpu.dma_semaphore, #tpu.memory_space<semaphore_mem>>
        %dma_start3A_136 = arith.constant 0 : i32
        %dma_start3A_137 = tpu.memref_slice %arg3[%add3A_88, %dma_start3A_136] : memref<8192x128xi32, #tpu.memory_space<hbm>> -> memref<2x128xi32, #tpu.memory_space<hbm>>
        %dma_start3A_138 = arith.constant 0 : i32
        %dma_start3A_139 = tpu.memref_slice %arg3[%add3A_88, %dma_start3A_138] : memref<8192x128xi32, #tpu.memory_space<hbm>> -> memref<2x128xi32, #tpu.memory_space<hbm>>
        tpu.enqueue_dma source(%dma_start3A_139 : memref<2x128xi32, #tpu.memory_space<hbm>>) target(%arg6 : memref<2x128xi32, #tpu.memory_space<vmem>>) target_semaphore(%run_scoped3A : memref<!tpu.dma_semaphore, #tpu.memory_space<semaphore_mem>>)
        %dma_wait3A_140 = arith.constant 0 : i32
        %dma_wait3A_141 = tpu.memref_slice %arg3[%add3A_88, %dma_wait3A_140] : memref<8192x128xi32, #tpu.memory_space<hbm>> -> memref<2x128xi32, #tpu.memory_space<hbm>>
        %dma_wait3A_142 = arith.constant 0 : i32
        %dma_wait3A_143 = tpu.memref_slice %arg3[%add3A_88, %dma_wait3A_142] : memref<8192x128xi32, #tpu.memory_space<hbm>> -> memref<2x128xi32, #tpu.memory_space<hbm>>
        tpu.wait_dma2 semaphore(%run_scoped3A : memref<!tpu.dma_semaphore, #tpu.memory_space<semaphore_mem>>) src(%dma_wait3A_143 : memref<2x128xi32, #tpu.memory_space<hbm>>) dst(%arg6 : memref<2x128xi32, #tpu.memory_space<vmem>>)
        tpu.yield
      }) : () -> ()
      %dma_start3A_89 = arith.constant 0 : i32
      %dma_start3A_90 = arith.constant 0 : i32
      %dma_start3A_91 = arith.constant 0 : i32
      %dma_start3A_92 = tpu.memref_slice %arg8[%dma_start3A_90, %dma_start3A_91] : memref<256x128xf32, #tpu.memory_space<vmem>> -> memref<128x128xf32, #tpu.memory_space<vmem>>
      %dma_start3A_93 = arith.constant 0 : i32
      %dma_start3A_94 = tpu.memref_slice %arg6[%dma_start3A_89, %dma_start3A_93] : memref<2x128xi32, #tpu.memory_space<vmem>> -> memref<1x128xi32, #tpu.memory_space<vmem>>
      %dma_start3A_95 = tpu.memref_squeeze %dma_start3A_94 : memref<1x128xi32, #tpu.memory_space<vmem>> -> memref<128xi32, #tpu.memory_space<vmem>>
      %dma_start3A_96 = arith.constant 0 : i32
      %dma_start3A_97 = arith.constant 0 : i32
      %dma_start3A_98 = tpu.memref_slice %arg2[%dma_start3A_96, %dma_start3A_97] : memref<4104x128xf32, #tpu.memory_space<hbm>> -> memref<4104x128xf32, #tpu.memory_space<hbm>>
      tpu.enqueue_indirect_dma source(%dma_start3A_98 : memref<4104x128xf32, #tpu.memory_space<hbm>>) target(%dma_start3A_92 : memref<128x128xf32, #tpu.memory_space<vmem>>) offsets(%dma_start3A_95 : memref<128xi32, #tpu.memory_space<vmem>>) semaphore(%arg9 : memref<!tpu.dma_semaphore, #tpu.memory_space<semaphore_mem>>)
      %dma_start3A_99 = arith.constant 1 : i32
      %dma_start3A_100 = arith.constant 128 : i32
      %dma_start3A_101 = arith.constant 0 : i32
      %dma_start3A_102 = tpu.memref_slice %arg8[%dma_start3A_100, %dma_start3A_101] : memref<256x128xf32, #tpu.memory_space<vmem>> -> memref<128x128xf32, #tpu.memory_space<vmem>>
      %dma_start3A_103 = arith.constant 0 : i32
      %dma_start3A_104 = tpu.memref_slice %arg6[%dma_start3A_99, %dma_start3A_103] : memref<2x128xi32, #tpu.memory_space<vmem>> -> memref<1x128xi32, #tpu.memory_space<vmem>>
      %dma_start3A_105 = tpu.memref_squeeze %dma_start3A_104 : memref<1x128xi32, #tpu.memory_space<vmem>> -> memref<128xi32, #tpu.memory_space<vmem>>
      %dma_start3A_106 = arith.constant 0 : i32
      %dma_start3A_107 = arith.constant 0 : i32
      %dma_start3A_108 = tpu.memref_slice %arg2[%dma_start3A_106, %dma_start3A_107] : memref<4104x128xf32, #tpu.memory_space<hbm>> -> memref<4104x128xf32, #tpu.memory_space<hbm>>
      tpu.enqueue_indirect_dma source(%dma_start3A_108 : memref<4104x128xf32, #tpu.memory_space<hbm>>) target(%dma_start3A_102 : memref<128x128xf32, #tpu.memory_space<vmem>>) offsets(%dma_start3A_105 : memref<128xi32, #tpu.memory_space<vmem>>) semaphore(%arg9 : memref<!tpu.dma_semaphore, #tpu.memory_space<semaphore_mem>>)
      %dma_wait3A_109 = arith.constant 0 : i32
      %dma_wait3A_110 = arith.constant 0 : i32
      %dma_wait3A_111 = arith.constant 0 : i32
      %dma_wait3A_112 = tpu.memref_slice %arg8[%dma_wait3A_110, %dma_wait3A_111] : memref<256x128xf32, #tpu.memory_space<vmem>> -> memref<128x128xf32, #tpu.memory_space<vmem>>
      %dma_wait3A_113 = arith.constant 0 : i32
      %dma_wait3A_114 = tpu.memref_slice %arg6[%dma_wait3A_109, %dma_wait3A_113] : memref<2x128xi32, #tpu.memory_space<vmem>> -> memref<1x128xi32, #tpu.memory_space<vmem>>
      %dma_wait3A_115 = tpu.memref_squeeze %dma_wait3A_114 : memref<1x128xi32, #tpu.memory_space<vmem>> -> memref<128xi32, #tpu.memory_space<vmem>>
      %dma_wait3A_116 = arith.constant 0 : i32
      %dma_wait3A_117 = arith.constant 0 : i32
      %dma_wait3A_118 = tpu.memref_slice %arg2[%dma_wait3A_116, %dma_wait3A_117] : memref<4104x128xf32, #tpu.memory_space<hbm>> -> memref<4104x128xf32, #tpu.memory_space<hbm>>
      tpu.wait_indirect_dma semaphore(%arg9 : memref<!tpu.dma_semaphore, #tpu.memory_space<semaphore_mem>>) src(%dma_wait3A_118 : memref<4104x128xf32, #tpu.memory_space<hbm>>) dst(%dma_wait3A_112 : memref<128x128xf32, #tpu.memory_space<vmem>>)
      %dma_wait3A_119 = arith.constant 1 : i32
      %dma_wait3A_120 = arith.constant 128 : i32
      %dma_wait3A_121 = arith.constant 0 : i32
      %dma_wait3A_122 = tpu.memref_slice %arg8[%dma_wait3A_120, %dma_wait3A_121] : memref<256x128xf32, #tpu.memory_space<vmem>> -> memref<128x128xf32, #tpu.memory_space<vmem>>
      %dma_wait3A_123 = arith.constant 0 : i32
      %dma_wait3A_124 = tpu.memref_slice %arg6[%dma_wait3A_119, %dma_wait3A_123] : memref<2x128xi32, #tpu.memory_space<vmem>> -> memref<1x128xi32, #tpu.memory_space<vmem>>
      %dma_wait3A_125 = tpu.memref_squeeze %dma_wait3A_124 : memref<1x128xi32, #tpu.memory_space<vmem>> -> memref<128xi32, #tpu.memory_space<vmem>>
      %dma_wait3A_126 = arith.constant 0 : i32
      %dma_wait3A_127 = arith.constant 0 : i32
      %dma_wait3A_128 = tpu.memref_slice %arg2[%dma_wait3A_126, %dma_wait3A_127] : memref<4104x128xf32, #tpu.memory_space<hbm>> -> memref<4104x128xf32, #tpu.memory_space<hbm>>
      tpu.wait_indirect_dma semaphore(%arg9 : memref<!tpu.dma_semaphore, #tpu.memory_space<semaphore_mem>>) src(%dma_wait3A_128 : memref<4104x128xf32, #tpu.memory_space<hbm>>) dst(%dma_wait3A_122 : memref<128x128xf32, #tpu.memory_space<vmem>>)
      %mul3A_129 = arith.constant 256 : i32
      %mul3A_130 = arith.muli %add3A_80, %mul3A_129 : i32
      %add3A_131 = arith.addi %mul3A_4, %mul3A_130 : i32
      %dma_start3A_132 = arith.constant 0 : i32
      %dma_start3A_133 = tpu.memref_slice %arg4[%add3A_131, %dma_start3A_132] : memref<1048576x128xf32, #tpu.memory_space<hbm>> -> memref<256x128xf32, #tpu.memory_space<hbm>>
      %dma_start3A_134 = arith.constant 0 : i32
      %dma_start3A_135 = tpu.memref_slice %arg4[%add3A_131, %dma_start3A_134] : memref<1048576x128xf32, #tpu.memory_space<hbm>> -> memref<256x128xf32, #tpu.memory_space<hbm>>
      tpu.enqueue_dma source(%arg8 : memref<256x128xf32, #tpu.memory_space<vmem>>) target(%dma_start3A_135 : memref<256x128xf32, #tpu.memory_space<hbm>>) target_semaphore(%arg11 : memref<!tpu.dma_semaphore, #tpu.memory_space<semaphore_mem>>)
    }
    %scan3A_9 = arith.constant 64 : i32
    %dma_wait3A = arith.constant 0 : i32
    %dma_wait3A_10 = arith.constant 0 : i32
    %dma_wait3A_11 = tpu.memref_slice %arg4[%dma_wait3A, %dma_wait3A_10] : memref<1048576x128xf32, #tpu.memory_space<hbm>> -> memref<256x128xf32, #tpu.memory_space<hbm>>
    %dma_wait3A_12 = arith.constant 0 : i32
    %dma_wait3A_13 = arith.constant 0 : i32
    %dma_wait3A_14 = tpu.memref_slice %arg4[%dma_wait3A_12, %dma_wait3A_13] : memref<1048576x128xf32, #tpu.memory_space<hbm>> -> memref<256x128xf32, #tpu.memory_space<hbm>>
    tpu.wait_dma2 semaphore(%arg10 : memref<!tpu.dma_semaphore, #tpu.memory_space<semaphore_mem>>) src(%dma_wait3A_14 : memref<256x128xf32, #tpu.memory_space<hbm>>) dst(%arg7 : memref<256x128xf32, #tpu.memory_space<vmem>>)
    %dma_wait3A_15 = arith.constant 0 : i32
    %dma_wait3A_16 = arith.constant 0 : i32
    %dma_wait3A_17 = tpu.memref_slice %arg4[%dma_wait3A_15, %dma_wait3A_16] : memref<1048576x128xf32, #tpu.memory_space<hbm>> -> memref<256x128xf32, #tpu.memory_space<hbm>>
    %dma_wait3A_18 = arith.constant 0 : i32
    %dma_wait3A_19 = arith.constant 0 : i32
    %dma_wait3A_20 = tpu.memref_slice %arg4[%dma_wait3A_18, %dma_wait3A_19] : memref<1048576x128xf32, #tpu.memory_space<hbm>> -> memref<256x128xf32, #tpu.memory_space<hbm>>
    tpu.wait_dma2 semaphore(%arg11 : memref<!tpu.dma_semaphore, #tpu.memory_space<semaphore_mem>>) src(%dma_wait3A_20 : memref<256x128xf32, #tpu.memory_space<hbm>>) dst(%arg8 : memref<256x128xf32, #tpu.memory_space<vmem>>)
    return
  }
}

module attributes {stable_mosaic.version = 14 : i64} {
  func.func @_emb_body(%arg0: memref<4096x1xi32, #tpu.memory_space<vmem>>, %arg1: memref<128x128xf32, #tpu.memory_space<vmem>>, %arg2: memref<4096x128xf32, #tpu.memory_space<vmem>>) attributes {dimension_semantics = [], scalar_prefetch = 0 : i64, scratch_operands = 0 : i64, tpu.core_type = #tpu.core_type<tc>} {
    %get3A = arith.constant 0 : index
    %get3A_0 = arith.constant 0 : index
    %get3A_1 = vector.load %arg0[%get3A, %get3A_0] : memref<4096x1xi32, #tpu.memory_space<vmem>>, vector<4096x1xi32>
    %iota3A = tpu.iota {dimensions = array<i32: 1>} : vector<1x128xi32>
    %jit3A = arith.constant 0 : i32
    %jit3A_2 = arith.constant 99 : i32
    %max3A = vector.broadcast %jit3A : i32 to vector<4096x1xi32>
    %max3A_3 = arith.maxsi %max3A, %get3A_1 : vector<4096x1xi32>
    %min3A = vector.broadcast %jit3A_2 : i32 to vector<4096x1xi32>
    %min3A_4 = arith.minsi %min3A, %max3A_3 : vector<4096x1xi32>
    %eq3A = vector.broadcast %min3A_4 : vector<4096x1xi32> to vector<4096x128xi32>
    %eq3A_5 = vector.broadcast %iota3A : vector<1x128xi32> to vector<4096x128xi32>
    %eq3A_6 = arith.cmpi eq, %eq3A, %eq3A_5 : vector<4096x128xi32>
    %convert_element_type3A = arith.extui %eq3A_6 : vector<4096x128xi1> to vector<4096x128xi32>
    %convert_element_type3A_7 = arith.sitofp %convert_element_type3A : vector<4096x128xi32> to vector<4096x128xf32>
    %get3A_8 = arith.constant 0 : index
    %get3A_9 = arith.constant 0 : index
    %get3A_10 = vector.load %arg1[%get3A_8, %get3A_9] : memref<128x128xf32, #tpu.memory_space<vmem>>, vector<128x128xf32>
    %dot_general3A = arith.constant dense<0.000000e+00> : vector<4096x128xf32>
    %dot_general3A_11 = tpu.matmul %convert_element_type3A_7, %get3A_10, %dot_general3A {dimension_numbers = #tpu.dot_dimension_numbers<[1], [0], [0], [1], [0, 0, 1, 1], [], []>, precision = #tpu.contract_precision<fp32>, transpose_lhs_hint = false} : vector<4096x128xf32>, vector<128x128xf32>, vector<4096x128xf32> -> vector<4096x128xf32>
    %swap3A = arith.constant 0 : index
    %swap3A_12 = arith.constant 0 : index
    %swap3A_13 = vector.load %arg2[%swap3A, %swap3A_12] : memref<4096x128xf32, #tpu.memory_space<vmem>>, vector<4096x128xf32>
    tpu.vector_store %arg2[%swap3A, %swap3A_12], %dot_general3A_11 {strides = array<i32>} : memref<4096x128xf32, #tpu.memory_space<vmem>>, vector<4096x128xf32>,
    return
  }
}

module attributes {stable_mosaic.version = 14 : i64} {
  func.func @_pre_body(%arg0: memref<4096x128xf32, #tpu.memory_space<vmem>>, %arg1: memref<128x128xf32, #tpu.memory_space<vmem>>, %arg2: memref<1x128xf32, #tpu.memory_space<vmem>>, %arg3: memref<4104x128xf32, #tpu.memory_space<vmem>>) attributes {dimension_semantics = [], scalar_prefetch = 0 : i64, scratch_operands = 0 : i64, tpu.core_type = #tpu.core_type<tc>} {
    %get3A = arith.constant 0 : index
    %get3A_0 = arith.constant 0 : index
    %get3A_1 = vector.load %arg0[%get3A, %get3A_0] : memref<4096x128xf32, #tpu.memory_space<vmem>>, vector<4096x128xf32>
    %get3A_2 = arith.constant 0 : index
    %get3A_3 = arith.constant 0 : index
    %get3A_4 = vector.load %arg1[%get3A_2, %get3A_3] : memref<128x128xf32, #tpu.memory_space<vmem>>, vector<128x128xf32>
    %dot_general3A = arith.constant dense<0.000000e+00> : vector<4096x128xf32>
    %dot_general3A_5 = tpu.matmul %get3A_1, %get3A_4, %dot_general3A {dimension_numbers = #tpu.dot_dimension_numbers<[1], [0], [0], [1], [0, 0, 1, 1], [], []>, transpose_lhs_hint = false} : vector<4096x128xf32>, vector<128x128xf32>, vector<4096x128xf32> -> vector<4096x128xf32>
    %get3A_6 = arith.constant 0 : index
    %get3A_7 = arith.constant 0 : index
    %get3A_8 = vector.load %arg2[%get3A_6, %get3A_7] : memref<1x128xf32, #tpu.memory_space<vmem>>, vector<1x128xf32>
    %add3A = vector.broadcast %get3A_8 : vector<1x128xf32> to vector<4096x128xf32>
    %add3A_9 = arith.addf %dot_general3A_5, %add3A : vector<4096x128xf32>
    %swap3A = arith.constant 0 : index
    %swap3A_10 = arith.constant 0 : index
    %swap3A_11 = vector.load %arg3[%swap3A, %swap3A_10] : memref<4104x128xf32, #tpu.memory_space<vmem>>, vector<4096x128xf32>
    tpu.vector_store %arg3[%swap3A, %swap3A_10], %add3A_9 {strides = array<i32>} : memref<4104x128xf32, #tpu.memory_space<vmem>>, vector<4096x128xf32>,
    %broadcast_in_dim3A = arith.constant -1.000000e+04 : f32
    %broadcast_in_dim3A_12 = vector.broadcast %broadcast_in_dim3A : f32 to vector<8x128xf32>
    %swap3A_13 = arith.constant 4096 : index
    %swap3A_14 = arith.constant 0 : index
    %swap3A_15 = vector.load %arg3[%swap3A_13, %swap3A_14] : memref<4104x128xf32, #tpu.memory_space<vmem>>, vector<8x128xf32>
    tpu.vector_store %arg3[%swap3A_13, %swap3A_14], %broadcast_in_dim3A_12 {strides = array<i32>} : memref<4104x128xf32, #tpu.memory_space<vmem>>, vector<8x128xf32>,
    return
  }
}

module attributes {stable_mosaic.version = 14 : i64} {
  func.func @_msg_body(%arg0: i32, %arg1: memref<1x64xf32, #tpu.memory_space<vmem>>, %arg2: memref<64x128xf32, #tpu.memory_space<vmem>>, %arg3: memref<128x128xf32, #tpu.memory_space<vmem>>, %arg4: memref<1x128xf32, #tpu.memory_space<vmem>>, %arg5: memref<128x384xf32, #tpu.memory_space<vmem>>, %arg6: memref<1x384xf32, #tpu.memory_space<vmem>>, %arg7: memref<1x384xf32, #tpu.memory_space<vmem>>, %arg8: memref<4096x128xf32, #tpu.memory_space<vmem>>, %arg9: memref<4096x1xf32, #tpu.memory_space<vmem>>, %arg10: memref<4096x1xf32, #tpu.memory_space<vmem>>, %arg11: memref<16x1xf32, #tpu.memory_space<vmem>>, %arg12: memref<16x128xf32, #tpu.memory_space<vmem>>, %arg13: memref<16x128xf32, #tpu.memory_space<vmem>>) attributes {dimension_semantics = [#tpu.dimension_semantics<arbitrary>], iteration_bounds = array<i64: 256>, scalar_prefetch = 0 : i64, scratch_operands = 0 : i64, tpu.core_type = #tpu.core_type<tc>, window_params = [{pipeline_mode = #tpu.pipeline_mode<synchronous>, transform_indices = @transform_0, window_bounds = array<i64: 1, 64>}, {pipeline_mode = #tpu.pipeline_mode<synchronous>, transform_indices = @transform_1, window_bounds = array<i64: 64, 128>}, {pipeline_mode = #tpu.pipeline_mode<synchronous>, transform_indices = @transform_2, window_bounds = array<i64: 128, 128>}, {pipeline_mode = #tpu.pipeline_mode<synchronous>, transform_indices = @transform_3, window_bounds = array<i64: 1, 128>}, {pipeline_mode = #tpu.pipeline_mode<synchronous>, transform_indices = @transform_4, window_bounds = array<i64: 128, 384>}, {pipeline_mode = #tpu.pipeline_mode<synchronous>, transform_indices = @transform_5, window_bounds = array<i64: 1, 384>}, {pipeline_mode = #tpu.pipeline_mode<synchronous>, transform_indices = @transform_6, window_bounds = array<i64: 1, 384>}, {transform_indices = @transform_7, window_bounds = array<i64: 4096, 128>}, {transform_indices = @transform_8, window_bounds = array<i64: 4096, 1>}, {transform_indices = @transform_9, window_bounds = array<i64: 4096, 1>}, {transform_indices = @transform_10, window_bounds = array<i64: 16, 1>}, {transform_indices = @transform_11, window_bounds = array<i64: 16, 128>}, {transform_indices = @transform_12, window_bounds = array<i64: 16, 128>}]} {
    %get3A = arith.constant 0 : index
    %get3A_0 = arith.constant 0 : index
    %get3A_1 = vector.load %arg9[%get3A, %get3A_0] : memref<4096x1xf32, #tpu.memory_space<vmem>>, vector<4096x1xf32>
    %sqrt3A = math.sqrt %get3A_1 : vector<4096x1xf32>
    %get3A_2 = arith.constant 0 : index
    %get3A_3 = arith.constant 0 : index
    %get3A_4 = vector.load %arg1[%get3A_2, %get3A_3] : memref<1x64xf32, #tpu.memory_space<vmem>>, vector<1x64xf32>
    %sub3A = vector.broadcast %sqrt3A : vector<4096x1xf32> to vector<4096x64xf32>
    %sub3A_5 = vector.broadcast %get3A_4 : vector<1x64xf32> to vector<4096x64xf32>
    %sub3A_6 = arith.subf %sub3A, %sub3A_5 : vector<4096x64xf32>
    %integer_pow3A = arith.mulf %sub3A_6, %sub3A_6 : vector<4096x64xf32>
    %neg3A = arith.constant 0.000000e+00 : f32
    %neg3A_7 = vector.broadcast %neg3A : f32 to vector<4096x64xf32>
    %neg3A_8 = arith.subf %neg3A_7, %integer_pow3A : vector<4096x64xf32>
    %div3A = arith.constant 3.200000e-05 : f32
    %div3A_9 = vector.broadcast %div3A : f32 to vector<4096x64xf32>
    %div3A_10 = arith.divf %neg3A_8, %div3A_9 : vector<4096x64xf32>
    %exp3A = math.exp %div3A_10 : vector<4096x64xf32>
    %get3A_11 = arith.constant 0 : index
    %get3A_12 = arith.constant 0 : index
    %get3A_13 = vector.load %arg2[%get3A_11, %get3A_12] : memref<64x128xf32, #tpu.memory_space<vmem>>, vector<64x128xf32>
    %dot_general3A = arith.constant dense<0.000000e+00> : vector<4096x128xf32>
    %dot_general3A_14 = tpu.matmul %exp3A, %get3A_13, %dot_general3A {dimension_numbers = #tpu.dot_dimension_numbers<[1], [0], [0], [1], [0, 0, 1, 1], [], []>, transpose_lhs_hint = false} : vector<4096x64xf32>, vector<64x128xf32>, vector<4096x128xf32> -> vector<4096x128xf32>
    %get3A_15 = arith.constant 0 : index
    %get3A_16 = arith.constant 0 : index
    %get3A_17 = vector.load %arg8[%get3A_15, %get3A_16] : memref<4096x128xf32, #tpu.memory_space<vmem>>, vector<4096x128xf32>
    %add3A = arith.addf %get3A_17, %dot_general3A_14 : vector<4096x128xf32>
    %logistic3A = arith.negf %add3A : vector<4096x128xf32>
    %logistic3A_18 = math.exp %logistic3A : vector<4096x128xf32>
    %logistic3A_19 = arith.constant 1.000000e+00 : f32
    %logistic3A_20 = vector.broadcast %logistic3A_19 : f32 to vector<4096x128xf32>
    %logistic3A_21 = arith.addf %logistic3A_20, %logistic3A_18 : vector<4096x128xf32>
    %logistic3A_22 = arith.divf %logistic3A_20, %logistic3A_21 : vector<4096x128xf32>
    %mul3A = arith.mulf %add3A, %logistic3A_22 : vector<4096x128xf32>
    %get3A_23 = arith.constant 0 : index
    %get3A_24 = arith.constant 0 : index
    %get3A_25 = vector.load %arg10[%get3A_23, %get3A_24] : memref<4096x1xf32, #tpu.memory_space<vmem>>, vector<4096x1xf32>
    %mul3A_26 = vector.broadcast %get3A_25 : vector<4096x1xf32> to vector<4096x128xf32>
    %mul3A_27 = arith.mulf %mul3A, %mul3A_26 : vector<4096x128xf32>
    %get3A_28 = arith.constant 0 : index
    %get3A_29 = arith.constant 0 : index
    %get3A_30 = vector.load %arg3[%get3A_28, %get3A_29] : memref<128x128xf32, #tpu.memory_space<vmem>>, vector<128x128xf32>
    %dot_general3A_31 = arith.constant dense<0.000000e+00> : vector<4096x128xf32>
    %dot_general3A_32 = tpu.matmul %mul3A_27, %get3A_30, %dot_general3A_31 {dimension_numbers = #tpu.dot_dimension_numbers<[1], [0], [0], [1], [0, 0, 1, 1], [], []>, transpose_lhs_hint = false} : vector<4096x128xf32>, vector<128x128xf32>, vector<4096x128xf32> -> vector<4096x128xf32>
    %reshape3A = vector.shape_cast %dot_general3A_32 : vector<4096x128xf32> to vector<16x256x128xf32>
    %reduce_sum3A = arith.constant dense<0.000000e+00> : vector<16x128xf32>
    %reduce_sum3A_33 = vector.multi_reduction <add>, %reshape3A, %reduce_sum3A [1] : vector<16x256x128xf32> to vector<16x128xf32>
    %get3A_34 = arith.constant 0 : index
    %get3A_35 = arith.constant 0 : index
    %get3A_36 = vector.load %arg11[%get3A_34, %get3A_35] : memref<16x1xf32, #tpu.memory_space<vmem>>, vector<16x1xf32>
    %get3A_37 = arith.constant 0 : index
    %get3A_38 = arith.constant 0 : index
    %get3A_39 = vector.load %arg4[%get3A_37, %get3A_38] : memref<1x128xf32, #tpu.memory_space<vmem>>, vector<1x128xf32>
    %mul3A_40 = vector.broadcast %get3A_36 : vector<16x1xf32> to vector<16x128xf32>
    %mul3A_41 = vector.broadcast %get3A_39 : vector<1x128xf32> to vector<16x128xf32>
    %mul3A_42 = arith.mulf %mul3A_40, %mul3A_41 : vector<16x128xf32>
    %add3A_43 = arith.addf %reduce_sum3A_33, %mul3A_42 : vector<16x128xf32>
    %get3A_44 = arith.constant 0 : index
    %get3A_45 = arith.constant 0 : index
    %get3A_46 = vector.load %arg5[%get3A_44, %get3A_45] : memref<128x384xf32, #tpu.memory_space<vmem>>, vector<128x384xf32>
    %dot_general3A_47 = arith.constant dense<0.000000e+00> : vector<16x384xf32>
    %dot_general3A_48 = tpu.matmul %add3A_43, %get3A_46, %dot_general3A_47 {dimension_numbers = #tpu.dot_dimension_numbers<[1], [0], [0], [1], [0, 0, 1, 1], [], []>, transpose_lhs_hint = false} : vector<16x128xf32>, vector<128x384xf32>, vector<16x384xf32> -> vector<16x384xf32>
    %get3A_49 = arith.constant 0 : index
    %get3A_50 = arith.constant 0 : index
    %get3A_51 = vector.load %arg6[%get3A_49, %get3A_50] : memref<1x384xf32, #tpu.memory_space<vmem>>, vector<1x384xf32>
    %add3A_52 = vector.broadcast %get3A_51 : vector<1x384xf32> to vector<16x384xf32>
    %add3A_53 = arith.addf %dot_general3A_48, %add3A_52 : vector<16x384xf32>
    %get3A_54 = arith.constant 0 : index
    %get3A_55 = arith.constant 0 : index
    %get3A_56 = vector.load %arg7[%get3A_54, %get3A_55] : memref<1x384xf32, #tpu.memory_space<vmem>>, vector<1x384xf32>
    %slice3A = vector.extract_strided_slice %add3A_53 {offsets = [0, 0], sizes = [16, 128], strides = [1, 1]} : vector<16x384xf32> to vector<16x128xf32>
    %slice3A_57 = vector.extract_strided_slice %get3A_56 {offsets = [0, 0], sizes = [1, 128], strides = [1, 1]} : vector<1x384xf32> to vector<1x128xf32>
    %add3A_58 = vector.broadcast %slice3A_57 : vector<1x128xf32> to vector<16x128xf32>
    %add3A_59 = arith.addf %slice3A, %add3A_58 : vector<16x128xf32>
    %logistic3A_60 = arith.negf %add3A_59 : vector<16x128xf32>
    %logistic3A_61 = math.exp %logistic3A_60 : vector<16x128xf32>
    %logistic3A_62 = arith.constant 1.000000e+00 : f32
    %logistic3A_63 = vector.broadcast %logistic3A_62 : f32 to vector<16x128xf32>
    %logistic3A_64 = arith.addf %logistic3A_63, %logistic3A_61 : vector<16x128xf32>
    %logistic3A_65 = arith.divf %logistic3A_63, %logistic3A_64 : vector<16x128xf32>
    %slice3A_66 = vector.extract_strided_slice %add3A_53 {offsets = [0, 128], sizes = [16, 128], strides = [1, 1]} : vector<16x384xf32> to vector<16x128xf32>
    %slice3A_67 = vector.extract_strided_slice %get3A_56 {offsets = [0, 128], sizes = [1, 128], strides = [1, 1]} : vector<1x384xf32> to vector<1x128xf32>
    %add3A_68 = vector.broadcast %slice3A_67 : vector<1x128xf32> to vector<16x128xf32>
    %add3A_69 = arith.addf %slice3A_66, %add3A_68 : vector<16x128xf32>
    %logistic3A_70 = arith.negf %add3A_69 : vector<16x128xf32>
    %logistic3A_71 = math.exp %logistic3A_70 : vector<16x128xf32>
    %logistic3A_72 = arith.constant 1.000000e+00 : f32
    %logistic3A_73 = vector.broadcast %logistic3A_72 : f32 to vector<16x128xf32>
    %logistic3A_74 = arith.addf %logistic3A_73, %logistic3A_71 : vector<16x128xf32>
    %logistic3A_75 = arith.divf %logistic3A_73, %logistic3A_74 : vector<16x128xf32>
    %slice3A_76 = vector.extract_strided_slice %add3A_53 {offsets = [0, 256], sizes = [16, 128], strides = [1, 1]} : vector<16x384xf32> to vector<16x128xf32>
    %slice3A_77 = vector.extract_strided_slice %get3A_56 {offsets = [0, 256], sizes = [1, 128], strides = [1, 1]} : vector<1x384xf32> to vector<1x128xf32>
    %mul3A_78 = vector.broadcast %slice3A_77 : vector<1x128xf32> to vector<16x128xf32>
    %mul3A_79 = arith.mulf %logistic3A_65, %mul3A_78 : vector<16x128xf32>
    %add3A_80 = arith.addf %slice3A_76, %mul3A_79 : vector<16x128xf32>
    %tanh3A = math.tanh %add3A_80 : vector<16x128xf32>
    %get3A_81 = arith.constant 0 : index
    %get3A_82 = arith.constant 0 : index
    %get3A_83 = vector.load %arg12[%get3A_81, %get3A_82] : memref<16x128xf32, #tpu.memory_space<vmem>>, vector<16x128xf32>
    %sub3A_84 = arith.constant 1.000000e+00 : f32
    %sub3A_85 = vector.broadcast %sub3A_84 : f32 to vector<16x128xf32>
    %sub3A_86 = arith.subf %sub3A_85, %logistic3A_75 : vector<16x128xf32>
    %mul3A_87 = arith.mulf %sub3A_86, %tanh3A : vector<16x128xf32>
    %add3A_88 = arith.addf %get3A_83, %mul3A_87 : vector<16x128xf32>
    %swap3A = arith.constant 0 : index
    %swap3A_89 = arith.constant 0 : index
    %swap3A_90 = vector.load %arg13[%swap3A, %swap3A_89] : memref<16x128xf32, #tpu.memory_space<vmem>>, vector<16x128xf32>
    tpu.vector_store %arg13[%swap3A, %swap3A_89], %add3A_88 {strides = array<i32>} : memref<16x128xf32, #tpu.memory_space<vmem>>, vector<16x128xf32>,
    return
  }
  func.func @transform_0(%arg0: i32) -> (i32, i32) {
    %c0_i32 = arith.constant 0 : i32
    %c0_i32_0 = arith.constant 0 : i32
    %c0_i32_1 = arith.constant 0 : i32
    return %c0_i32, %c0_i32_0 : i32, i32
  }
  func.func @transform_1(%arg0: i32) -> (i32, i32) {
    %c0_i32 = arith.constant 0 : i32
    %c0_i32_0 = arith.constant 0 : i32
    %c0_i32_1 = arith.constant 0 : i32
    return %c0_i32, %c0_i32_0 : i32, i32
  }
  func.func @transform_2(%arg0: i32) -> (i32, i32) {
    %c0_i32 = arith.constant 0 : i32
    %c0_i32_0 = arith.constant 0 : i32
    %c0_i32_1 = arith.constant 0 : i32
    return %c0_i32, %c0_i32_0 : i32, i32
  }
  func.func @transform_3(%arg0: i32) -> (i32, i32) {
    %c0_i32 = arith.constant 0 : i32
    %c0_i32_0 = arith.constant 0 : i32
    %c0_i32_1 = arith.constant 0 : i32
    return %c0_i32, %c0_i32_0 : i32, i32
  }
  func.func @transform_4(%arg0: i32) -> (i32, i32) {
    %c0_i32 = arith.constant 0 : i32
    %c0_i32_0 = arith.constant 0 : i32
    %c0_i32_1 = arith.constant 0 : i32
    return %c0_i32, %c0_i32_0 : i32, i32
  }
  func.func @transform_5(%arg0: i32) -> (i32, i32) {
    %c0_i32 = arith.constant 0 : i32
    %c0_i32_0 = arith.constant 0 : i32
    %c0_i32_1 = arith.constant 0 : i32
    return %c0_i32, %c0_i32_0 : i32, i32
  }
  func.func @transform_6(%arg0: i32) -> (i32, i32) {
    %c0_i32 = arith.constant 0 : i32
    %c0_i32_0 = arith.constant 0 : i32
    %c0_i32_1 = arith.constant 0 : i32
    return %c0_i32, %c0_i32_0 : i32, i32
  }
  func.func @transform_7(%arg0: i32) -> (i32, i32) {
    %c0_i32 = arith.constant 0 : i32
    %c0_i32_0 = arith.constant 0 : i32
    return %arg0, %c0_i32 : i32, i32
  }
  func.func @transform_8(%arg0: i32) -> (i32, i32) {
    %c0_i32 = arith.constant 0 : i32
    %c0_i32_0 = arith.constant 0 : i32
    return %arg0, %c0_i32 : i32, i32
  }
  func.func @transform_9(%arg0: i32) -> (i32, i32) {
    %c0_i32 = arith.constant 0 : i32
    %c0_i32_0 = arith.constant 0 : i32
    return %arg0, %c0_i32 : i32, i32
  }
  func.func @transform_10(%arg0: i32) -> (i32, i32) {
    %c0_i32 = arith.constant 0 : i32
    %c0_i32_0 = arith.constant 0 : i32
    return %arg0, %c0_i32 : i32, i32
  }
  func.func @transform_11(%arg0: i32) -> (i32, i32) {
    %c0_i32 = arith.constant 0 : i32
    %c0_i32_0 = arith.constant 0 : i32
    return %arg0, %c0_i32 : i32, i32
  }
  func.func @transform_12(%arg0: i32) -> (i32, i32) {
    %c0_i32 = arith.constant 0 : i32
    %c0_i32_0 = arith.constant 0 : i32
    return %arg0, %c0_i32 : i32, i32
  }
}

module attributes {stable_mosaic.version = 14 : i64} {
  func.func @_head_body(%arg0: memref<4096x128xf32, #tpu.memory_space<vmem>>, %arg1: memref<1x4096xi32, #tpu.memory_space<vmem>>, %arg2: memref<1x128xf32, #tpu.memory_space<vmem>>, %arg3: memref<1x128xf32, #tpu.memory_space<vmem>>, %arg4: memref<128x128xf32, #tpu.memory_space<vmem>>, %arg5: memref<1x128xf32, #tpu.memory_space<vmem>>, %arg6: memref<128x1xf32, #tpu.memory_space<vmem>>, %arg7: memref<1x1xf32, #tpu.memory_space<vmem>>, %arg8: memref<128x1xf32, #tpu.memory_space<vmem>>) attributes {dimension_semantics = [], scalar_prefetch = 0 : i64, scratch_operands = 0 : i64, tpu.core_type = #tpu.core_type<tc>} {
    %get3A = arith.constant 0 : index
    %get3A_0 = arith.constant 0 : index
    %get3A_1 = vector.load %arg0[%get3A, %get3A_0] : memref<4096x128xf32, #tpu.memory_space<vmem>>, vector<4096x128xf32>
    %reduce_sum3A = arith.constant dense<0.000000e+00> : vector<4096xf32>
    %reduce_sum3A_2 = vector.multi_reduction <add>, %get3A_1, %reduce_sum3A [1] : vector<4096x128xf32> to vector<4096xf32>
    %broadcast_in_dim3A = vector.shape_cast %reduce_sum3A_2 : vector<4096xf32> to vector<4096x1xf32>
    %div3A = arith.constant 1.280000e+02 : f32
    %div3A_3 = vector.broadcast %div3A : f32 to vector<4096x1xf32>
    %div3A_4 = arith.divf %broadcast_in_dim3A, %div3A_3 : vector<4096x1xf32>
    %sub3A = vector.broadcast %div3A_4 : vector<4096x1xf32> to vector<4096x128xf32>
    %sub3A_5 = arith.subf %get3A_1, %sub3A : vector<4096x128xf32>
    %mul3A = arith.mulf %sub3A_5, %sub3A_5 : vector<4096x128xf32>
    %reduce_sum3A_6 = arith.constant dense<0.000000e+00> : vector<4096xf32>
    %reduce_sum3A_7 = vector.multi_reduction <add>, %mul3A, %reduce_sum3A_6 [1] : vector<4096x128xf32> to vector<4096xf32>
    %broadcast_in_dim3A_8 = vector.shape_cast %reduce_sum3A_7 : vector<4096xf32> to vector<4096x1xf32>
    %div3A_9 = arith.constant 1.280000e+02 : f32
    %div3A_10 = vector.broadcast %div3A_9 : f32 to vector<4096x1xf32>
    %div3A_11 = arith.divf %broadcast_in_dim3A_8, %div3A_10 : vector<4096x1xf32>
    %add3A = arith.constant 9.99999974E-6 : f32
    %add3A_12 = vector.broadcast %add3A : f32 to vector<4096x1xf32>
    %add3A_13 = arith.addf %div3A_11, %add3A_12 : vector<4096x1xf32>
    %rsqrt3A = math.rsqrt %add3A_13 : vector<4096x1xf32>
    %mul3A_14 = vector.broadcast %rsqrt3A : vector<4096x1xf32> to vector<4096x128xf32>
    %mul3A_15 = arith.mulf %sub3A_5, %mul3A_14 : vector<4096x128xf32>
    %get3A_16 = arith.constant 0 : index
    %get3A_17 = arith.constant 0 : index
    %get3A_18 = vector.load %arg2[%get3A_16, %get3A_17] : memref<1x128xf32, #tpu.memory_space<vmem>>, vector<1x128xf32>
    %mul3A_19 = vector.broadcast %get3A_18 : vector<1x128xf32> to vector<4096x128xf32>
    %mul3A_20 = arith.mulf %mul3A_15, %mul3A_19 : vector<4096x128xf32>
    %get3A_21 = arith.constant 0 : index
    %get3A_22 = arith.constant 0 : index
    %get3A_23 = vector.load %arg3[%get3A_21, %get3A_22] : memref<1x128xf32, #tpu.memory_space<vmem>>, vector<1x128xf32>
    %add3A_24 = vector.broadcast %get3A_23 : vector<1x128xf32> to vector<4096x128xf32>
    %add3A_25 = arith.addf %mul3A_20, %add3A_24 : vector<4096x128xf32>
    %iota3A = tpu.iota {dimensions = array<i32: 0>} : vector<128x1xi32>
    %get3A_26 = arith.constant 0 : index
    %get3A_27 = arith.constant 0 : index
    %get3A_28 = vector.load %arg1[%get3A_26, %get3A_27] : memref<1x4096xi32, #tpu.memory_space<vmem>>, vector<1x4096xi32>
    %eq3A = vector.broadcast %iota3A : vector<128x1xi32> to vector<128x4096xi32>
    %eq3A_29 = vector.broadcast %get3A_28 : vector<1x4096xi32> to vector<128x4096xi32>
    %eq3A_30 = arith.cmpi eq, %eq3A, %eq3A_29 : vector<128x4096xi32>
    %convert_element_type3A = arith.extui %eq3A_30 : vector<128x4096xi1> to vector<128x4096xi32>
    %convert_element_type3A_31 = arith.sitofp %convert_element_type3A : vector<128x4096xi32> to vector<128x4096xf32>
    %dot_general3A = arith.constant dense<0.000000e+00> : vector<128x128xf32>
    %dot_general3A_32 = tpu.matmul %convert_element_type3A_31, %add3A_25, %dot_general3A {dimension_numbers = #tpu.dot_dimension_numbers<[1], [0], [0], [1], [0, 0, 1, 1], [], []>, precision = #tpu.contract_precision<fp32>, transpose_lhs_hint = false} : vector<128x4096xf32>, vector<4096x128xf32>, vector<128x128xf32> -> vector<128x128xf32>
    %reduce_sum3A_33 = arith.constant dense<0.000000e+00> : vector<128xf32>
    %reduce_sum3A_34 = vector.multi_reduction <add>, %convert_element_type3A_31, %reduce_sum3A_33 [1] : vector<128x4096xf32> to vector<128xf32>
    %broadcast_in_dim3A_35 = vector.shape_cast %reduce_sum3A_34 : vector<128xf32> to vector<128x1xf32>
    %max3A = arith.constant 1.000000e+00 : f32
    %max3A_36 = vector.broadcast %max3A : f32 to vector<128x1xf32>
    %max3A_37 = arith.maximumf %broadcast_in_dim3A_35, %max3A_36 : vector<128x1xf32>
    %div3A_38 = vector.broadcast %max3A_37 : vector<128x1xf32> to vector<128x128xf32>
    %div3A_39 = arith.divf %dot_general3A_32, %div3A_38 : vector<128x128xf32>
    %get3A_40 = arith.constant 0 : index
    %get3A_41 = arith.constant 0 : index
    %get3A_42 = vector.load %arg4[%get3A_40, %get3A_41] : memref<128x128xf32, #tpu.memory_space<vmem>>, vector<128x128xf32>
    %dot_general3A_43 = arith.constant dense<0.000000e+00> : vector<128x128xf32>
    %dot_general3A_44 = tpu.matmul %div3A_39, %get3A_42, %dot_general3A_43 {dimension_numbers = #tpu.dot_dimension_numbers<[1], [0], [0], [1], [0, 0, 1, 1], [], []>, transpose_lhs_hint = false} : vector<128x128xf32>, vector<128x128xf32>, vector<128x128xf32> -> vector<128x128xf32>
    %get3A_45 = arith.constant 0 : index
    %get3A_46 = arith.constant 0 : index
    %get3A_47 = vector.load %arg5[%get3A_45, %get3A_46] : memref<1x128xf32, #tpu.memory_space<vmem>>, vector<1x128xf32>
    %add3A_48 = vector.broadcast %get3A_47 : vector<1x128xf32> to vector<128x128xf32>
    %add3A_49 = arith.addf %dot_general3A_44, %add3A_48 : vector<128x128xf32>
    %logistic3A = arith.negf %add3A_49 : vector<128x128xf32>
    %logistic3A_50 = math.exp %logistic3A : vector<128x128xf32>
    %logistic3A_51 = arith.constant 1.000000e+00 : f32
    %logistic3A_52 = vector.broadcast %logistic3A_51 : f32 to vector<128x128xf32>
    %logistic3A_53 = arith.addf %logistic3A_52, %logistic3A_50 : vector<128x128xf32>
    %logistic3A_54 = arith.divf %logistic3A_52, %logistic3A_53 : vector<128x128xf32>
    %mul3A_55 = arith.mulf %add3A_49, %logistic3A_54 : vector<128x128xf32>
    %get3A_56 = arith.constant 0 : index
    %get3A_57 = arith.constant 0 : index
    %get3A_58 = vector.load %arg6[%get3A_56, %get3A_57] : memref<128x1xf32, #tpu.memory_space<vmem>>, vector<128x1xf32>
    %dot_general3A_59 = arith.constant dense<0.000000e+00> : vector<128x1xf32>
    %dot_general3A_60 = tpu.matmul %mul3A_55, %get3A_58, %dot_general3A_59 {dimension_numbers = #tpu.dot_dimension_numbers<[1], [0], [0], [1], [0, 0, 1, 1], [], []>, transpose_lhs_hint = false} : vector<128x128xf32>, vector<128x1xf32>, vector<128x1xf32> -> vector<128x1xf32>
    %get3A_61 = arith.constant 0 : index
    %get3A_62 = arith.constant 0 : index
    %get3A_63 = vector.load %arg7[%get3A_61, %get3A_62] : memref<1x1xf32, #tpu.memory_space<vmem>>, vector<1x1xf32>
    %add3A_64 = vector.broadcast %get3A_63 : vector<1x1xf32> to vector<128x1xf32>
    %add3A_65 = arith.addf %dot_general3A_60, %add3A_64 : vector<128x1xf32>
    %swap3A = arith.constant 0 : index
    %swap3A_66 = arith.constant 0 : index
    %swap3A_67 = vector.load %arg8[%swap3A, %swap3A_66] : memref<128x1xf32, #tpu.memory_space<vmem>>, vector<128x1xf32>
    tpu.vector_store %arg8[%swap3A, %swap3A_66], %add3A_65 {strides = array<i32>} : memref<128x1xf32, #tpu.memory_space<vmem>>, vector<128x1xf32>,
    return
  }
}

</mosaic_0001>

<sc_bundles>
// kernel: gather_offload_async_start
scs
__scs_entry_jumppad:
0x0: {  	(pc) =	sbr.rel $0x88, $3  }
0x1: {  	(tag) =	ssettag $0x0;
	lr =	simm.s32 $0x1  }
0x2: {  	[smem:$0x3F90] =	sst lr;
	_ =	strace $0xD0000000  }
0x3: {  	_ = 	snop  }
0x4: {  	_ = 	snop  }
0x5: {  	_ = 	snop  }
0x6: {  	_ = 	snop  }
0x7: {  	_ = 	snop  }
__scs_overlays_trampoline_lowered:
0x8: {  	[smem:$0x3F9F] =	sst s0  }
0x9: {  	[smem:$0x3FA0] =	sst s1  }
0xa: {  	[smem:$0x3FA1] =	sst s2  }
0xb: {  	[smem:$0x3FA2] =	sst s3  }
0xc: {  	[smem:$0x3FA3] =	sst s4  }
0xd: {  	[smem:$0x3FA4] =	sst s5  }
0xe: {  	[smem:$0x3FA5] =	sst s6  }
0xf: {  	[smem:$0x3FA6] =	sst s7  }
0x10: {  	[smem:$0x3FA7] =	sst s8  }
0x11: {  	[smem:$0x3FA8] =	sst s9;
	s0 =	simm.s32 @!p0 $0x0  }
0x12: {  	s1 =	sld [smem:$0x3F8E];
	s0 =	simm.s32 @p0 $0x1  }
0x13: {  	[smem:$0x3FA9] =	sst s0;
	s0 =	simm.s32 @!p1 $0x0  }
0x14: {  	s2 =	sld [smem:$0x3F8D];
	s0 =	simm.s32 @p1 $0x1  }
0x15: {  	[smem:$0x3FAA] =	sst s0;
	s0 =	simm.s32 @!p2 $0x0  }
0x16: {  	s3 =	sld [smem:$0x3FDB];
	s0 =	simm.s32 @p2 $0x1  }
0x17: {  	s4 =	simm.s32 $0x1BF5;
	[smem:$0x3FAC] =	sst s0  }
0x18: {  	s0 =	sld [smem:$0x3F8F];
	_ =	swait.ge [sflag:s4], $0x0  }
0x19: {  	s7 =	sld [smem:$0x3F90]  }
0x1a: {  	s8 =	sadd.s32 $0xFFFFE003, lr  }
0x1b: {  	s9 =	sadd.s32 $0xFFFFFEF7, lr;
	s5 =	simm.s32 $0xFFFFFFFF;
	p2 =	slt.u32 s8, $0xFFFFF086  }
0x1c: {  	p1 =	slt.u32 s9, $0xF7A;
	s5 =	simm.s32 @!p2 $0x0  }
0x1d: {  	s5 =	simm.s32 @p1 $0x1;
	p0 =	seq.s32 s7, s2  }
0x1e: {  	s7 =	smul.u32 @!p0 $0xF7A, s2;
	p2 =	seq.s32 @!p0 s5, $0x0  }
0x1f: {  	s9 =	smul.u32 $0xF7A, s1;
	s8 =	simm.s32 @!p0 $0x1BF5;
	p2 =	por !p2, p0  }
0x20: {  	[sflag:s8] =	ssyncset.s32 @!p0 $0xFFFFF086;
	s6 =	sadd.s32 @!p0 s3, s7;
	s7 =	simm.s32 @!p0 $0x108  }
0x21: {  	s3 =	sadd.s32 s3, s9;
	s6 =	sadd.s32 @!p0 $0x88, s6;
	s7 =	simm.s32 @p2 $0x1082  }
0x22: {  	[simem:s7], [sflag:s8] =	dma.local @!p0 [hbm:s6], $0xF7A  }
0x23: {  	s9 =	sor.u32 $0xD0000000, s2;
	s6 =	simm.s32 $0x108;
	_ =	swait.ge @!p0 [sflag:s8], $0x0  }
0x24: {  	s3 =	sadd.s32 $0x88, s3;
	s6 =	simm.s32 @!p1 $0x1082;
	[sflag:s4] =	ssyncset.s32 $0xFFFFF086  }
0x25: {  	[simem:s6], [sflag:s4] =	dma.local [hbm:s3], $0xF7A  }
0x26: {  	[smem:$0x3F90] =	sst s1;
	(tag) =	ssettag s2;
	_ =	strace s9  }
0x27: {  	s1 =	sld [smem:$0x3FA0]  }
0x28: {  	s2 =	sld [smem:$0x3FA1]  }
0x29: {  	s4 =	sld [smem:$0x3FA3]  }
0x2a: {  	p0 =	seq.s32 s5, $0x0;
	s5 =	sld [smem:$0x3FA4]  }
0x2b: {  	s6 =	sld [smem:$0x3FA5]  }
0x2c: {  	s7 =	sld [smem:$0x3FA6]  }
0x2d: {  	s3 =	simm.s32 $0x108;
	s8 =	sld [smem:$0x3FA7]  }
0x2e: {  	s3 =	simm.s32 @!p0 $0x1082;
	s9 =	sld [smem:$0x3FA8]  }
0x2f: {  	lr =	sadd.s32 s0, s3;
	s0 =	sld [smem:$0x3F9F]  }
0x30: {  	s3 =	sld [smem:$0x3FA2]  }
0x31: {  	[smem:$0x3FAB] =	sst s10  }
0x32: {  	s10 =	sld [smem:$0x3FA9];
	_ =	sdelay $0x3  }
0x33: {  	p0 =	seq.s32 s10, $0x1;
	s10 =	sld [smem:$0x3FAB];
	_ =	sdelay $0x3  }
0x34: {  	[smem:$0x3FAB] =	sst s10  }
0x35: {  	s10 =	sld [smem:$0x3FAA];
	_ =	sdelay $0x3  }
0x36: {  	p1 =	seq.s32 s10, $0x1;
	s10 =	sld [smem:$0x3FAB];
	_ =	sdelay $0x3  }
0x37: {  	[smem:$0x3FAB] =	sst s10  }
0x38: {  	s10 =	sld [smem:$0x3FAC]  }
0x39: {  	_ = 	snop;
	(pc) =	sbr.ind lr, $3  }
0x3a: {  	_ = 	snop  }
0x3b: {  	_ = 	snop  }
0x3c: {  	p2 =	seq.s32 s10, $0x1;
	s10 =	sld [smem:$0x3FAB]  }
0x3d: {  	_ =	shalt  }
0x3e: {  	_ =	shalt  }
0x3f: {  	_ =	shalt  }
0x40: {  	_ =	shalt  }
0x41: {  	_ =	shalt  }
0x42: {  	_ =	shalt  }
0x43: {  	_ =	shalt  }
0x44: {  	_ =	shalt  }
0x45: {  	_ =	shalt  }
0x46: {  	_ =	shalt  }
0x47: {  	_ =	shalt  }
0x48: {  	_ =	shalt  }
0x49: {  	_ =	shalt  }
0x4a: {  	_ =	shalt  }
0x4b: {  	_ =	shalt  }
0x4c: {  	_ =	shalt  }
0x4d: {  	_ =	shalt  }
0x4e: {  	_ =	shalt  }
0x4f: {  	_ =	shalt  }
0x50: {  	_ =	shalt  }
0x51: {  	_ =	shalt  }
0x52: {  	_ =	shalt  }
0x53: {  	_ =	shalt  }
0x54: {  	_ =	shalt  }
0x55: {  	_ =	shalt  }
0x56: {  	_ =	shalt  }
0x57: {  	_ =	shalt  }
0x58: {  	_ =	shalt  }
0x59: {  	_ =	shalt  }
0x5a: {  	_ =	shalt  }
0x5b: {  	_ =	shalt  }
0x5c: {  	_ =	shalt  }
0x5d: {  	_ =	shalt  }
0x5e: {  	_ =	shalt  }
0x5f: {  	_ =	shalt  }
0x60: {  	_ =	shalt  }
0x61: {  	_ =	shalt  }
0x62: {  	_ =	shalt  }
0x63: {  	_ =	shalt  }
0x64: {  	_ =	shalt  }
0x65: {  	_ =	shalt  }
0x66: {  	_ =	shalt  }
0x67: {  	_ =	shalt  }
0x68: {  	_ =	shalt  }
0x69: {  	_ =	shalt  }
0x6a: {  	_ =	shalt  }
0x6b: {  	_ =	shalt  }
0x6c: {  	_ =	shalt  }
0x6d: {  	_ =	shalt  }
0x6e: {  	_ =	shalt  }
0x6f: {  	_ =	shalt  }
0x70: {  	_ =	shalt  }
0x71: {  	_ =	shalt  }
0x72: {  	_ =	shalt  }
0x73: {  	_ =	shalt  }
0x74: {  	_ =	shalt  }
0x75: {  	_ =	shalt  }
0x76: {  	_ =	shalt  }
0x77: {  	_ =	shalt  }
0x78: {  	_ =	shalt  }
0x79: {  	_ =	shalt  }
0x7a: {  	_ =	shalt  }
0x7b: {  	_ =	shalt  }
0x7c: {  	_ =	shalt  }
0x7d: {  	_ =	shalt  }
0x7e: {  	_ =	shalt  }
0x7f: {  	_ =	shalt  }
0x80: {  	_ =	shalt  }
0x81: {  	_ =	shalt  }
0x82: {  	_ =	shalt  }
0x83: {  	_ =	shalt  }
0x84: {  	_ =	shalt  }
0x85: {  	_ =	shalt  }
0x86: {  	_ =	shalt  }
0x87: {  	_ =	shalt  }
.Lfunc_end0:
.L_simem_size_0:
called_computation_lowered:
.L_overlay_start_0:
0x88: {  	s2 =	sld [smem:$0x3FD9]  }
0x89: {  	s3 =	sld [smem:$0x3FFE];
	_ =	sdelay $0x1  }
0x8a: {  	s1 =	srdreg.scid  }
0x8b: {  	s0 =	sand.u32 $0x1, s1  }
0x8c: {  	s16 =	sshll.u32 s0, $0xA;
	s2 =	sadd.s32 s3, s2  }
0x8d: {  	s2 =	sadd.s32 s2, s16  }
0x8e: {  	[smem:$0x3FB7] =	sst s2  }
0x8f: {  	_ = 	snop  }
0x90: {  	(tm) =	ssettm $0x1  }
0x91: {  	s17 =	sld [smem:$0x3FFB];
	_ =	sdelay $0x3  }
0x92: {  	_ =	strace s17  }
0x93: {  	s2 =	sld [smem:$0x3FFC];
	_ =	sdelay $0x3  }
0x94: {  	_ =	strace s2  }
0x95: {  	s2 =	sld [smem:$0x3FFD];
	_ =	sdelay $0x3  }
0x96: {  	_ =	strace s2  }
0x97: {  	_ =	strace $0x8FFFFFFF  }
0x98: {  	s18 =	sld [smem:$0x3FDB];
	_ =	sdelay $0x1  }
0x99: {  	s19 =	simm.s32 $_scs_section_size  }
0x9a: {  	s4 =	simm.s32 $_size__tile_overlayer_lowered;
	s5 =	simm.s32 $_tile_overlayer_lowered  }
0x9b: {  	s22 =	simm.s32 $0x1BFF;
	s21 =	sshll.u32 s5, $0x1;
	s2 =	sadd.s32 s19, s18  }
0x9c: {  	s6 =	simm.s32 $0x0;
	s20 =	sshll.u32 s4, $0x1;
	s4 =	sadd.s32 s21, s2  }
0x9d: {  	[timem:s6], [sflag:s22] =	dma.local [hbm:s4], s20  }
0x9e: {  	_ =	swait.ge [sflag:s22], s20  }
0x9f: {  	s3 =	ssub.s32 $0x0, s20;
	[sflag:s22] =	ssyncset.done $0x0  }
0xa0: {  	[sflag:s22] =	ssyncadd.s32 s3;
	_ =	sdelay $0x1  }
0xa1: {  	s23 =	simm.s32 $0x1B8B  }
0xa2: {  	_ =	swait.ge [sflag:s23], $0x1  }
0xa3: {  	[sflag:s23] =	ssyncset.done $0x0  }
0xa4: {  	s25 =	simm.s32 $0x1B8E;
	s24 =	sld [smem:$0x3FFE];
	[sflag:s23] =	ssyncadd.s32 $0xFFFFFFFF  }
0xa5: {  	s26 =	simm.s32 $execute0_lowered;
	[smem:$0x3FD2] =	sst s25  }
0xa6: {  	s4 =	sshll.u32 s26, $0x1;
	_ =	strace $0x80000046;
	[dreg:$0x1] =	wrdreg $0xFFFFFFFF  }
0xa7: {  	s28 =	simm.s32 $_size_execute0_lowered;
	s2 =	sadd.s32 s2, s4;
	[dreg:$0x0] =	wrdreg $0x0  }
0xa8: {  	s4 =	sshll.u32 s28, $0x1;
	[dreg:$0x2] =	wrdreg s2  }
0xa9: {  	[dreg:$0x3] =	wrdreg s4  }
0xaa: {  	[dreg:$0x4] =	wrdreg $0xC0  }
0xab: {  	_ =	task [dreg:s6], $0x5FFFF  }
0xac: {  	[dreg:$0x1] =	wrdreg $0xFFFFFFFF  }
0xad: {  	[dreg:$0x0] =	wrdreg $0x60  }
0xae: {  	[dreg:$0x2] =	wrdreg s24  }
0xaf: {  	[dreg:$0x3] =	wrdreg $0x9  }
0xb0: {  	_ =	task.clear_ibuf [dreg:s6], $0x4FFFF;
	_ =	strace $0x90000046  }
0xb1: {  	s29 =	simm.s32 $0x9;
	_ =	strace $0x80000048  }
0xb2: {  	_ =	swait.ge [sflag:s29], $0x1  }
0xb3: {  	[sflag:s29] =	ssyncadd.s32 $0xFFFFFFFF  }
0xb4: {  	_ =	strace $0x90000048  }
0xb5: {  	_ =	sfence  }
0xb6: {  	s30 =	sld [smem:$0x0];
	_ =	sdelay $0x2  }
0xb7: {  	s31 =	sshll.u32 s1, $0xD;
	s1 =	sshrl.u32 s1, $0x2  }
0xb8: {  	s3 =	sand.u32 $0x4000, s31;
	s1 =	sadd.s32 s1, s30  }
0xb9: {  	s0 =	sor.u32 s3, s0;
	s1 =	sshll.u32 s1, $0x11  }
0xba: {  	s0 =	sor.u32 s1, s0  }
0xbb: {  	s0 =	sadd.s32 $0x8F2B, s0  }
0xbc: {  	[sflag:s0] =	ssyncadd.remote.s32 $0x1  }
0xbd: {  	_ =	sfence.sel $0xFFFF  }
0xbe: {  	[dreg:$0x0] =	wrdreg $0xFFFFFFFF;
	(pc) =	sbr.abs _section_cstart, $3  }
0xbf: {  	[dreg:$0x1] =	wrdreg $0xFFFFFFFF  }
0xc0: {  	_ =	task.clear_ibuf [dreg:s6], $0x2FFFF;
	_ =	strace $0x9FFFFFFF  }
0xc1: {  	(tm) =	ssettm $0x7FFFFFFF  }
tec
execute0_lowered:
.L_overlay_start_1:
0x0: {  	(tag) =	ssettag $0x1  }
0x1: {  	s0 =	srdreg.scid;
	s5 =	rddreg [dreg:$0x0]  }
0x2: {  	s1 =	stileid.u32;
	s6 =	simm.s32 $0x1;
	s9 =	simm.s32 $0x1  }
0x3: {  	s10 =	simm.s32 $0x3;
	s13 =	simm.s32 $0x0;
	s2 =	sshll.u32 s0, $0xE  }
0x4: {  	s12 =	simm.s32 $0x0;
	s3 =	sshll.u32 s1, $0xF;
	s2 =	sand.u32 $0x4000, s2  }
0x5: {  	s0 =	rddreg [dreg:$0x1];
	_ =	strace $0x80000047;
	s2 =	sor.u32 s3, s2  }
0x6: {  	s4 =	sadd.s32 $0x22A800, s5;
	[sflag:s6] =	ssyncpa.u1 $0x0;
	s8 =	ssub.s32 $0x100000, s2  }
.Ltmp0:
0x7: {  	s3 =	sadd.s32 $0xA600, s5;
	s7 =	sand.u32 $0x7C000, s8;
	(pc) =	sbr.rel .LBB2_1-.Ltmp0, $4  }
0x8: {  	s5 =	sadd.s32 $0x27CE00, s5;
	s11 =	smov.u32 s2;
	p0 =	sne.s32 s7, $0x0  }
0x9: {  	s8 =	sshrl.u32 s8, $0x13;
	s7 =	simm.s32 $0x2;
	s9 =	simm.s32 @!p0 $0x0  }
0xa: {  	[sflag:s7] =	ssyncpa.u1 $0x0;
	p0 =	por $0x0, $0x0;
	s8 =	sadd.s32 s9, s8  }
0xb: {  	vm0 =	vmmov $0xffff;
	[sflag:s10] =	ssyncpa.u1 $0x0;
	s10 =	simm.s32 $0x0;
	s9 =	sadd.s32 $0x1, s8  }
.LBB2_4:
0xc: {  	vm1 =	veq.s32 v0, $0x80000000;
	v63 =	vand.u32 $0xFFF, v0;
	v2 =	vand.u32 $0xFFF, v2  }
0xd: {  	v0 =	vsel vm1, $0xFFFFFFFF, v63;
	v2 =	vsel vm1, $0xFFFFFFFF, v2  }
0xe: {  	v3 =	vshll.u32 v0, $0xC;
	v4 =	vshll.u32 v2, $0x3  }
0xf: {  	v0 =	vshll.u32 v0, $0x7;
	v3 =	vand.u32 $0xFFFF8000, v3;
	v4 =	vand.u32 $0xFFFFFC00, v4  }
0x10: {  	v0 =	vand.u32 $0x380, v0;
	v3 =	vadd.s32 v3, v4  }
0x11: {  	v2 =	vand.u32 $0x7F, v2;
	v0 =	vor.u32 v0, v3  }
0x12: {  	v0 =	vor.u32 v2, v0;
	_ =	sdelay $0x1  }
0x13: {  	(ifvalue) =	ssetifvalue $0x7FFFFFFF;
	s14 =	sadd.s32 $0x10, s14  }
0x14: {  	[tilespmem:s14], [sflag:$0x1] =	stream.indirect_vreg.gather [hbm4b:s3+s10], $0x1, v1, vm0, $0x4038;
	[tilespmem:$0x10000] =	vst v63  }
0x15: {  	(ifvalue) =	ssetifvalue $0x7FFFFFFF;
	s14 =	sadd.s32 $0x10, s14  }
0x16: {  	[tilespmem:s14], [sflag:$0x1] =	stream.indirect_vreg.gather [hbm4b:s3+s10], $0x1, v0, vm0, $0x4038;
	[tilespmem:$0x10000] =	vst v63  }
0x17: {  	_ =	swait.ge [sflag:s6], $0x4000  }
0x18: {  	s30 =	sshrl.u32 s13, $0x3;
	[sflag:s6] =	ssyncset.done $0x0  }
0x19: {  	s31 =	sand.u32 $0x7, s13;
	s14 =	sadd.s32 s5, s30;
	[sflag:s6] =	ssyncadd.s32 $0xFFFFC000  }
0x1a: {  	[hbm4b:s14+s31] =	stream.linear.scatter [tilespmem:s15], [sflag:$0x3], $0x4000, $0x38;
	[tilespmem:$0x10000] =	vst v63  }
.LBB2_5:
0x1b: {  	s15 =	sadd.s32 $0x80000, s11  }
0x1c: {  	p2 =	sgt.s32 s15, $0xFFFFF  }
0x1d: {  	s15 =	smov.u32 @p2 s2;
	p2 =	sne.s32 s12, s9  }
.Ltmp1:
0x1e: {  	p1 =	slt.u32 s12, $0x2;
	(pc) =	sbr.rel @!p2 .LBB2_6-.Ltmp1, $4  }
0x1f: {  	s14 =	simm.s32 @!p1 $0x3  }
0x20: {  	s16 =	sadd.s32 $0x1, s12;
	_ =	swait.ge @!p1 [sflag:s14], $0x4000  }
0x21: {  	s13 =	smov.u32 s11;
	p0 =	por !p0, !p0;
	[sflag:s14] =	ssyncset.done @!p1 $0x0  }
0x22: {  	s12 =	smov.u32 s16;
	s11 =	smov.u32 s15;
	[sflag:s14] =	ssyncadd.s32 @!p1 $0xFFFFC000  }
.LBB2_1:
0x23: {  	p1 =	sge.u32 s12, s8  }
0x24: {  	s14 =	sxor.u32 @!p1 $0xFFFFFFFF, s12  }
0x25: {  	s31 =	sadd.s32 $0xFFFFFFFF, s12;
	s15 =	sshrl.u32 @!p1 s11, $0x3;
	s14 =	sshll.u32 @!p1 s14, $0xE  }
0x26: {  	s16 =	sand.u32 @!p1 $0x7, s11;
	s15 =	sadd.s32 @!p1 s4, s15;
	s14 =	sand.u32 @!p1 $0x4000, s14  }
0x27: {  	[tilespmem:s14], [sflag:$0x2] =	stream.linear.gather @!p1 [hbm4b:s15+s16], $0x4000, $0x38;
	[tilespmem:$0x10000] =	vst v63  }
0x28: {  	p1 =	sge.u32 s31, s8  }
.Ltmp2:
0x29: {  	_ = 	snop;
	(pc) =	sbr.rel @p1 .LBB2_5-.Ltmp2, $1  }
0x2a: {  	_ =	sdelay $0x3  }
0x2b: {  	s14 =	simm.s32 $0x1  }
0x2c: {  	_ =	swait.ge [sflag:s7], $0x4000;
	s14 =	simm.s32 @!p0 $0x0  }
0x2d: {  	[sflag:s7] =	ssyncset.done $0x0;
	s14 =	sshll.u32 s14, $0xE  }
0x2e: {  	[sflag:s7] =	ssyncadd.s32 $0xFFFFC000;
	(ifvalue) =	ssetifvalue $0x7FFFFFFF;
	v0 =	vld.msk [tilespmem:s14+$0x0 ss:$0x1], $0xffff;
	_ =	sdelay $0x3  }
0x2f: {  	s15 =	sadd.s32 $0x10, s14  }
0x30: {  	v2 =	vld.msk [tilespmem:s15+$0x0 ss:$0x1], $0xffff;
	v1 =	vshrl.u32 v0, $0xC  }
0x31: {  	vm1 =	veq.s32 v0, $0x80000000;
	v0 =	vand.u32 $0xFFF, v0;
	v1 =	vand.u32 $0xFFF, v1  }
0x32: {  	v0 =	vsel vm1, $0xFFFFFFFF, v0;
	v1 =	vsel vm1, $0xFFFFFFFF, v1  }
0x33: {  	v3 =	vshll.u32 v0, $0xC;
	v4 =	vshll.u32 v1, $0x3  }
0x34: {  	v0 =	vshll.u32 v0, $0x7;
	v3 =	vand.u32 $0xFFFF8000, v3;
	v4 =	vand.u32 $0xFFFFFC00, v4  }
0x35: {  	vm1 =	veq.s32 v2, $0x80000000;
	v0 =	vand.u32 $0x380, v0;
	v3 =	vadd.s32 v3, v4  }
0x36: {  	v1 =	vand.u32 $0x7F, v1;
	v0 =	vor.u32 v0, v3;
	v3 =	vshrl.u32 v2, $0xC  }
0x37: {  	s17 =	sadd.s32 $0x10, s15;
	v2 =	vand.u32 $0xFFF, v2;
	v1 =	vor.u32 v1, v0;
	v3 =	vand.u32 $0xFFF, v3  }
0x38: {  	v0 =	vld.msk [tilespmem:s17+$0x0 ss:$0x1], $0xffff;
	v2 =	vsel vm1, $0xFFFFFFFF, v2;
	v3 =	vsel vm1, $0xFFFFFFFF, v3  }
0x39: {  	v63 =	vshll.u32 v2, $0xC;
	v5 =	vshll.u32 v3, $0x3  }
0x3a: {  	s31 =	sshll.u32 s12, $0xE;
	v2 =	vshll.u32 v2, $0x7;
	v4 =	vand.u32 $0xFFFF8000, v63;
	v5 =	vand.u32 $0xFFFFFC00, v5  }
0x3b: {  	s14 =	sor.u32 $0x8000, s14;
	s15 =	sand.u32 $0x4000, s31;
	(ifvalue) =	ssetifvalue $0x7FFFFFFF;
	v2 =	vand.u32 $0x380, v2;
	v4 =	vadd.s32 v4, v5  }
0x3c: {  	[tilespmem:s14], [sflag:$0x1] =	stream.indirect_vreg.gather [hbm4b:s3+s10], $0x1, v1, vm0, $0x4038;
	v1 =	vand.u32 $0x7F, v3;
	v3 =	vor.u32 v2, v4;
	[tilespmem:$0x10000] =	vst v63  }
0x3d: {  	s16 =	simm.s32 $0x20;
	s15 =	sor.u32 $0x8000, s15;
	s17 =	sadd.s32 $0x10, s17;
	v2 =	vshrl.u32 v0, $0xC;
	v1 =	vor.u32 v1, v3  }
.LBB2_3:
0x3e: {  	s16 =	sadd.s32 $0x10, s16;
	vm1 =	veq.s32 v0, $0x80000000;
	v3 =	vand.u32 $0xFFF, v0;
	v0 =	vld.msk [tilespmem:s17+$0x0 ss:$0x1], $0xffff;
	v2 =	vand.u32 $0xFFF, v2  }
0x3f: {  	p1 =	slt.u32 s16, $0x3FF0;
	v3 =	vsel vm1, $0xFFFFFFFF, v3;
	v2 =	vsel vm1, $0xFFFFFFFF, v2  }
.Ltmp3:
0x40: {  	v4 =	vshll.u32 v3, $0xC;
	v5 =	vshll.u32 v2, $0x3;
	(pc) =	sbr.rel @p1 .LBB2_3-.Ltmp3, $4  }
0x41: {  	s14 =	sadd.s32 $0x10, s14;
	v3 =	vshll.u32 v3, $0x7;
	v4 =	vand.u32 $0xFFFF8000, v4;
	v5 =	vand.u32 $0xFFFFFC00, v5;
	(ifvalue) =	ssetifvalue $0x7FFFFFFF  }
0x42: {  	v3 =	vand.u32 $0x380, v3;
	v4 =	vadd.s32 v4, v5;
	[tilespmem:s14], [sflag:$0x1] =	stream.indirect_vreg.gather [hbm4b:s3+s10], $0x1, v1, vm0, $0x4038;
	[tilespmem:$0x10000] =	vst v63  }
0x43: {  	v1 =	vand.u32 $0x7F, v2;
	v3 =	vor.u32 v3, v4  }
0x44: {  	s17 =	sadd.s32 $0x10, s17;
	v2 =	vshrl.u32 v0, $0xC;
	v1 =	vor.u32 v1, v3  }
.Ltmp4:
0x45: {  	_ = 	snop;
	(pc) =	sbr.rel .LBB2_4-.Ltmp4, $1  }
0x46: {  	_ =	sdelay $0x3  }
.LBB2_6:
0x47: {  	_ =	sfence.sel $0x180000  }
0x48: {  	s2 =	simm.s32 $0x2;
	[bflag:$0x0] =	sbarrier.arrive $0xFFFF  }
0x49: {  	s30 =	simm.s32 $0x3;
	[sflag:s2] =	ssyncpa.u1 $0x1  }
0x4a: {  	s31 =	simm.s32 $0x1;
	[sflag:s30] =	ssyncpa.u1 $0x1  }
0x4b: {  	[sflag:s31] =	ssyncpa.u1 $0x1  }
0x4c: {  	p0 =	sne.s32 s1, $0x0;
	_ =	strace $0x90000047  }
0x4d: {  	s0 =	sadd.s32 @!p0 $0x100000, s0;
	[bflag:$0x2] =	sbarrier.arrive $0xFFFF  }
0x4e: {  	[sflag:s0] =	ssyncadd.tile.s32 @!p0 $0x1;
	_ =	shalt  }
.Lfunc_end2:
_tile_overlayer_lowered:
.L_overlay_start_2:
0x4f: {  	(tag) =	ssettag $0x2  }
0x50: {  	s0 =	rddreg [dreg:$0x0];
	s2 =	stileid.u32  }
0x51: {  	s1 =	rddreg [dreg:$0x1];
	p0 =	sne.s32 s2, $0x0  }
0x52: {  	s3 =	rddreg [dreg:$0x2];
	[bflag:$0x3] =	sbarrier.arrive $0xFFFF;
	s2 =	simm.s32 @!p0 $0x1C01  }
0x53: {  	[timem:s3], [sflag:s2] =	dma.local @!p0 [hbm:s0], s1  }
0x54: {  	s0 =	simm.s32 @!p0 $0x1  }
0x55: {  	_ =	swait.ge @!p0 [sflag:s0], s1  }
0x56: {  	s1 =	ssub.s32 @!p0 $0x0, s1;
	[sflag:s0] =	ssyncset.done @!p0 $0x0  }
0x57: {  	[sflag:s0] =	ssyncadd.s32 @!p0 s1  }
0x58: {  	[bflag:$0x3] =	sbarrier.arrive $0xFFFF  }
0x59: {  	_ =	shalt  }

// kernel: kernel.16.cloned.1.call-start
scs
__scs_entry_jumppad:
0x0: {  	(pc) =	sbr.rel $0x88, $3  }
0x1: {  	(tag) =	ssettag $0x0;
	lr =	simm.s32 $0x1  }
0x2: {  	[smem:$0x3F90] =	sst lr;
	_ =	strace $0xD0000000  }
0x3: {  	_ = 	snop  }
0x4: {  	_ = 	snop  }
0x5: {  	_ = 	snop  }
0x6: {  	_ = 	snop  }
0x7: {  	_ = 	snop  }
__scs_overlays_trampoline_lowered:
0x8: {  	[smem:$0x3F9F] =	sst s0  }
0x9: {  	[smem:$0x3FA0] =	sst s1  }
0xa: {  	[smem:$0x3FA1] =	sst s2  }
0xb: {  	[smem:$0x3FA2] =	sst s3  }
0xc: {  	[smem:$0x3FA3] =	sst s4  }
0xd: {  	[smem:$0x3FA4] =	sst s5  }
0xe: {  	[smem:$0x3FA5] =	sst s6  }
0xf: {  	[smem:$0x3FA6] =	sst s7  }
0x10: {  	[smem:$0x3FA7] =	sst s8  }
0x11: {  	[smem:$0x3FA8] =	sst s9;
	s0 =	simm.s32 @!p0 $0x0  }
0x12: {  	s1 =	sld [smem:$0x3F8E];
	s0 =	simm.s32 @p0 $0x1  }
0x13: {  	[smem:$0x3FA9] =	sst s0;
	s0 =	simm.s32 @!p1 $0x0  }
0x14: {  	s2 =	sld [smem:$0x3F8D];
	s0 =	simm.s32 @p1 $0x1  }
0x15: {  	[smem:$0x3FAA] =	sst s0;
	s0 =	simm.s32 @!p2 $0x0  }
0x16: {  	s3 =	sld [smem:$0x3FDB];
	s0 =	simm.s32 @p2 $0x1  }
0x17: {  	s4 =	simm.s32 $0x1BF5;
	[smem:$0x3FAC] =	sst s0  }
0x18: {  	s0 =	sld [smem:$0x3F8F];
	_ =	swait.ge [sflag:s4], $0x0  }
0x19: {  	s7 =	sld [smem:$0x3F90]  }
0x1a: {  	s8 =	sadd.s32 $0xFFFFE003, lr  }
0x1b: {  	s9 =	sadd.s32 $0xFFFFFEF7, lr;
	s5 =	simm.s32 $0xFFFFFFFF;
	p2 =	slt.u32 s8, $0xFFFFF086  }
0x1c: {  	p1 =	slt.u32 s9, $0xF7A;
	s5 =	simm.s32 @!p2 $0x0  }
0x1d: {  	s5 =	simm.s32 @p1 $0x1;
	p0 =	seq.s32 s7, s2  }
0x1e: {  	s7 =	smul.u32 @!p0 $0xF7A, s2;
	p2 =	seq.s32 @!p0 s5, $0x0  }
0x1f: {  	s9 =	smul.u32 $0xF7A, s1;
	s8 =	simm.s32 @!p0 $0x1BF5;
	p2 =	por !p2, p0  }
0x20: {  	[sflag:s8] =	ssyncset.s32 @!p0 $0xFFFFF086;
	s6 =	sadd.s32 @!p0 s3, s7;
	s7 =	simm.s32 @!p0 $0x108  }
0x21: {  	s3 =	sadd.s32 s3, s9;
	s6 =	sadd.s32 @!p0 $0x88, s6;
	s7 =	simm.s32 @p2 $0x1082  }
0x22: {  	[simem:s7], [sflag:s8] =	dma.local @!p0 [hbm:s6], $0xF7A  }
0x23: {  	s9 =	sor.u32 $0xD0000000, s2;
	s6 =	simm.s32 $0x108;
	_ =	swait.ge @!p0 [sflag:s8], $0x0  }
0x24: {  	s3 =	sadd.s32 $0x88, s3;
	s6 =	simm.s32 @!p1 $0x1082;
	[sflag:s4] =	ssyncset.s32 $0xFFFFF086  }
0x25: {  	[simem:s6], [sflag:s4] =	dma.local [hbm:s3], $0xF7A  }
0x26: {  	[smem:$0x3F90] =	sst s1;
	(tag) =	ssettag s2;
	_ =	strace s9  }
0x27: {  	s1 =	sld [smem:$0x3FA0]  }
0x28: {  	s2 =	sld [smem:$0x3FA1]  }
0x29: {  	s4 =	sld [smem:$0x3FA3]  }
0x2a: {  	p0 =	seq.s32 s5, $0x0;
	s5 =	sld [smem:$0x3FA4]  }
0x2b: {  	s6 =	sld [smem:$0x3FA5]  }
0x2c: {  	s7 =	sld [smem:$0x3FA6]  }
0x2d: {  	s3 =	simm.s32 $0x108;
	s8 =	sld [smem:$0x3FA7]  }
0x2e: {  	s3 =	simm.s32 @!p0 $0x1082;
	s9 =	sld [smem:$0x3FA8]  }
0x2f: {  	lr =	sadd.s32 s0, s3;
	s0 =	sld [smem:$0x3F9F]  }
0x30: {  	s3 =	sld [smem:$0x3FA2]  }
0x31: {  	[smem:$0x3FAB] =	sst s10  }
0x32: {  	s10 =	sld [smem:$0x3FA9];
	_ =	sdelay $0x3  }
0x33: {  	p0 =	seq.s32 s10, $0x1;
	s10 =	sld [smem:$0x3FAB];
	_ =	sdelay $0x3  }
0x34: {  	[smem:$0x3FAB] =	sst s10  }
0x35: {  	s10 =	sld [smem:$0x3FAA];
	_ =	sdelay $0x3  }
0x36: {  	p1 =	seq.s32 s10, $0x1;
	s10 =	sld [smem:$0x3FAB];
	_ =	sdelay $0x3  }
0x37: {  	[smem:$0x3FAB] =	sst s10  }
0x38: {  	s10 =	sld [smem:$0x3FAC]  }
0x39: {  	_ = 	snop;
	(pc) =	sbr.ind lr, $3  }
0x3a: {  	_ = 	snop  }
0x3b: {  	_ = 	snop  }
0x3c: {  	p2 =	seq.s32 s10, $0x1;
	s10 =	sld [smem:$0x3FAB]  }
0x3d: {  	_ =	shalt  }
0x3e: {  	_ =	shalt  }
0x3f: {  	_ =	shalt  }
0x40: {  	_ =	shalt  }
0x41: {  	_ =	shalt  }
0x42: {  	_ =	shalt  }
0x43: {  	_ =	shalt  }
0x44: {  	_ =	shalt  }
0x45: {  	_ =	shalt  }
0x46: {  	_ =	shalt  }
0x47: {  	_ =	shalt  }
0x48: {  	_ =	shalt  }
0x49: {  	_ =	shalt  }
0x4a: {  	_ =	shalt  }
0x4b: {  	_ =	shalt  }
0x4c: {  	_ =	shalt  }
0x4d: {  	_ =	shalt  }
0x4e: {  	_ =	shalt  }
0x4f: {  	_ =	shalt  }
0x50: {  	_ =	shalt  }
0x51: {  	_ =	shalt  }
0x52: {  	_ =	shalt  }
0x53: {  	_ =	shalt  }
0x54: {  	_ =	shalt  }
0x55: {  	_ =	shalt  }
0x56: {  	_ =	shalt  }
0x57: {  	_ =	shalt  }
0x58: {  	_ =	shalt  }
0x59: {  	_ =	shalt  }
0x5a: {  	_ =	shalt  }
0x5b: {  	_ =	shalt  }
0x5c: {  	_ =	shalt  }
0x5d: {  	_ =	shalt  }
0x5e: {  	_ =	shalt  }
0x5f: {  	_ =	shalt  }
0x60: {  	_ =	shalt  }
0x61: {  	_ =	shalt  }
0x62: {  	_ =	shalt  }
0x63: {  	_ =	shalt  }
0x64: {  	_ =	shalt  }
0x65: {  	_ =	shalt  }
0x66: {  	_ =	shalt  }
0x67: {  	_ =	shalt  }
0x68: {  	_ =	shalt  }
0x69: {  	_ =	shalt  }
0x6a: {  	_ =	shalt  }
0x6b: {  	_ =	shalt  }
0x6c: {  	_ =	shalt  }
0x6d: {  	_ =	shalt  }
0x6e: {  	_ =	shalt  }
0x6f: {  	_ =	shalt  }
0x70: {  	_ =	shalt  }
0x71: {  	_ =	shalt  }
0x72: {  	_ =	shalt  }
0x73: {  	_ =	shalt  }
0x74: {  	_ =	shalt  }
0x75: {  	_ =	shalt  }
0x76: {  	_ =	shalt  }
0x77: {  	_ =	shalt  }
0x78: {  	_ =	shalt  }
0x79: {  	_ =	shalt  }
0x7a: {  	_ =	shalt  }
0x7b: {  	_ =	shalt  }
0x7c: {  	_ =	shalt  }
0x7d: {  	_ =	shalt  }
0x7e: {  	_ =	shalt  }
0x7f: {  	_ =	shalt  }
0x80: {  	_ =	shalt  }
0x81: {  	_ =	shalt  }
0x82: {  	_ =	shalt  }
0x83: {  	_ =	shalt  }
0x84: {  	_ =	shalt  }
0x85: {  	_ =	shalt  }
0x86: {  	_ =	shalt  }
0x87: {  	_ =	shalt  }
.Lfunc_end0:
.L_simem_size_0:
called_computation.1_lowered:
.L_overlay_start_0:
0x88: {  	s2 =	sld [smem:$0x3FD9]  }
0x89: {  	s3 =	sld [smem:$0x3FFE];
	_ =	sdelay $0x1  }
0x8a: {  	s1 =	srdreg.scid  }
0x8b: {  	s0 =	sand.u32 $0x1, s1  }
0x8c: {  	s17 =	sshll.u32 s0, $0xA;
	s2 =	sadd.s32 s3, s2  }
0x8d: {  	s2 =	sadd.s32 s2, s17  }
0x8e: {  	[smem:$0x3FB7] =	sst s2  }
0x8f: {  	_ = 	snop  }
0x90: {  	(tm) =	ssettm $0x1  }
0x91: {  	s18 =	sld [smem:$0x3FFB];
	_ =	sdelay $0x3  }
0x92: {  	_ =	strace s18  }
0x93: {  	s2 =	sld [smem:$0x3FFC];
	_ =	sdelay $0x3  }
0x94: {  	_ =	strace s2  }
0x95: {  	s2 =	sld [smem:$0x3FFD];
	_ =	sdelay $0x3  }
0x96: {  	_ =	strace s2  }
0x97: {  	_ =	strace $0x8FFFFFFF  }
0x98: {  	s19 =	sld [smem:$0x3FDB];
	_ =	sdelay $0x1  }
0x99: {  	s20 =	simm.s32 $_scs_section_size  }
0x9a: {  	s4 =	simm.s32 $_size__tile_overlayer_lowered;
	s5 =	simm.s32 $_tile_overlayer_lowered  }
0x9b: {  	s6 =	simm.s32 $0x1BFF;
	s21 =	sshll.u32 s5, $0x1;
	s3 =	sadd.s32 s20, s19  }
0x9c: {  	s22 =	simm.s32 $0x0;
	s4 =	sshll.u32 s4, $0x1;
	s5 =	sadd.s32 s21, s3  }
0x9d: {  	[timem:s22], [sflag:s6] =	dma.local [hbm:s5], s4  }
0x9e: {  	_ =	swait.ge [sflag:s6], s4  }
0x9f: {  	s4 =	ssub.s32 $0x0, s4;
	[sflag:s6] =	ssyncset.done $0x0  }
0xa0: {  	[sflag:s6] =	ssyncadd.s32 s4;
	_ =	sdelay $0x1  }
0xa1: {  	s23 =	simm.s32 $0x1B8B  }
0xa2: {  	_ =	swait.ge [sflag:s23], $0x1  }
0xa3: {  	[sflag:s23] =	ssyncset.done $0x0  }
0xa4: {  	[sflag:s23] =	ssyncadd.s32 $0xFFFFFFFF  }
0xa5: {  	s4 =	sld [smem:$0x0]  }
0xa6: {  	s5 =	sand.u32 $0xFFFFFFFE, s1  }
0xa7: {  	p0 =	sne.s32 s1, s5  }
0xa8: {  	s5 =	sshll.u32 @p0 s5, $0xE  }
0xa9: {  	s5 =	sadd.s32 @p0 $0x11B8D, s5;
	s6 =	sshll.u32 @p0 s4, $0x11  }
0xaa: {  	s5 =	sor.u32 @p0 s6, s5  }
0xab: {  	[sflag:s5] =	ssyncadd.remote.s32 @p0 $0x1;
	_ =	sdelay $0x1  }
0xac: {  	s5 =	simm.s32 @p0 $0x1B8D  }
0xad: {  	_ =	swait.eq @p0 [sflag:s5], $0x1  }
0xae: {  	[sflag:s5] =	ssyncadd.s32 @p0 $0xFFFFFFFF  }
0xaf: {  	s6 =	sshll.u32 @!p0 s1, $0xE  }
0xb0: {  	s6 =	sor.u32 @!p0 $0x4000, s6;
	s5 =	simm.s32 @!p0 $0x1B8D  }
0xb1: {  	s4 =	sshll.u32 @!p0 s4, $0x11;
	s6 =	sadd.s32 @!p0 $0x11B8D, s6;
	_ =	swait.eq @!p0 [sflag:s5], $0x1  }
0xb2: {  	s4 =	sor.u32 @!p0 s4, s6;
	[sflag:s5] =	ssyncadd.s32 @!p0 $0xFFFFFFFF  }
0xb3: {  	s25 =	simm.s32 $0x1B8E;
	s24 =	sld [smem:$0x3FFE];
	[sflag:s4] =	ssyncadd.remote.s32 @!p0 $0x1  }
0xb4: {  	s26 =	simm.s32 $execute0_lowered;
	[smem:$0x3FD2] =	sst s25  }
0xb5: {  	s5 =	sshll.u32 s26, $0x1;
	_ =	strace $0x80000049;
	[dreg:$0x1] =	wrdreg $0xFFFFFFFF  }
0xb6: {  	s28 =	simm.s32 $_size_execute0_lowered;
	s3 =	sadd.s32 s3, s5;
	[dreg:$0x0] =	wrdreg $0x0  }
0xb7: {  	s5 =	sshll.u32 s28, $0x1;
	[dreg:$0x2] =	wrdreg s3  }
0xb8: {  	[dreg:$0x3] =	wrdreg s5  }
0xb9: {  	[dreg:$0x4] =	wrdreg $0xC0  }
0xba: {  	_ =	task [dreg:s22], $0x5FFFF  }
0xbb: {  	[dreg:$0x1] =	wrdreg $0xFFFFFFFF  }
0xbc: {  	[dreg:$0x0] =	wrdreg $0x60  }
0xbd: {  	[dreg:$0x2] =	wrdreg s24  }
0xbe: {  	[dreg:$0x3] =	wrdreg $0xA  }
0xbf: {  	_ =	task.clear_ibuf [dreg:s22], $0x4FFFF;
	_ =	strace $0x90000049  }
0xc0: {  	s29 =	simm.s32 $0xA;
	_ =	strace $0x8000004B  }
0xc1: {  	_ =	swait.ge [sflag:s29], $0x1  }
0xc2: {  	[sflag:s29] =	ssyncadd.s32 $0xFFFFFFFF  }
0xc3: {  	_ =	strace $0x9000004B  }
0xc4: {  	_ =	sfence  }
0xc5: {  	s30 =	sld [smem:$0x0];
	_ =	sdelay $0x2  }
0xc6: {  	s31 =	sshll.u32 s1, $0xD;
	s1 =	sshrl.u32 s1, $0x2  }
0xc7: {  	s4 =	sand.u32 $0x4000, s31;
	s1 =	sadd.s32 s1, s30  }
0xc8: {  	s0 =	sor.u32 s4, s0;
	s1 =	sshll.u32 s1, $0x11  }
0xc9: {  	s0 =	sor.u32 s1, s0  }
0xca: {  	s0 =	sadd.s32 $0x8F2B, s0  }
0xcb: {  	[sflag:s0] =	ssyncadd.remote.s32 $0x1  }
0xcc: {  	_ =	sfence.sel $0xFFFF  }
0xcd: {  	[dreg:$0x0] =	wrdreg $0xFFFFFFFF;
	(pc) =	sbr.abs _section_cstart, $3  }
0xce: {  	[dreg:$0x1] =	wrdreg $0xFFFFFFFF  }
0xcf: {  	_ =	task.clear_ibuf [dreg:s22], $0x2FFFF;
	_ =	strace $0x9FFFFFFF  }
0xd0: {  	(tm) =	ssettm $0x7FFFFFFF  }
0xd1: {  	_ =	shalt  }
tec
execute0_lowered:
.L_overlay_start_1:
0x0: {  	(tag) =	ssettag $0x1  }
0x1: {  	s5 =	rddreg [dreg:$0x0]  }
0x2: {  	s0 =	rddreg [dreg:$0x1];
	s1 =	simm.s32 $0x0;
	s2 =	srdreg.scid  }
0x3: {  	s12 =	simm.s32 $0x4;
	s13 =	simm.s32 $0x80;
	s14 =	simm.s32 $0x200  }
0x4: {  	s15 =	simm.s32 $0x4200;
	s16 =	simm.s32 $0x1;
	s17 =	simm.s32 $0x100  }
0x5: {  	s18 =	simm.s32 $0x8200;
	s19 =	simm.s32 $0x180;
	s20 =	simm.s32 $0xC200  }
0x6: {  	s21 =	simm.s32 $0x2;
	s22 =	simm.s32 $0x3;
	s23 =	simm.s32 $0x0  }
0x7: {  	[smem:$0x7FF] =	sst s1;
	s7 =	sand.u32 $0x1, s2;
	s3 =	sadd.s32 $0x29CE00, s5  }
0x8: {  	s2 =	stileid.u32;
	s4 =	sadd.s32 $0x24A800, s5;
	s10 =	sadd.s32 $0x2AD000, s5  }
0x9: {  	_ =	strace $0x8000004A;
	s6 =	ssub.s32 $0x2, s7;
	s9 =	sshll.u32 s2, $0x1  }
0xa: {  	s30 =	sshll.u32 s2, $0x14;
	s31 =	sshll.u32 s7, $0x13;
	s8 =	sshrl.u32 s6, $0x1  }
0xb: {  	s29 =	sor.u32 s7, s9;
	s9 =	sadd.s32 s30, s10;
	s8 =	ssub.s32 s6, s8  }
0xc: {  	s5 =	sshll.u32 s29, $0xC;
	s6 =	sshll.u32 s29, $0x13;
	s11 =	sadd.s32 s31, s9  }
0xd: {  	s6 =	sadd.s32 s10, s6;
	s7 =	smax.u32 s8, $0x1;
	s8 =	sadd.s32 s5, s4  }
0xe: {  	s11 =	sadd.s32 $0x2000, s11;
	s9 =	sadd.s32 $0x20, s8;
	s10 =	sadd.s32 $0x1000, s6  }
.LBB2_1:
0xf: {  	[tilespmem:s1], [sflag:$0x4] =	stream.linear.gather [hbm4b:s8+s1], $0x100, $0x38;
	[tilespmem:$0x10200] =	vst v63  }
0x10: {  	_ =	swait.ge [sflag:s12], $0x100  }
0x11: {  	[sflag:s12] =	ssyncset.done $0x0  }
0x12: {  	[sflag:s12] =	ssyncadd.s32 $0xFFFFFF00  }
0x13: {  	[tilespmem:s14], [sflag:$0x1] =	stream.indirect.gather [hbm4b:s3+s13], $0x80, s1, s13, $0xb8;
	[tilespmem:$0x10200] =	vst v63  }
0x14: {  	_ = 	snop  }
0x15: {  	[tilespmem:s15], [sflag:$0x1] =	stream.indirect.gather [hbm4b:s3+s13], $0x80, s13, s13, $0xb8;
	[tilespmem:$0x10200] =	vst v63  }
0x16: {  	_ =	swait.ge [sflag:s16], $0x4000  }
0x17: {  	[sflag:s16] =	ssyncset.done $0x0  }
0x18: {  	[sflag:s16] =	ssyncadd.s32 $0xFFFFC000  }
0x19: {  	_ =	swait.ge [sflag:s16], $0x4000  }
0x1a: {  	[sflag:s16] =	ssyncset.done $0x0  }
0x1b: {  	[sflag:s16] =	ssyncadd.s32 $0xFFFFC000  }
0x1c: {  	[hbm4b:s6+s1] =	stream.linear.scatter [tilespmem:s14], [sflag:$0x2], $0x8000, $0x38;
	[tilespmem:$0x10200] =	vst v63  }
0x1d: {  	_ = 	snop  }
0x1e: {  	[tilespmem:s17], [sflag:$0x4] =	stream.linear.gather [hbm4b:s9+s1], $0x100, $0x38;
	[tilespmem:$0x10200] =	vst v63  }
0x1f: {  	_ =	swait.ge [sflag:s12], $0x100  }
0x20: {  	[sflag:s12] =	ssyncset.done $0x0  }
0x21: {  	[sflag:s12] =	ssyncadd.s32 $0xFFFFFF00  }
0x22: {  	[tilespmem:s18], [sflag:$0x1] =	stream.indirect.gather [hbm4b:s3+s13], $0x80, s17, s13, $0xb8;
	[tilespmem:$0x10200] =	vst v63  }
0x23: {  	_ = 	snop  }
0x24: {  	[tilespmem:s20], [sflag:$0x1] =	stream.indirect.gather [hbm4b:s3+s13], $0x80, s19, s13, $0xb8;
	[tilespmem:$0x10200] =	vst v63  }
0x25: {  	_ =	swait.ge [sflag:s16], $0x4000  }
0x26: {  	[sflag:s16] =	ssyncset.done $0x0  }
0x27: {  	[sflag:s16] =	ssyncadd.s32 $0xFFFFC000  }
0x28: {  	_ =	swait.ge [sflag:s16], $0x4000  }
0x29: {  	[sflag:s16] =	ssyncset.done $0x0  }
0x2a: {  	s24 =	simm.s32 $0x40;
	[sflag:s16] =	ssyncadd.s32 $0xFFFFC000  }
0x2b: {  	[hbm4b:s10+s1] =	stream.linear.scatter [tilespmem:s18], [sflag:$0x3], $0x8000, $0x38;
	[tilespmem:$0x10200] =	vst v63  }
0x2c: {  	s25 =	sand.u32 $0xF80, s24;
	s24 =	sand.u32 $0x40, s24;
	_ =	swait.ge [sflag:s21], $0x8000  }
0x2d: {  	s25 =	sor.u32 s5, s25;
	s24 =	sadd.s32 s4, s24;
	[sflag:s21] =	ssyncset.done $0x0  }
0x2e: {  	s24 =	sadd.s32 s25, s24;
	[sflag:s21] =	ssyncadd.s32 $0xFFFF8000  }
0x2f: {  	[tilespmem:s1], [sflag:$0x4] =	stream.linear.gather [hbm4b:s24+s1], $0x100, $0x38;
	[tilespmem:$0x10200] =	vst v63  }
0x30: {  	_ =	swait.ge [sflag:s12], $0x100  }
0x31: {  	[sflag:s12] =	ssyncset.done $0x0  }
0x32: {  	[sflag:s12] =	ssyncadd.s32 $0xFFFFFF00  }
0x33: {  	[tilespmem:s14], [sflag:$0x1] =	stream.indirect.gather [hbm4b:s3+s13], $0x80, s1, s13, $0xb8;
	[tilespmem:$0x10200] =	vst v63  }
0x34: {  	_ = 	snop  }
0x35: {  	[tilespmem:s15], [sflag:$0x1] =	stream.indirect.gather [hbm4b:s3+s13], $0x80, s13, s13, $0xb8;
	[tilespmem:$0x10200] =	vst v63  }
0x36: {  	_ =	swait.ge [sflag:s16], $0x4000  }
0x37: {  	[sflag:s16] =	ssyncset.done $0x0  }
0x38: {  	[sflag:s16] =	ssyncadd.s32 $0xFFFFC000  }
0x39: {  	_ =	swait.ge [sflag:s16], $0x4000  }
0x3a: {  	[sflag:s16] =	ssyncset.done $0x0  }
0x3b: {  	[sflag:s16] =	ssyncadd.s32 $0xFFFFC000  }
0x3c: {  	[hbm4b:s11+s1] =	stream.linear.scatter [tilespmem:s14], [sflag:$0x2], $0x8000, $0x38;
	[tilespmem:$0x10200] =	vst v63  }
0x3d: {  	s31 =	simm.s32 $0x60;
	_ =	swait.ge [sflag:s22], $0x8000  }
0x3e: {  	s25 =	sadd.s32 s4, s25;
	s24 =	sand.u32 $0x60, s31;
	[sflag:s22] =	ssyncset.done $0x0  }
0x3f: {  	s24 =	sadd.s32 s24, s25;
	[sflag:s22] =	ssyncadd.s32 $0xFFFF8000  }
0x40: {  	[tilespmem:s17], [sflag:$0x4] =	stream.linear.gather [hbm4b:s24+s1], $0x100, $0x38;
	[tilespmem:$0x10200] =	vst v63  }
0x41: {  	_ =	swait.ge [sflag:s12], $0x100  }
0x42: {  	[sflag:s12] =	ssyncset.done $0x0  }
0x43: {  	[sflag:s12] =	ssyncadd.s32 $0xFFFFFF00  }
0x44: {  	[tilespmem:s18], [sflag:$0x1] =	stream.indirect.gather [hbm4b:s3+s13], $0x80, s17, s13, $0xb8;
	[tilespmem:$0x10200] =	vst v63  }
0x45: {  	_ = 	snop  }
0x46: {  	[tilespmem:s20], [sflag:$0x1] =	stream.indirect.gather [hbm4b:s3+s13], $0x80, s19, s13, $0xb8;
	[tilespmem:$0x10200] =	vst v63  }
0x47: {  	_ =	swait.ge [sflag:s16], $0x4000  }
0x48: {  	[sflag:s16] =	ssyncset.done $0x0  }
0x49: {  	[sflag:s16] =	ssyncadd.s32 $0xFFFFC000  }
0x4a: {  	s26 =	simm.s32 $0x80;
	_ =	swait.ge [sflag:s16], $0x4000  }
0x4b: {  	s28 =	simm.s32 $0xE0;
	s29 =	sadd.s32 $0x1000, s11;
	[sflag:s16] =	ssyncset.done $0x0  }
0x4c: {  	s25 =	simm.s32 $0xA0;
	s24 =	sadd.s32 $0x2000, s11;
	[sflag:s16] =	ssyncadd.s32 $0xFFFFC000  }
.LBB2_2:
0x4d: {  	[hbm4b:s29+s1] =	stream.linear.scatter [tilespmem:s18], [sflag:$0x3], $0x8000, $0x38;
	[tilespmem:$0x10200] =	vst v63  }
0x4e: {  	s29 =	smov.u32 s28  }
0x4f: {  	s30 =	sand.u32 $0xF80, s26;
	s26 =	sand.u32 $0x40, s26;
	_ =	swait.ge [sflag:s21], $0x8000  }
0x50: {  	s30 =	sor.u32 s5, s30;
	s26 =	sadd.s32 s4, s26;
	[sflag:s21] =	ssyncset.done $0x0  }
0x51: {  	s26 =	sadd.s32 s30, s26;
	s30 =	sadd.s32 s4, s30;
	[sflag:s21] =	ssyncadd.s32 $0xFFFF8000  }
0x52: {  	[tilespmem:s1], [sflag:$0x4] =	stream.linear.gather [hbm4b:s26+s1], $0x100, $0x38;
	[tilespmem:$0x10200] =	vst v63  }
0x53: {  	s31 =	sadd.s32 $0x40, s28;
	s26 =	sadd.s32 $0xFFFFFFE0, s29;
	_ =	swait.ge [sflag:s12], $0x100  }
0x54: {  	p0 =	sne.s32 s28, $0xFE0;
	[sflag:s12] =	ssyncset.done $0x0  }
0x55: {  	[sflag:s12] =	ssyncadd.s32 $0xFFFFFF00  }
0x56: {  	[tilespmem:s14], [sflag:$0x1] =	stream.indirect.gather [hbm4b:s3+s13], $0x80, s1, s13, $0xb8;
	[tilespmem:$0x10200] =	vst v63  }
0x57: {  	_ = 	snop  }
0x58: {  	[tilespmem:s15], [sflag:$0x1] =	stream.indirect.gather [hbm4b:s3+s13], $0x80, s13, s13, $0xb8;
	[tilespmem:$0x10200] =	vst v63  }
0x59: {  	_ =	swait.ge [sflag:s16], $0x4000  }
0x5a: {  	[sflag:s16] =	ssyncset.done $0x0  }
0x5b: {  	[sflag:s16] =	ssyncadd.s32 $0xFFFFC000  }
0x5c: {  	_ =	swait.ge [sflag:s16], $0x4000  }
0x5d: {  	[sflag:s16] =	ssyncset.done $0x0  }
0x5e: {  	[sflag:s16] =	ssyncadd.s32 $0xFFFFC000  }
0x5f: {  	[hbm4b:s24+s1] =	stream.linear.scatter [tilespmem:s14], [sflag:$0x2], $0x8000, $0x38;
	[tilespmem:$0x10200] =	vst v63  }
0x60: {  	_ =	swait.ge [sflag:s22], $0x8000  }
0x61: {  	s28 =	sand.u32 $0x60, s25;
	s25 =	smov.u32 s29;
	[sflag:s22] =	ssyncset.done $0x0  }
0x62: {  	s28 =	sadd.s32 s28, s30;
	[sflag:s22] =	ssyncadd.s32 $0xFFFF8000  }
0x63: {  	[tilespmem:s17], [sflag:$0x4] =	stream.linear.gather [hbm4b:s28+s1], $0x100, $0x38;
	[tilespmem:$0x10200] =	vst v63  }
0x64: {  	_ =	swait.ge [sflag:s12], $0x100  }
0x65: {  	[sflag:s12] =	ssyncset.done $0x0  }
0x66: {  	[sflag:s12] =	ssyncadd.s32 $0xFFFFFF00  }
0x67: {  	[tilespmem:s18], [sflag:$0x1] =	stream.indirect.gather [hbm4b:s3+s13], $0x80, s17, s13, $0xb8;
	[tilespmem:$0x10200] =	vst v63  }
0x68: {  	_ = 	snop  }
0x69: {  	[tilespmem:s20], [sflag:$0x1] =	stream.indirect.gather [hbm4b:s3+s13], $0x80, s19, s13, $0xb8;
	[tilespmem:$0x10200] =	vst v63  }
0x6a: {  	_ =	swait.ge [sflag:s16], $0x4000  }
.Ltmp0:
0x6b: {  	[sflag:s16] =	ssyncset.done $0x0;
	(pc) =	sbr.rel @p0 .LBB2_2-.Ltmp0, $4  }
0x6c: {  	[sflag:s16] =	ssyncadd.s32 $0xFFFFC000  }
0x6d: {  	_ =	swait.ge [sflag:s16], $0x4000  }
0x6e: {  	s29 =	sadd.s32 $0x1000, s24;
	[sflag:s16] =	ssyncset.done $0x0  }
0x6f: {  	s24 =	sadd.s32 $0x2000, s24;
	s28 =	smov.u32 s31;
	[sflag:s16] =	ssyncadd.s32 $0xFFFFC000  }
0x70: {  	[hbm4b:s29+s1] =	stream.linear.scatter [tilespmem:s18], [sflag:$0x3], $0x8000, $0x38;
	[tilespmem:$0x10200] =	vst v63  }
0x71: {  	s28 =	sand.u32 $0xF80, s26;
	s29 =	sand.u32 $0x40, s26;
	_ =	swait.ge [sflag:s21], $0x8000  }
0x72: {  	s28 =	sor.u32 s5, s28;
	s26 =	sadd.s32 s4, s29;
	[sflag:s21] =	ssyncset.done $0x0  }
0x73: {  	s26 =	sadd.s32 s28, s26;
	[sflag:s21] =	ssyncadd.s32 $0xFFFF8000  }
0x74: {  	[tilespmem:s1], [sflag:$0x4] =	stream.linear.gather [hbm4b:s26+s1], $0x100, $0x38;
	[tilespmem:$0x10200] =	vst v63  }
0x75: {  	_ =	swait.ge [sflag:s12], $0x100  }
0x76: {  	[sflag:s12] =	ssyncset.done $0x0  }
0x77: {  	[sflag:s12] =	ssyncadd.s32 $0xFFFFFF00  }
0x78: {  	[tilespmem:s14], [sflag:$0x1] =	stream.indirect.gather [hbm4b:s3+s13], $0x80, s1, s13, $0xb8;
	[tilespmem:$0x10200] =	vst v63  }
0x79: {  	_ = 	snop  }
0x7a: {  	[tilespmem:s15], [sflag:$0x1] =	stream.indirect.gather [hbm4b:s3+s13], $0x80, s13, s13, $0xb8;
	[tilespmem:$0x10200] =	vst v63  }
0x7b: {  	_ =	swait.ge [sflag:s16], $0x4000  }
0x7c: {  	[sflag:s16] =	ssyncset.done $0x0  }
0x7d: {  	[sflag:s16] =	ssyncadd.s32 $0xFFFFC000  }
0x7e: {  	_ =	swait.ge [sflag:s16], $0x4000  }
0x7f: {  	[sflag:s16] =	ssyncset.done $0x0  }
0x80: {  	[sflag:s16] =	ssyncadd.s32 $0xFFFFC000  }
0x81: {  	[hbm4b:s24+s1] =	stream.linear.scatter [tilespmem:s14], [sflag:$0x2], $0x8000, $0x38;
	[tilespmem:$0x10200] =	vst v63  }
0x82: {  	_ =	swait.ge [sflag:s22], $0x8000  }
0x83: {  	s25 =	sand.u32 $0x60, s25;
	s30 =	sadd.s32 s4, s28;
	[sflag:s22] =	ssyncset.done $0x0  }
0x84: {  	s25 =	sadd.s32 s25, s30;
	[sflag:s22] =	ssyncadd.s32 $0xFFFF8000  }
0x85: {  	[tilespmem:s17], [sflag:$0x4] =	stream.linear.gather [hbm4b:s25+s1], $0x100, $0x38;
	[tilespmem:$0x10200] =	vst v63  }
0x86: {  	_ =	swait.ge [sflag:s12], $0x100  }
0x87: {  	[sflag:s12] =	ssyncset.done $0x0  }
0x88: {  	[sflag:s12] =	ssyncadd.s32 $0xFFFFFF00  }
0x89: {  	[tilespmem:s18], [sflag:$0x1] =	stream.indirect.gather [hbm4b:s3+s13], $0x80, s17, s13, $0xb8;
	[tilespmem:$0x10200] =	vst v63  }
0x8a: {  	_ = 	snop  }
0x8b: {  	[tilespmem:s20], [sflag:$0x1] =	stream.indirect.gather [hbm4b:s3+s13], $0x80, s19, s13, $0xb8;
	[tilespmem:$0x10200] =	vst v63  }
0x8c: {  	_ =	swait.ge [sflag:s16], $0x4000  }
0x8d: {  	[sflag:s16] =	ssyncset.done $0x0  }
0x8e: {  	[sflag:s16] =	ssyncadd.s32 $0xFFFFC000  }
0x8f: {  	_ =	swait.ge [sflag:s16], $0x4000  }
0x90: {  	[sflag:s16] =	ssyncset.done $0x0  }
0x91: {  	s31 =	sadd.s32 $0x1000, s24;
	s23 =	sadd.s32 $0x1, s23;
	[sflag:s16] =	ssyncadd.s32 $0xFFFFC000  }
0x92: {  	[hbm4b:s31+s1] =	stream.linear.scatter [tilespmem:s18], [sflag:$0x3], $0x8000, $0x38;
	[tilespmem:$0x10200] =	vst v63  }
0x93: {  	p0 =	sne.s32 s23, s7;
	_ =	swait.ge [sflag:s21], $0x8000  }
.Ltmp1:
0x94: {  	[sflag:s21] =	ssyncset.done $0x0;
	(pc) =	sbr.rel @p0 .LBB2_1-.Ltmp1, $4  }
0x95: {  	[sflag:s21] =	ssyncadd.s32 $0xFFFF8000  }
0x96: {  	_ =	swait.ge [sflag:s22], $0x8000  }
0x97: {  	[sflag:s22] =	ssyncset.done $0x0  }
0x98: {  	[sflag:s22] =	ssyncadd.s32 $0xFFFF8000  }
0x99: {  	_ =	sfence.sel $0x180000  }
0x9a: {  	[bflag:$0x0] =	sbarrier.arrive $0xFFFF  }
0x9b: {  	p0 =	sne.s32 s2, $0x0;
	_ =	strace $0x9000004A  }
0x9c: {  	s0 =	sadd.s32 @!p0 $0x100000, s0;
	[bflag:$0x2] =	sbarrier.arrive $0xFFFF  }
0x9d: {  	[sflag:s0] =	ssyncadd.tile.s32 @!p0 $0x1;
	_ =	shalt  }
.Lfunc_end2:
_tile_overlayer_lowered:
.L_overlay_start_2:
0x9e: {  	(tag) =	ssettag $0x2  }
0x9f: {  	s0 =	rddreg [dreg:$0x0];
	s2 =	stileid.u32  }
0xa0: {  	s1 =	rddreg [dreg:$0x1];
	p0 =	sne.s32 s2, $0x0  }
0xa1: {  	s3 =	rddreg [dreg:$0x2];
	[bflag:$0x3] =	sbarrier.arrive $0xFFFF;
	s2 =	simm.s32 @!p0 $0x1C04  }
0xa2: {  	[timem:s3], [sflag:s2] =	dma.local @!p0 [hbm:s0], s1  }
0xa3: {  	s0 =	simm.s32 @!p0 $0x4  }
0xa4: {  	_ =	swait.ge @!p0 [sflag:s0], s1  }
0xa5: {  	s1 =	ssub.s32 @!p0 $0x0, s1;
	[sflag:s0] =	ssyncset.done @!p0 $0x0  }
0xa6: {  	[sflag:s0] =	ssyncadd.s32 @!p0 s1  }
0xa7: {  	[bflag:$0x3] =	sbarrier.arrive $0xFFFF  }
0xa8: {  	_ =	shalt  }

// kernel: kernel.19.cloned.1.call-start
scs
__scs_entry_jumppad:
0x0: {  	(pc) =	sbr.rel $0x88, $3  }
0x1: {  	(tag) =	ssettag $0x0;
	lr =	simm.s32 $0x1  }
0x2: {  	[smem:$0x3F90] =	sst lr;
	_ =	strace $0xD0000000  }
0x3: {  	_ = 	snop  }
0x4: {  	_ = 	snop  }
0x5: {  	_ = 	snop  }
0x6: {  	_ = 	snop  }
0x7: {  	_ = 	snop  }
__scs_overlays_trampoline_lowered:
0x8: {  	[smem:$0x3F9F] =	sst s0  }
0x9: {  	[smem:$0x3FA0] =	sst s1  }
0xa: {  	[smem:$0x3FA1] =	sst s2  }
0xb: {  	[smem:$0x3FA2] =	sst s3  }
0xc: {  	[smem:$0x3FA3] =	sst s4  }
0xd: {  	[smem:$0x3FA4] =	sst s5  }
0xe: {  	[smem:$0x3FA5] =	sst s6  }
0xf: {  	[smem:$0x3FA6] =	sst s7  }
0x10: {  	[smem:$0x3FA7] =	sst s8  }
0x11: {  	[smem:$0x3FA8] =	sst s9;
	s0 =	simm.s32 @!p0 $0x0  }
0x12: {  	s1 =	sld [smem:$0x3F8E];
	s0 =	simm.s32 @p0 $0x1  }
0x13: {  	[smem:$0x3FA9] =	sst s0;
	s0 =	simm.s32 @!p1 $0x0  }
0x14: {  	s2 =	sld [smem:$0x3F8D];
	s0 =	simm.s32 @p1 $0x1  }
0x15: {  	[smem:$0x3FAA] =	sst s0;
	s0 =	simm.s32 @!p2 $0x0  }
0x16: {  	s3 =	sld [smem:$0x3FDB];
	s0 =	simm.s32 @p2 $0x1  }
0x17: {  	s4 =	simm.s32 $0x1BF5;
	[smem:$0x3FAC] =	sst s0  }
0x18: {  	s0 =	sld [smem:$0x3F8F];
	_ =	swait.ge [sflag:s4], $0x0  }
0x19: {  	s7 =	sld [smem:$0x3F90]  }
0x1a: {  	s8 =	sadd.s32 $0xFFFFE003, lr  }
0x1b: {  	s9 =	sadd.s32 $0xFFFFFEF7, lr;
	s5 =	simm.s32 $0xFFFFFFFF;
	p2 =	slt.u32 s8, $0xFFFFF086  }
0x1c: {  	p1 =	slt.u32 s9, $0xF7A;
	s5 =	simm.s32 @!p2 $0x0  }
0x1d: {  	s5 =	simm.s32 @p1 $0x1;
	p0 =	seq.s32 s7, s2  }
0x1e: {  	s7 =	smul.u32 @!p0 $0xF7A, s2;
	p2 =	seq.s32 @!p0 s5, $0x0  }
0x1f: {  	s9 =	smul.u32 $0xF7A, s1;
	s8 =	simm.s32 @!p0 $0x1BF5;
	p2 =	por !p2, p0  }
0x20: {  	[sflag:s8] =	ssyncset.s32 @!p0 $0xFFFFF086;
	s6 =	sadd.s32 @!p0 s3, s7;
	s7 =	simm.s32 @!p0 $0x108  }
0x21: {  	s3 =	sadd.s32 s3, s9;
	s6 =	sadd.s32 @!p0 $0x88, s6;
	s7 =	simm.s32 @p2 $0x1082  }
0x22: {  	[simem:s7], [sflag:s8] =	dma.local @!p0 [hbm:s6], $0xF7A  }
0x23: {  	s9 =	sor.u32 $0xD0000000, s2;
	s6 =	simm.s32 $0x108;
	_ =	swait.ge @!p0 [sflag:s8], $0x0  }
0x24: {  	s3 =	sadd.s32 $0x88, s3;
	s6 =	simm.s32 @!p1 $0x1082;
	[sflag:s4] =	ssyncset.s32 $0xFFFFF086  }
0x25: {  	[simem:s6], [sflag:s4] =	dma.local [hbm:s3], $0xF7A  }
0x26: {  	[smem:$0x3F90] =	sst s1;
	(tag) =	ssettag s2;
	_ =	strace s9  }
0x27: {  	s1 =	sld [smem:$0x3FA0]  }
0x28: {  	s2 =	sld [smem:$0x3FA1]  }
0x29: {  	s4 =	sld [smem:$0x3FA3]  }
0x2a: {  	p0 =	seq.s32 s5, $0x0;
	s5 =	sld [smem:$0x3FA4]  }
0x2b: {  	s6 =	sld [smem:$0x3FA5]  }
0x2c: {  	s7 =	sld [smem:$0x3FA6]  }
0x2d: {  	s3 =	simm.s32 $0x108;
	s8 =	sld [smem:$0x3FA7]  }
0x2e: {  	s3 =	simm.s32 @!p0 $0x1082;
	s9 =	sld [smem:$0x3FA8]  }
0x2f: {  	lr =	sadd.s32 s0, s3;
	s0 =	sld [smem:$0x3F9F]  }
0x30: {  	s3 =	sld [smem:$0x3FA2]  }
0x31: {  	[smem:$0x3FAB] =	sst s10  }
0x32: {  	s10 =	sld [smem:$0x3FA9];
	_ =	sdelay $0x3  }
0x33: {  	p0 =	seq.s32 s10, $0x1;
	s10 =	sld [smem:$0x3FAB];
	_ =	sdelay $0x3  }
0x34: {  	[smem:$0x3FAB] =	sst s10  }
0x35: {  	s10 =	sld [smem:$0x3FAA];
	_ =	sdelay $0x3  }
0x36: {  	p1 =	seq.s32 s10, $0x1;
	s10 =	sld [smem:$0x3FAB];
	_ =	sdelay $0x3  }
0x37: {  	[smem:$0x3FAB] =	sst s10  }
0x38: {  	s10 =	sld [smem:$0x3FAC]  }
0x39: {  	_ = 	snop;
	(pc) =	sbr.ind lr, $3  }
0x3a: {  	_ = 	snop  }
0x3b: {  	_ = 	snop  }
0x3c: {  	p2 =	seq.s32 s10, $0x1;
	s10 =	sld [smem:$0x3FAB]  }
0x3d: {  	_ =	shalt  }
0x3e: {  	_ =	shalt  }
0x3f: {  	_ =	shalt  }
0x40: {  	_ =	shalt  }
0x41: {  	_ =	shalt  }
0x42: {  	_ =	shalt  }
0x43: {  	_ =	shalt  }
0x44: {  	_ =	shalt  }
0x45: {  	_ =	shalt  }
0x46: {  	_ =	shalt  }
0x47: {  	_ =	shalt  }
0x48: {  	_ =	shalt  }
0x49: {  	_ =	shalt  }
0x4a: {  	_ =	shalt  }
0x4b: {  	_ =	shalt  }
0x4c: {  	_ =	shalt  }
0x4d: {  	_ =	shalt  }
0x4e: {  	_ =	shalt  }
0x4f: {  	_ =	shalt  }
0x50: {  	_ =	shalt  }
0x51: {  	_ =	shalt  }
0x52: {  	_ =	shalt  }
0x53: {  	_ =	shalt  }
0x54: {  	_ =	shalt  }
0x55: {  	_ =	shalt  }
0x56: {  	_ =	shalt  }
0x57: {  	_ =	shalt  }
0x58: {  	_ =	shalt  }
0x59: {  	_ =	shalt  }
0x5a: {  	_ =	shalt  }
0x5b: {  	_ =	shalt  }
0x5c: {  	_ =	shalt  }
0x5d: {  	_ =	shalt  }
0x5e: {  	_ =	shalt  }
0x5f: {  	_ =	shalt  }
0x60: {  	_ =	shalt  }
0x61: {  	_ =	shalt  }
0x62: {  	_ =	shalt  }
0x63: {  	_ =	shalt  }
0x64: {  	_ =	shalt  }
0x65: {  	_ =	shalt  }
0x66: {  	_ =	shalt  }
0x67: {  	_ =	shalt  }
0x68: {  	_ =	shalt  }
0x69: {  	_ =	shalt  }
0x6a: {  	_ =	shalt  }
0x6b: {  	_ =	shalt  }
0x6c: {  	_ =	shalt  }
0x6d: {  	_ =	shalt  }
0x6e: {  	_ =	shalt  }
0x6f: {  	_ =	shalt  }
0x70: {  	_ =	shalt  }
0x71: {  	_ =	shalt  }
0x72: {  	_ =	shalt  }
0x73: {  	_ =	shalt  }
0x74: {  	_ =	shalt  }
0x75: {  	_ =	shalt  }
0x76: {  	_ =	shalt  }
0x77: {  	_ =	shalt  }
0x78: {  	_ =	shalt  }
0x79: {  	_ =	shalt  }
0x7a: {  	_ =	shalt  }
0x7b: {  	_ =	shalt  }
0x7c: {  	_ =	shalt  }
0x7d: {  	_ =	shalt  }
0x7e: {  	_ =	shalt  }
0x7f: {  	_ =	shalt  }
0x80: {  	_ =	shalt  }
0x81: {  	_ =	shalt  }
0x82: {  	_ =	shalt  }
0x83: {  	_ =	shalt  }
0x84: {  	_ =	shalt  }
0x85: {  	_ =	shalt  }
0x86: {  	_ =	shalt  }
0x87: {  	_ =	shalt  }
.Lfunc_end0:
.L_simem_size_0:
called_computation.2_lowered:
.L_overlay_start_0:
0x88: {  	s2 =	sld [smem:$0x3FD9]  }
0x89: {  	s3 =	sld [smem:$0x3FFE];
	_ =	sdelay $0x1  }
0x8a: {  	s1 =	srdreg.scid  }
0x8b: {  	s0 =	sand.u32 $0x1, s1  }
0x8c: {  	s16 =	sshll.u32 s0, $0xA;
	s2 =	sadd.s32 s3, s2  }
0x8d: {  	s2 =	sadd.s32 s2, s16  }
0x8e: {  	[smem:$0x3FB7] =	sst s2  }
0x8f: {  	_ = 	snop  }
0x90: {  	(tm) =	ssettm $0x1  }
0x91: {  	s17 =	sld [smem:$0x3FFB];
	_ =	sdelay $0x3  }
0x92: {  	_ =	strace s17  }
0x93: {  	s2 =	sld [smem:$0x3FFC];
	_ =	sdelay $0x3  }
0x94: {  	_ =	strace s2  }
0x95: {  	s2 =	sld [smem:$0x3FFD];
	_ =	sdelay $0x3  }
0x96: {  	_ =	strace s2  }
0x97: {  	_ =	strace $0x8FFFFFFF  }
0x98: {  	s18 =	sld [smem:$0x3FDB];
	_ =	sdelay $0x1  }
0x99: {  	s19 =	simm.s32 $_scs_section_size  }
0x9a: {  	s4 =	simm.s32 $_size__tile_overlayer_lowered;
	s5 =	simm.s32 $_tile_overlayer_lowered  }
0x9b: {  	s22 =	simm.s32 $0x1BFF;
	s21 =	sshll.u32 s5, $0x1;
	s2 =	sadd.s32 s19, s18  }
0x9c: {  	s6 =	simm.s32 $0x0;
	s20 =	sshll.u32 s4, $0x1;
	s4 =	sadd.s32 s21, s2  }
0x9d: {  	[timem:s6], [sflag:s22] =	dma.local [hbm:s4], s20  }
0x9e: {  	_ =	swait.ge [sflag:s22], s20  }
0x9f: {  	s3 =	ssub.s32 $0x0, s20;
	[sflag:s22] =	ssyncset.done $0x0  }
0xa0: {  	[sflag:s22] =	ssyncadd.s32 s3;
	_ =	sdelay $0x1  }
0xa1: {  	s23 =	simm.s32 $0x1B8B  }
0xa2: {  	_ =	swait.ge [sflag:s23], $0x1  }
0xa3: {  	[sflag:s23] =	ssyncset.done $0x0  }
0xa4: {  	s25 =	simm.s32 $0x1B8E;
	s24 =	sld [smem:$0x3FFE];
	[sflag:s23] =	ssyncadd.s32 $0xFFFFFFFF  }
0xa5: {  	s26 =	simm.s32 $execute0_lowered;
	[smem:$0x3FD2] =	sst s25  }
0xa6: {  	s4 =	sshll.u32 s26, $0x1;
	_ =	strace $0x8000004C;
	[dreg:$0x1] =	wrdreg $0xFFFFFFFF  }
0xa7: {  	s28 =	simm.s32 $_size_execute0_lowered;
	s2 =	sadd.s32 s2, s4;
	[dreg:$0x0] =	wrdreg $0x0  }
0xa8: {  	s4 =	sshll.u32 s28, $0x1;
	[dreg:$0x2] =	wrdreg s2  }
0xa9: {  	[dreg:$0x3] =	wrdreg s4  }
0xaa: {  	[dreg:$0x4] =	wrdreg $0xC0  }
0xab: {  	_ =	task [dreg:s6], $0x5FFFF  }
0xac: {  	[dreg:$0x1] =	wrdreg $0xFFFFFFFF  }
0xad: {  	[dreg:$0x0] =	wrdreg $0x60  }
0xae: {  	[dreg:$0x2] =	wrdreg s24  }
0xaf: {  	[dreg:$0x3] =	wrdreg $0x9  }
0xb0: {  	_ =	task.clear_ibuf [dreg:s6], $0x4FFFF;
	_ =	strace $0x9000004C  }
0xb1: {  	s29 =	simm.s32 $0x9;
	_ =	strace $0x8000004E  }
0xb2: {  	_ =	swait.ge [sflag:s29], $0x1  }
0xb3: {  	[sflag:s29] =	ssyncadd.s32 $0xFFFFFFFF  }
0xb4: {  	_ =	strace $0x9000004E  }
0xb5: {  	_ =	sfence  }
0xb6: {  	s30 =	sld [smem:$0x0];
	_ =	sdelay $0x2  }
0xb7: {  	s31 =	sshll.u32 s1, $0xD;
	s1 =	sshrl.u32 s1, $0x2  }
0xb8: {  	s3 =	sand.u32 $0x4000, s31;
	s1 =	sadd.s32 s1, s30  }
0xb9: {  	s0 =	sor.u32 s3, s0;
	s1 =	sshll.u32 s1, $0x11  }
0xba: {  	s0 =	sor.u32 s1, s0  }
0xbb: {  	s0 =	sadd.s32 $0x8F2B, s0  }
0xbc: {  	[sflag:s0] =	ssyncadd.remote.s32 $0x1  }
0xbd: {  	_ =	sfence.sel $0xFFFF  }
0xbe: {  	[dreg:$0x0] =	wrdreg $0xFFFFFFFF;
	(pc) =	sbr.abs _section_cstart, $3  }
0xbf: {  	[dreg:$0x1] =	wrdreg $0xFFFFFFFF  }
0xc0: {  	_ =	task.clear_ibuf [dreg:s6], $0x2FFFF;
	_ =	strace $0x9FFFFFFF  }
0xc1: {  	(tm) =	ssettm $0x7FFFFFFF  }
tec
execute0_lowered:
.L_overlay_start_1:
0x0: {  	(tag) =	ssettag $0x1  }
0x1: {  	s5 =	rddreg [dreg:$0x0]  }
0x2: {  	s0 =	rddreg [dreg:$0x1];
	s1 =	simm.s32 $0x0;
	s2 =	srdreg.scid  }
0x3: {  	s12 =	simm.s32 $0x4;
	s13 =	simm.s32 $0x80;
	s14 =	simm.s32 $0x200  }
0x4: {  	s15 =	simm.s32 $0x4200;
	s16 =	simm.s32 $0x1;
	s17 =	simm.s32 $0x100  }
0x5: {  	s18 =	simm.s32 $0x8200;
	s19 =	simm.s32 $0x180;
	s20 =	simm.s32 $0xC200  }
0x6: {  	s21 =	simm.s32 $0x2;
	s22 =	simm.s32 $0x3;
	s23 =	simm.s32 $0x0  }
0x7: {  	[smem:$0x7FF] =	sst s1;
	s7 =	sand.u32 $0x1, s2;
	s3 =	sadd.s32 $0x1A600, s5  }
0x8: {  	s2 =	stileid.u32;
	s4 =	sadd.s32 $0x24A800, s5;
	s10 =	sadd.s32 $0x26CE00, s5  }
0x9: {  	_ =	strace $0x8000004D;
	s6 =	ssub.s32 $0x2, s7;
	s9 =	sshll.u32 s2, $0x1  }
0xa: {  	s30 =	sshll.u32 s2, $0x14;
	s31 =	sshll.u32 s7, $0x13;
	s8 =	sshrl.u32 s6, $0x1  }
0xb: {  	s29 =	sor.u32 s7, s9;
	s9 =	sadd.s32 s30, s10;
	s8 =	ssub.s32 s6, s8  }
0xc: {  	s5 =	sshll.u32 s29, $0xC;
	s6 =	sshll.u32 s29, $0x13;
	s11 =	sadd.s32 s31, s9  }
0xd: {  	s6 =	sadd.s32 s10, s6;
	s7 =	smax.u32 s8, $0x1;
	s8 =	sadd.s32 s5, s4  }
0xe: {  	s11 =	sadd.s32 $0x2000, s11;
	s9 =	sadd.s32 $0x20, s8;
	s10 =	sadd.s32 $0x1000, s6  }
.LBB2_1:
0xf: {  	[tilespmem:s1], [sflag:$0x4] =	stream.linear.gather [hbm4b:s8+s1], $0x100, $0x38;
	[tilespmem:$0x10200] =	vst v63  }
0x10: {  	_ =	swait.ge [sflag:s12], $0x100  }
0x11: {  	[sflag:s12] =	ssyncset.done $0x0  }
0x12: {  	[sflag:s12] =	ssyncadd.s32 $0xFFFFFF00  }
0x13: {  	[tilespmem:s14], [sflag:$0x1] =	stream.indirect.gather [hbm4b:s3+s13], $0x80, s1, s13, $0xb8;
	[tilespmem:$0x10200] =	vst v63  }
0x14: {  	_ = 	snop  }
0x15: {  	[tilespmem:s15], [sflag:$0x1] =	stream.indirect.gather [hbm4b:s3+s13], $0x80, s13, s13, $0xb8;
	[tilespmem:$0x10200] =	vst v63  }
0x16: {  	_ =	swait.ge [sflag:s16], $0x4000  }
0x17: {  	[sflag:s16] =	ssyncset.done $0x0  }
0x18: {  	[sflag:s16] =	ssyncadd.s32 $0xFFFFC000  }
0x19: {  	_ =	swait.ge [sflag:s16], $0x4000  }
0x1a: {  	[sflag:s16] =	ssyncset.done $0x0  }
0x1b: {  	[sflag:s16] =	ssyncadd.s32 $0xFFFFC000  }
0x1c: {  	[hbm4b:s6+s1] =	stream.linear.scatter [tilespmem:s14], [sflag:$0x2], $0x8000, $0x38;
	[tilespmem:$0x10200] =	vst v63  }
0x1d: {  	_ = 	snop  }
0x1e: {  	[tilespmem:s17], [sflag:$0x4] =	stream.linear.gather [hbm4b:s9+s1], $0x100, $0x38;
	[tilespmem:$0x10200] =	vst v63  }
0x1f: {  	_ =	swait.ge [sflag:s12], $0x100  }
0x20: {  	[sflag:s12] =	ssyncset.done $0x0  }
0x21: {  	[sflag:s12] =	ssyncadd.s32 $0xFFFFFF00  }
0x22: {  	[tilespmem:s18], [sflag:$0x1] =	stream.indirect.gather [hbm4b:s3+s13], $0x80, s17, s13, $0xb8;
	[tilespmem:$0x10200] =	vst v63  }
0x23: {  	_ = 	snop  }
0x24: {  	[tilespmem:s20], [sflag:$0x1] =	stream.indirect.gather [hbm4b:s3+s13], $0x80, s19, s13, $0xb8;
	[tilespmem:$0x10200] =	vst v63  }
0x25: {  	_ =	swait.ge [sflag:s16], $0x4000  }
0x26: {  	[sflag:s16] =	ssyncset.done $0x0  }
0x27: {  	[sflag:s16] =	ssyncadd.s32 $0xFFFFC000  }
0x28: {  	_ =	swait.ge [sflag:s16], $0x4000  }
0x29: {  	[sflag:s16] =	ssyncset.done $0x0  }
0x2a: {  	s24 =	simm.s32 $0x40;
	[sflag:s16] =	ssyncadd.s32 $0xFFFFC000  }
0x2b: {  	[hbm4b:s10+s1] =	stream.linear.scatter [tilespmem:s18], [sflag:$0x3], $0x8000, $0x38;
	[tilespmem:$0x10200] =	vst v63  }
0x2c: {  	s25 =	sand.u32 $0xF80, s24;
	s24 =	sand.u32 $0x40, s24;
	_ =	swait.ge [sflag:s21], $0x8000  }
0x2d: {  	s25 =	sor.u32 s5, s25;
	s24 =	sadd.s32 s4, s24;
	[sflag:s21] =	ssyncset.done $0x0  }
0x2e: {  	s24 =	sadd.s32 s25, s24;
	[sflag:s21] =	ssyncadd.s32 $0xFFFF8000  }
0x2f: {  	[tilespmem:s1], [sflag:$0x4] =	stream.linear.gather [hbm4b:s24+s1], $0x100, $0x38;
	[tilespmem:$0x10200] =	vst v63  }
0x30: {  	_ =	swait.ge [sflag:s12], $0x100  }
0x31: {  	[sflag:s12] =	ssyncset.done $0x0  }
0x32: {  	[sflag:s12] =	ssyncadd.s32 $0xFFFFFF00  }
0x33: {  	[tilespmem:s14], [sflag:$0x1] =	stream.indirect.gather [hbm4b:s3+s13], $0x80, s1, s13, $0xb8;
	[tilespmem:$0x10200] =	vst v63  }
0x34: {  	_ = 	snop  }
0x35: {  	[tilespmem:s15], [sflag:$0x1] =	stream.indirect.gather [hbm4b:s3+s13], $0x80, s13, s13, $0xb8;
	[tilespmem:$0x10200] =	vst v63  }
0x36: {  	_ =	swait.ge [sflag:s16], $0x4000  }
0x37: {  	[sflag:s16] =	ssyncset.done $0x0  }
0x38: {  	[sflag:s16] =	ssyncadd.s32 $0xFFFFC000  }
0x39: {  	_ =	swait.ge [sflag:s16], $0x4000  }
0x3a: {  	[sflag:s16] =	ssyncset.done $0x0  }
0x3b: {  	[sflag:s16] =	ssyncadd.s32 $0xFFFFC000  }
0x3c: {  	[hbm4b:s11+s1] =	stream.linear.scatter [tilespmem:s14], [sflag:$0x2], $0x8000, $0x38;
	[tilespmem:$0x10200] =	vst v63  }
0x3d: {  	s31 =	simm.s32 $0x60;
	_ =	swait.ge [sflag:s22], $0x8000  }
0x3e: {  	s25 =	sadd.s32 s4, s25;
	s24 =	sand.u32 $0x60, s31;
	[sflag:s22] =	ssyncset.done $0x0  }
0x3f: {  	s24 =	sadd.s32 s24, s25;
	[sflag:s22] =	ssyncadd.s32 $0xFFFF8000  }
0x40: {  	[tilespmem:s17], [sflag:$0x4] =	stream.linear.gather [hbm4b:s24+s1], $0x100, $0x38;
	[tilespmem:$0x10200] =	vst v63  }
0x41: {  	_ =	swait.ge [sflag:s12], $0x100  }
0x42: {  	[sflag:s12] =	ssyncset.done $0x0  }
0x43: {  	[sflag:s12] =	ssyncadd.s32 $0xFFFFFF00  }
0x44: {  	[tilespmem:s18], [sflag:$0x1] =	stream.indirect.gather [hbm4b:s3+s13], $0x80, s17, s13, $0xb8;
	[tilespmem:$0x10200] =	vst v63  }
0x45: {  	_ = 	snop  }
0x46: {  	[tilespmem:s20], [sflag:$0x1] =	stream.indirect.gather [hbm4b:s3+s13], $0x80, s19, s13, $0xb8;
	[tilespmem:$0x10200] =	vst v63  }
0x47: {  	_ =	swait.ge [sflag:s16], $0x4000  }
0x48: {  	[sflag:s16] =	ssyncset.done $0x0  }
0x49: {  	[sflag:s16] =	ssyncadd.s32 $0xFFFFC000  }
0x4a: {  	s26 =	simm.s32 $0x80;
	_ =	swait.ge [sflag:s16], $0x4000  }
0x4b: {  	s28 =	simm.s32 $0xE0;
	s29 =	sadd.s32 $0x1000, s11;
	[sflag:s16] =	ssyncset.done $0x0  }
0x4c: {  	s25 =	simm.s32 $0xA0;
	s24 =	sadd.s32 $0x2000, s11;
	[sflag:s16] =	ssyncadd.s32 $0xFFFFC000  }
.LBB2_2:
0x4d: {  	[hbm4b:s29+s1] =	stream.linear.scatter [tilespmem:s18], [sflag:$0x3], $0x8000, $0x38;
	[tilespmem:$0x10200] =	vst v63  }
0x4e: {  	s29 =	smov.u32 s28  }
0x4f: {  	s30 =	sand.u32 $0xF80, s26;
	s26 =	sand.u32 $0x40, s26;
	_ =	swait.ge [sflag:s21], $0x8000  }
0x50: {  	s30 =	sor.u32 s5, s30;
	s26 =	sadd.s32 s4, s26;
	[sflag:s21] =	ssyncset.done $0x0  }
0x51: {  	s26 =	sadd.s32 s30, s26;
	s30 =	sadd.s32 s4, s30;
	[sflag:s21] =	ssyncadd.s32 $0xFFFF8000  }
0x52: {  	[tilespmem:s1], [sflag:$0x4] =	stream.linear.gather [hbm4b:s26+s1], $0x100, $0x38;
	[tilespmem:$0x10200] =	vst v63  }
0x53: {  	s31 =	sadd.s32 $0x40, s28;
	s26 =	sadd.s32 $0xFFFFFFE0, s29;
	_ =	swait.ge [sflag:s12], $0x100  }
0x54: {  	p0 =	sne.s32 s28, $0xFE0;
	[sflag:s12] =	ssyncset.done $0x0  }
0x55: {  	[sflag:s12] =	ssyncadd.s32 $0xFFFFFF00  }
0x56: {  	[tilespmem:s14], [sflag:$0x1] =	stream.indirect.gather [hbm4b:s3+s13], $0x80, s1, s13, $0xb8;
	[tilespmem:$0x10200] =	vst v63  }
0x57: {  	_ = 	snop  }
0x58: {  	[tilespmem:s15], [sflag:$0x1] =	stream.indirect.gather [hbm4b:s3+s13], $0x80, s13, s13, $0xb8;
	[tilespmem:$0x10200] =	vst v63  }
0x59: {  	_ =	swait.ge [sflag:s16], $0x4000  }
0x5a: {  	[sflag:s16] =	ssyncset.done $0x0  }
0x5b: {  	[sflag:s16] =	ssyncadd.s32 $0xFFFFC000  }
0x5c: {  	_ =	swait.ge [sflag:s16], $0x4000  }
0x5d: {  	[sflag:s16] =	ssyncset.done $0x0  }
0x5e: {  	[sflag:s16] =	ssyncadd.s32 $0xFFFFC000  }
0x5f: {  	[hbm4b:s24+s1] =	stream.linear.scatter [tilespmem:s14], [sflag:$0x2], $0x8000, $0x38;
	[tilespmem:$0x10200] =	vst v63  }
0x60: {  	_ =	swait.ge [sflag:s22], $0x8000  }
0x61: {  	s28 =	sand.u32 $0x60, s25;
	s25 =	smov.u32 s29;
	[sflag:s22] =	ssyncset.done $0x0  }
0x62: {  	s28 =	sadd.s32 s28, s30;
	[sflag:s22] =	ssyncadd.s32 $0xFFFF8000  }
0x63: {  	[tilespmem:s17], [sflag:$0x4] =	stream.linear.gather [hbm4b:s28+s1], $0x100, $0x38;
	[tilespmem:$0x10200] =	vst v63  }
0x64: {  	_ =	swait.ge [sflag:s12], $0x100  }
0x65: {  	[sflag:s12] =	ssyncset.done $0x0  }
0x66: {  	[sflag:s12] =	ssyncadd.s32 $0xFFFFFF00  }
0x67: {  	[tilespmem:s18], [sflag:$0x1] =	stream.indirect.gather [hbm4b:s3+s13], $0x80, s17, s13, $0xb8;
	[tilespmem:$0x10200] =	vst v63  }
0x68: {  	_ = 	snop  }
0x69: {  	[tilespmem:s20], [sflag:$0x1] =	stream.indirect.gather [hbm4b:s3+s13], $0x80, s19, s13, $0xb8;
	[tilespmem:$0x10200] =	vst v63  }
0x6a: {  	_ =	swait.ge [sflag:s16], $0x4000  }
.Ltmp0:
0x6b: {  	[sflag:s16] =	ssyncset.done $0x0;
	(pc) =	sbr.rel @p0 .LBB2_2-.Ltmp0, $4  }
0x6c: {  	[sflag:s16] =	ssyncadd.s32 $0xFFFFC000  }
0x6d: {  	_ =	swait.ge [sflag:s16], $0x4000  }
0x6e: {  	s29 =	sadd.s32 $0x1000, s24;
	[sflag:s16] =	ssyncset.done $0x0  }
0x6f: {  	s24 =	sadd.s32 $0x2000, s24;
	s28 =	smov.u32 s31;
	[sflag:s16] =	ssyncadd.s32 $0xFFFFC000  }
0x70: {  	[hbm4b:s29+s1] =	stream.linear.scatter [tilespmem:s18], [sflag:$0x3], $0x8000, $0x38;
	[tilespmem:$0x10200] =	vst v63  }
0x71: {  	s28 =	sand.u32 $0xF80, s26;
	s29 =	sand.u32 $0x40, s26;
	_ =	swait.ge [sflag:s21], $0x8000  }
0x72: {  	s28 =	sor.u32 s5, s28;
	s26 =	sadd.s32 s4, s29;
	[sflag:s21] =	ssyncset.done $0x0  }
0x73: {  	s26 =	sadd.s32 s28, s26;
	[sflag:s21] =	ssyncadd.s32 $0xFFFF8000  }
0x74: {  	[tilespmem:s1], [sflag:$0x4] =	stream.linear.gather [hbm4b:s26+s1], $0x100, $0x38;
	[tilespmem:$0x10200] =	vst v63  }
0x75: {  	_ =	swait.ge [sflag:s12], $0x100  }
0x76: {  	[sflag:s12] =	ssyncset.done $0x0  }
0x77: {  	[sflag:s12] =	ssyncadd.s32 $0xFFFFFF00  }
0x78: {  	[tilespmem:s14], [sflag:$0x1] =	stream.indirect.gather [hbm4b:s3+s13], $0x80, s1, s13, $0xb8;
	[tilespmem:$0x10200] =	vst v63  }
0x79: {  	_ = 	snop  }
0x7a: {  	[tilespmem:s15], [sflag:$0x1] =	stream.indirect.gather [hbm4b:s3+s13], $0x80, s13, s13, $0xb8;
	[tilespmem:$0x10200] =	vst v63  }
0x7b: {  	_ =	swait.ge [sflag:s16], $0x4000  }
0x7c: {  	[sflag:s16] =	ssyncset.done $0x0  }
0x7d: {  	[sflag:s16] =	ssyncadd.s32 $0xFFFFC000  }
0x7e: {  	_ =	swait.ge [sflag:s16], $0x4000  }
0x7f: {  	[sflag:s16] =	ssyncset.done $0x0  }
0x80: {  	[sflag:s16] =	ssyncadd.s32 $0xFFFFC000  }
0x81: {  	[hbm4b:s24+s1] =	stream.linear.scatter [tilespmem:s14], [sflag:$0x2], $0x8000, $0x38;
	[tilespmem:$0x10200] =	vst v63  }
0x82: {  	_ =	swait.ge [sflag:s22], $0x8000  }
0x83: {  	s25 =	sand.u32 $0x60, s25;
	s30 =	sadd.s32 s4, s28;
	[sflag:s22] =	ssyncset.done $0x0  }
0x84: {  	s25 =	sadd.s32 s25, s30;
	[sflag:s22] =	ssyncadd.s32 $0xFFFF8000  }
0x85: {  	[tilespmem:s17], [sflag:$0x4] =	stream.linear.gather [hbm4b:s25+s1], $0x100, $0x38;
	[tilespmem:$0x10200] =	vst v63  }
0x86: {  	_ =	swait.ge [sflag:s12], $0x100  }
0x87: {  	[sflag:s12] =	ssyncset.done $0x0  }
0x88: {  	[sflag:s12] =	ssyncadd.s32 $0xFFFFFF00  }
0x89: {  	[tilespmem:s18], [sflag:$0x1] =	stream.indirect.gather [hbm4b:s3+s13], $0x80, s17, s13, $0xb8;
	[tilespmem:$0x10200] =	vst v63  }
0x8a: {  	_ = 	snop  }
0x8b: {  	[tilespmem:s20], [sflag:$0x1] =	stream.indirect.gather [hbm4b:s3+s13], $0x80, s19, s13, $0xb8;
	[tilespmem:$0x10200] =	vst v63  }
0x8c: {  	_ =	swait.ge [sflag:s16], $0x4000  }
0x8d: {  	[sflag:s16] =	ssyncset.done $0x0  }
0x8e: {  	[sflag:s16] =	ssyncadd.s32 $0xFFFFC000  }
0x8f: {  	_ =	swait.ge [sflag:s16], $0x4000  }
0x90: {  	[sflag:s16] =	ssyncset.done $0x0  }
0x91: {  	s31 =	sadd.s32 $0x1000, s24;
	s23 =	sadd.s32 $0x1, s23;
	[sflag:s16] =	ssyncadd.s32 $0xFFFFC000  }
0x92: {  	[hbm4b:s31+s1] =	stream.linear.scatter [tilespmem:s18], [sflag:$0x3], $0x8000, $0x38;
	[tilespmem:$0x10200] =	vst v63  }
0x93: {  	p0 =	sne.s32 s23, s7;
	_ =	swait.ge [sflag:s21], $0x8000  }
.Ltmp1:
0x94: {  	[sflag:s21] =	ssyncset.done $0x0;
	(pc) =	sbr.rel @p0 .LBB2_1-.Ltmp1, $4  }
0x95: {  	[sflag:s21] =	ssyncadd.s32 $0xFFFF8000  }
0x96: {  	_ =	swait.ge [sflag:s22], $0x8000  }
0x97: {  	[sflag:s22] =	ssyncset.done $0x0  }
0x98: {  	[sflag:s22] =	ssyncadd.s32 $0xFFFF8000  }
0x99: {  	_ =	sfence.sel $0x180000  }
0x9a: {  	[bflag:$0x0] =	sbarrier.arrive $0xFFFF  }
0x9b: {  	p0 =	sne.s32 s2, $0x0;
	_ =	strace $0x9000004D  }
0x9c: {  	s0 =	sadd.s32 @!p0 $0x100000, s0;
	[bflag:$0x2] =	sbarrier.arrive $0xFFFF  }
0x9d: {  	[sflag:s0] =	ssyncadd.tile.s32 @!p0 $0x1;
	_ =	shalt  }
.Lfunc_end2:
_tile_overlayer_lowered:
.L_overlay_start_2:
0x9e: {  	(tag) =	ssettag $0x2  }
0x9f: {  	s0 =	rddreg [dreg:$0x0];
	s2 =	stileid.u32  }
0xa0: {  	s1 =	rddreg [dreg:$0x1];
	p0 =	sne.s32 s2, $0x0  }
0xa1: {  	s3 =	rddreg [dreg:$0x2];
	[bflag:$0x3] =	sbarrier.arrive $0xFFFF;
	s2 =	simm.s32 @!p0 $0x1C04  }
0xa2: {  	[timem:s3], [sflag:s2] =	dma.local @!p0 [hbm:s0], s1  }
0xa3: {  	s0 =	simm.s32 @!p0 $0x4  }
0xa4: {  	_ =	swait.ge @!p0 [sflag:s0], s1  }
0xa5: {  	s1 =	ssub.s32 @!p0 $0x0, s1;
	[sflag:s0] =	ssyncset.done @!p0 $0x0  }
0xa6: {  	[sflag:s0] =	ssyncadd.s32 @!p0 s1  }
0xa7: {  	[bflag:$0x3] =	sbarrier.arrive $0xFFFF  }
0xa8: {  	_ =	shalt  }

// kernel: kernel.22.cloned.1.call-start
scs
__scs_entry_jumppad:
0x0: {  	(pc) =	sbr.rel $0x88, $3  }
0x1: {  	(tag) =	ssettag $0x0;
	lr =	simm.s32 $0x1  }
0x2: {  	[smem:$0x3F90] =	sst lr;
	_ =	strace $0xD0000000  }
0x3: {  	_ = 	snop  }
0x4: {  	_ = 	snop  }
0x5: {  	_ = 	snop  }
0x6: {  	_ = 	snop  }
0x7: {  	_ = 	snop  }
__scs_overlays_trampoline_lowered:
0x8: {  	[smem:$0x3F9F] =	sst s0  }
0x9: {  	[smem:$0x3FA0] =	sst s1  }
0xa: {  	[smem:$0x3FA1] =	sst s2  }
0xb: {  	[smem:$0x3FA2] =	sst s3  }
0xc: {  	[smem:$0x3FA3] =	sst s4  }
0xd: {  	[smem:$0x3FA4] =	sst s5  }
0xe: {  	[smem:$0x3FA5] =	sst s6  }
0xf: {  	[smem:$0x3FA6] =	sst s7  }
0x10: {  	[smem:$0x3FA7] =	sst s8  }
0x11: {  	[smem:$0x3FA8] =	sst s9;
	s0 =	simm.s32 @!p0 $0x0  }
0x12: {  	s1 =	sld [smem:$0x3F8E];
	s0 =	simm.s32 @p0 $0x1  }
0x13: {  	[smem:$0x3FA9] =	sst s0;
	s0 =	simm.s32 @!p1 $0x0  }
0x14: {  	s2 =	sld [smem:$0x3F8D];
	s0 =	simm.s32 @p1 $0x1  }
0x15: {  	[smem:$0x3FAA] =	sst s0;
	s0 =	simm.s32 @!p2 $0x0  }
0x16: {  	s3 =	sld [smem:$0x3FDB];
	s0 =	simm.s32 @p2 $0x1  }
0x17: {  	s4 =	simm.s32 $0x1BF5;
	[smem:$0x3FAC] =	sst s0  }
0x18: {  	s0 =	sld [smem:$0x3F8F];
	_ =	swait.ge [sflag:s4], $0x0  }
0x19: {  	s7 =	sld [smem:$0x3F90]  }
0x1a: {  	s8 =	sadd.s32 $0xFFFFE003, lr  }
0x1b: {  	s9 =	sadd.s32 $0xFFFFFEF7, lr;
	s5 =	simm.s32 $0xFFFFFFFF;
	p2 =	slt.u32 s8, $0xFFFFF086  }
0x1c: {  	p1 =	slt.u32 s9, $0xF7A;
	s5 =	simm.s32 @!p2 $0x0  }
0x1d: {  	s5 =	simm.s32 @p1 $0x1;
	p0 =	seq.s32 s7, s2  }
0x1e: {  	s7 =	smul.u32 @!p0 $0xF7A, s2;
	p2 =	seq.s32 @!p0 s5, $0x0  }
0x1f: {  	s9 =	smul.u32 $0xF7A, s1;
	s8 =	simm.s32 @!p0 $0x1BF5;
	p2 =	por !p2, p0  }
0x20: {  	[sflag:s8] =	ssyncset.s32 @!p0 $0xFFFFF086;
	s6 =	sadd.s32 @!p0 s3, s7;
	s7 =	simm.s32 @!p0 $0x108  }
0x21: {  	s3 =	sadd.s32 s3, s9;
	s6 =	sadd.s32 @!p0 $0x88, s6;
	s7 =	simm.s32 @p2 $0x1082  }
0x22: {  	[simem:s7], [sflag:s8] =	dma.local @!p0 [hbm:s6], $0xF7A  }
0x23: {  	s9 =	sor.u32 $0xD0000000, s2;
	s6 =	simm.s32 $0x108;
	_ =	swait.ge @!p0 [sflag:s8], $0x0  }
0x24: {  	s3 =	sadd.s32 $0x88, s3;
	s6 =	simm.s32 @!p1 $0x1082;
	[sflag:s4] =	ssyncset.s32 $0xFFFFF086  }
0x25: {  	[simem:s6], [sflag:s4] =	dma.local [hbm:s3], $0xF7A  }
0x26: {  	[smem:$0x3F90] =	sst s1;
	(tag) =	ssettag s2;
	_ =	strace s9  }
0x27: {  	s1 =	sld [smem:$0x3FA0]  }
0x28: {  	s2 =	sld [smem:$0x3FA1]  }
0x29: {  	s4 =	sld [smem:$0x3FA3]  }
0x2a: {  	p0 =	seq.s32 s5, $0x0;
	s5 =	sld [smem:$0x3FA4]  }
0x2b: {  	s6 =	sld [smem:$0x3FA5]  }
0x2c: {  	s7 =	sld [smem:$0x3FA6]  }
0x2d: {  	s3 =	simm.s32 $0x108;
	s8 =	sld [smem:$0x3FA7]  }
0x2e: {  	s3 =	simm.s32 @!p0 $0x1082;
	s9 =	sld [smem:$0x3FA8]  }
0x2f: {  	lr =	sadd.s32 s0, s3;
	s0 =	sld [smem:$0x3F9F]  }
0x30: {  	s3 =	sld [smem:$0x3FA2]  }
0x31: {  	[smem:$0x3FAB] =	sst s10  }
0x32: {  	s10 =	sld [smem:$0x3FA9];
	_ =	sdelay $0x3  }
0x33: {  	p0 =	seq.s32 s10, $0x1;
	s10 =	sld [smem:$0x3FAB];
	_ =	sdelay $0x3  }
0x34: {  	[smem:$0x3FAB] =	sst s10  }
0x35: {  	s10 =	sld [smem:$0x3FAA];
	_ =	sdelay $0x3  }
0x36: {  	p1 =	seq.s32 s10, $0x1;
	s10 =	sld [smem:$0x3FAB];
	_ =	sdelay $0x3  }
0x37: {  	[smem:$0x3FAB] =	sst s10  }
0x38: {  	s10 =	sld [smem:$0x3FAC]  }
0x39: {  	_ = 	snop;
	(pc) =	sbr.ind lr, $3  }
0x3a: {  	_ = 	snop  }
0x3b: {  	_ = 	snop  }
0x3c: {  	p2 =	seq.s32 s10, $0x1;
	s10 =	sld [smem:$0x3FAB]  }
0x3d: {  	_ =	shalt  }
0x3e: {  	_ =	shalt  }
0x3f: {  	_ =	shalt  }
0x40: {  	_ =	shalt  }
0x41: {  	_ =	shalt  }
0x42: {  	_ =	shalt  }
0x43: {  	_ =	shalt  }
0x44: {  	_ =	shalt  }
0x45: {  	_ =	shalt  }
0x46: {  	_ =	shalt  }
0x47: {  	_ =	shalt  }
0x48: {  	_ =	shalt  }
0x49: {  	_ =	shalt  }
0x4a: {  	_ =	shalt  }
0x4b: {  	_ =	shalt  }
0x4c: {  	_ =	shalt  }
0x4d: {  	_ =	shalt  }
0x4e: {  	_ =	shalt  }
0x4f: {  	_ =	shalt  }
0x50: {  	_ =	shalt  }
0x51: {  	_ =	shalt  }
0x52: {  	_ =	shalt  }
0x53: {  	_ =	shalt  }
0x54: {  	_ =	shalt  }
0x55: {  	_ =	shalt  }
0x56: {  	_ =	shalt  }
0x57: {  	_ =	shalt  }
0x58: {  	_ =	shalt  }
0x59: {  	_ =	shalt  }
0x5a: {  	_ =	shalt  }
0x5b: {  	_ =	shalt  }
0x5c: {  	_ =	shalt  }
0x5d: {  	_ =	shalt  }
0x5e: {  	_ =	shalt  }
0x5f: {  	_ =	shalt  }
0x60: {  	_ =	shalt  }
0x61: {  	_ =	shalt  }
0x62: {  	_ =	shalt  }
0x63: {  	_ =	shalt  }
0x64: {  	_ =	shalt  }
0x65: {  	_ =	shalt  }
0x66: {  	_ =	shalt  }
0x67: {  	_ =	shalt  }
0x68: {  	_ =	shalt  }
0x69: {  	_ =	shalt  }
0x6a: {  	_ =	shalt  }
0x6b: {  	_ =	shalt  }
0x6c: {  	_ =	shalt  }
0x6d: {  	_ =	shalt  }
0x6e: {  	_ =	shalt  }
0x6f: {  	_ =	shalt  }
0x70: {  	_ =	shalt  }
0x71: {  	_ =	shalt  }
0x72: {  	_ =	shalt  }
0x73: {  	_ =	shalt  }
0x74: {  	_ =	shalt  }
0x75: {  	_ =	shalt  }
0x76: {  	_ =	shalt  }
0x77: {  	_ =	shalt  }
0x78: {  	_ =	shalt  }
0x79: {  	_ =	shalt  }
0x7a: {  	_ =	shalt  }
0x7b: {  	_ =	shalt  }
0x7c: {  	_ =	shalt  }
0x7d: {  	_ =	shalt  }
0x7e: {  	_ =	shalt  }
0x7f: {  	_ =	shalt  }
0x80: {  	_ =	shalt  }
0x81: {  	_ =	shalt  }
0x82: {  	_ =	shalt  }
0x83: {  	_ =	shalt  }
0x84: {  	_ =	shalt  }
0x85: {  	_ =	shalt  }
0x86: {  	_ =	shalt  }
0x87: {  	_ =	shalt  }
.Lfunc_end0:
.L_simem_size_0:
called_computation.3_lowered:
.L_overlay_start_0:
0x88: {  	s2 =	sld [smem:$0x3FD9]  }
0x89: {  	s3 =	sld [smem:$0x3FFE];
	_ =	sdelay $0x1  }
0x8a: {  	s1 =	srdreg.scid  }
0x8b: {  	s0 =	sand.u32 $0x1, s1  }
0x8c: {  	s16 =	sshll.u32 s0, $0xA;
	s2 =	sadd.s32 s3, s2  }
0x8d: {  	s2 =	sadd.s32 s2, s16  }
0x8e: {  	[smem:$0x3FB7] =	sst s2  }
0x8f: {  	_ = 	snop  }
0x90: {  	(tm) =	ssettm $0x1  }
0x91: {  	s17 =	sld [smem:$0x3FFB];
	_ =	sdelay $0x3  }
0x92: {  	_ =	strace s17  }
0x93: {  	s2 =	sld [smem:$0x3FFC];
	_ =	sdelay $0x3  }
0x94: {  	_ =	strace s2  }
0x95: {  	s2 =	sld [smem:$0x3FFD];
	_ =	sdelay $0x3  }
0x96: {  	_ =	strace s2  }
0x97: {  	_ =	strace $0x8FFFFFFF  }
0x98: {  	s18 =	sld [smem:$0x3FDB];
	_ =	sdelay $0x1  }
0x99: {  	s19 =	simm.s32 $_scs_section_size  }
0x9a: {  	s4 =	simm.s32 $_size__tile_overlayer_lowered;
	s5 =	simm.s32 $_tile_overlayer_lowered  }
0x9b: {  	s22 =	simm.s32 $0x1BFF;
	s21 =	sshll.u32 s5, $0x1;
	s2 =	sadd.s32 s19, s18  }
0x9c: {  	s6 =	simm.s32 $0x0;
	s20 =	sshll.u32 s4, $0x1;
	s4 =	sadd.s32 s21, s2  }
0x9d: {  	[timem:s6], [sflag:s22] =	dma.local [hbm:s4], s20  }
0x9e: {  	_ =	swait.ge [sflag:s22], s20  }
0x9f: {  	s3 =	ssub.s32 $0x0, s20;
	[sflag:s22] =	ssyncset.done $0x0  }
0xa0: {  	[sflag:s22] =	ssyncadd.s32 s3;
	_ =	sdelay $0x1  }
0xa1: {  	s23 =	simm.s32 $0x1B8B  }
0xa2: {  	_ =	swait.ge [sflag:s23], $0x1  }
0xa3: {  	[sflag:s23] =	ssyncset.done $0x0  }
0xa4: {  	s25 =	simm.s32 $0x1B8E;
	s24 =	sld [smem:$0x3FFE];
	[sflag:s23] =	ssyncadd.s32 $0xFFFFFFFF  }
0xa5: {  	s26 =	simm.s32 $execute0_lowered;
	[smem:$0x3FD2] =	sst s25  }
0xa6: {  	s4 =	sshll.u32 s26, $0x1;
	_ =	strace $0x8000004F;
	[dreg:$0x1] =	wrdreg $0xFFFFFFFF  }
0xa7: {  	s28 =	simm.s32 $_size_execute0_lowered;
	s2 =	sadd.s32 s2, s4;
	[dreg:$0x0] =	wrdreg $0x0  }
0xa8: {  	s4 =	sshll.u32 s28, $0x1;
	[dreg:$0x2] =	wrdreg s2  }
0xa9: {  	[dreg:$0x3] =	wrdreg s4  }
0xaa: {  	[dreg:$0x4] =	wrdreg $0xC0  }
0xab: {  	_ =	task [dreg:s6], $0x5FFFF  }
0xac: {  	[dreg:$0x1] =	wrdreg $0xFFFFFFFF  }
0xad: {  	[dreg:$0x0] =	wrdreg $0x60  }
0xae: {  	[dreg:$0x2] =	wrdreg s24  }
0xaf: {  	[dreg:$0x3] =	wrdreg $0x9  }
0xb0: {  	_ =	task.clear_ibuf [dreg:s6], $0x4FFFF;
	_ =	strace $0x9000004F  }
0xb1: {  	s29 =	simm.s32 $0x9;
	_ =	strace $0x80000051  }
0xb2: {  	_ =	swait.ge [sflag:s29], $0x1  }
0xb3: {  	[sflag:s29] =	ssyncadd.s32 $0xFFFFFFFF  }
0xb4: {  	_ =	strace $0x90000051  }
0xb5: {  	_ =	sfence  }
0xb6: {  	s30 =	sld [smem:$0x0];
	_ =	sdelay $0x2  }
0xb7: {  	s31 =	sshll.u32 s1, $0xD;
	s1 =	sshrl.u32 s1, $0x2  }
0xb8: {  	s3 =	sand.u32 $0x4000, s31;
	s1 =	sadd.s32 s1, s30  }
0xb9: {  	s0 =	sor.u32 s3, s0;
	s1 =	sshll.u32 s1, $0x11  }
0xba: {  	s0 =	sor.u32 s1, s0  }
0xbb: {  	s0 =	sadd.s32 $0x8F2B, s0  }
0xbc: {  	[sflag:s0] =	ssyncadd.remote.s32 $0x1  }
0xbd: {  	_ =	sfence.sel $0xFFFF  }
0xbe: {  	[dreg:$0x0] =	wrdreg $0xFFFFFFFF;
	(pc) =	sbr.abs _section_cstart, $3  }
0xbf: {  	[dreg:$0x1] =	wrdreg $0xFFFFFFFF  }
0xc0: {  	_ =	task.clear_ibuf [dreg:s6], $0x2FFFF;
	_ =	strace $0x9FFFFFFF  }
0xc1: {  	(tm) =	ssettm $0x7FFFFFFF  }
tec
execute0_lowered:
.L_overlay_start_1:
0x0: {  	(tag) =	ssettag $0x1  }
0x1: {  	s5 =	rddreg [dreg:$0x0]  }
0x2: {  	s0 =	rddreg [dreg:$0x1];
	s1 =	simm.s32 $0x0;
	s2 =	srdreg.scid  }
0x3: {  	s12 =	simm.s32 $0x4;
	s13 =	simm.s32 $0x80;
	s14 =	simm.s32 $0x200  }
0x4: {  	s15 =	simm.s32 $0x4200;
	s16 =	simm.s32 $0x1;
	s17 =	simm.s32 $0x100  }
0x5: {  	s18 =	simm.s32 $0x8200;
	s19 =	simm.s32 $0x180;
	s20 =	simm.s32 $0xC200  }
0x6: {  	s21 =	simm.s32 $0x2;
	s22 =	simm.s32 $0x3;
	s23 =	simm.s32 $0x0  }
0x7: {  	[smem:$0x7FF] =	sst s1;
	s7 =	sand.u32 $0x1, s2;
	s3 =	sadd.s32 $0x1A600, s5  }
0x8: {  	s2 =	stileid.u32;
	s4 =	sadd.s32 $0x24A800, s5;
	s10 =	sadd.s32 $0x26CE00, s5  }
0x9: {  	_ =	strace $0x80000050;
	s6 =	ssub.s32 $0x2, s7;
	s9 =	sshll.u32 s2, $0x1  }
0xa: {  	s30 =	sshll.u32 s2, $0x14;
	s31 =	sshll.u32 s7, $0x13;
	s8 =	sshrl.u32 s6, $0x1  }
0xb: {  	s29 =	sor.u32 s7, s9;
	s9 =	sadd.s32 s30, s10;
	s8 =	ssub.s32 s6, s8  }
0xc: {  	s5 =	sshll.u32 s29, $0xC;
	s6 =	sshll.u32 s29, $0x13;
	s11 =	sadd.s32 s31, s9  }
0xd: {  	s6 =	sadd.s32 s10, s6;
	s7 =	smax.u32 s8, $0x1;
	s8 =	sadd.s32 s5, s4  }
0xe: {  	s11 =	sadd.s32 $0x2000, s11;
	s9 =	sadd.s32 $0x20, s8;
	s10 =	sadd.s32 $0x1000, s6  }
.LBB2_1:
0xf: {  	[tilespmem:s1], [sflag:$0x4] =	stream.linear.gather [hbm4b:s8+s1], $0x100, $0x38;
	[tilespmem:$0x10200] =	vst v63  }
0x10: {  	_ =	swait.ge [sflag:s12], $0x100  }
0x11: {  	[sflag:s12] =	ssyncset.done $0x0  }
0x12: {  	[sflag:s12] =	ssyncadd.s32 $0xFFFFFF00  }
0x13: {  	[tilespmem:s14], [sflag:$0x1] =	stream.indirect.gather [hbm4b:s3+s13], $0x80, s1, s13, $0xb8;
	[tilespmem:$0x10200] =	vst v63  }
0x14: {  	_ = 	snop  }
0x15: {  	[tilespmem:s15], [sflag:$0x1] =	stream.indirect.gather [hbm4b:s3+s13], $0x80, s13, s13, $0xb8;
	[tilespmem:$0x10200] =	vst v63  }
0x16: {  	_ =	swait.ge [sflag:s16], $0x4000  }
0x17: {  	[sflag:s16] =	ssyncset.done $0x0  }
0x18: {  	[sflag:s16] =	ssyncadd.s32 $0xFFFFC000  }
0x19: {  	_ =	swait.ge [sflag:s16], $0x4000  }
0x1a: {  	[sflag:s16] =	ssyncset.done $0x0  }
0x1b: {  	[sflag:s16] =	ssyncadd.s32 $0xFFFFC000  }
0x1c: {  	[hbm4b:s6+s1] =	stream.linear.scatter [tilespmem:s14], [sflag:$0x2], $0x8000, $0x38;
	[tilespmem:$0x10200] =	vst v63  }
0x1d: {  	_ = 	snop  }
0x1e: {  	[tilespmem:s17], [sflag:$0x4] =	stream.linear.gather [hbm4b:s9+s1], $0x100, $0x38;
	[tilespmem:$0x10200] =	vst v63  }
0x1f: {  	_ =	swait.ge [sflag:s12], $0x100  }
0x20: {  	[sflag:s12] =	ssyncset.done $0x0  }
0x21: {  	[sflag:s12] =	ssyncadd.s32 $0xFFFFFF00  }
0x22: {  	[tilespmem:s18], [sflag:$0x1] =	stream.indirect.gather [hbm4b:s3+s13], $0x80, s17, s13, $0xb8;
	[tilespmem:$0x10200] =	vst v63  }
0x23: {  	_ = 	snop  }
0x24: {  	[tilespmem:s20], [sflag:$0x1] =	stream.indirect.gather [hbm4b:s3+s13], $0x80, s19, s13, $0xb8;
	[tilespmem:$0x10200] =	vst v63  }
0x25: {  	_ =	swait.ge [sflag:s16], $0x4000  }
0x26: {  	[sflag:s16] =	ssyncset.done $0x0  }
0x27: {  	[sflag:s16] =	ssyncadd.s32 $0xFFFFC000  }
0x28: {  	_ =	swait.ge [sflag:s16], $0x4000  }
0x29: {  	[sflag:s16] =	ssyncset.done $0x0  }
0x2a: {  	s24 =	simm.s32 $0x40;
	[sflag:s16] =	ssyncadd.s32 $0xFFFFC000  }
0x2b: {  	[hbm4b:s10+s1] =	stream.linear.scatter [tilespmem:s18], [sflag:$0x3], $0x8000, $0x38;
	[tilespmem:$0x10200] =	vst v63  }
0x2c: {  	s25 =	sand.u32 $0xF80, s24;
	s24 =	sand.u32 $0x40, s24;
	_ =	swait.ge [sflag:s21], $0x8000  }
0x2d: {  	s25 =	sor.u32 s5, s25;
	s24 =	sadd.s32 s4, s24;
	[sflag:s21] =	ssyncset.done $0x0  }
0x2e: {  	s24 =	sadd.s32 s25, s24;
	[sflag:s21] =	ssyncadd.s32 $0xFFFF8000  }
0x2f: {  	[tilespmem:s1], [sflag:$0x4] =	stream.linear.gather [hbm4b:s24+s1], $0x100, $0x38;
	[tilespmem:$0x10200] =	vst v63  }
0x30: {  	_ =	swait.ge [sflag:s12], $0x100  }
0x31: {  	[sflag:s12] =	ssyncset.done $0x0  }
0x32: {  	[sflag:s12] =	ssyncadd.s32 $0xFFFFFF00  }
0x33: {  	[tilespmem:s14], [sflag:$0x1] =	stream.indirect.gather [hbm4b:s3+s13], $0x80, s1, s13, $0xb8;
	[tilespmem:$0x10200] =	vst v63  }
0x34: {  	_ = 	snop  }
0x35: {  	[tilespmem:s15], [sflag:$0x1] =	stream.indirect.gather [hbm4b:s3+s13], $0x80, s13, s13, $0xb8;
	[tilespmem:$0x10200] =	vst v63  }
0x36: {  	_ =	swait.ge [sflag:s16], $0x4000  }
0x37: {  	[sflag:s16] =	ssyncset.done $0x0  }
0x38: {  	[sflag:s16] =	ssyncadd.s32 $0xFFFFC000  }
0x39: {  	_ =	swait.ge [sflag:s16], $0x4000  }
0x3a: {  	[sflag:s16] =	ssyncset.done $0x0  }
0x3b: {  	[sflag:s16] =	ssyncadd.s32 $0xFFFFC000  }
0x3c: {  	[hbm4b:s11+s1] =	stream.linear.scatter [tilespmem:s14], [sflag:$0x2], $0x8000, $0x38;
	[tilespmem:$0x10200] =	vst v63  }
0x3d: {  	s31 =	simm.s32 $0x60;
	_ =	swait.ge [sflag:s22], $0x8000  }
0x3e: {  	s25 =	sadd.s32 s4, s25;
	s24 =	sand.u32 $0x60, s31;
	[sflag:s22] =	ssyncset.done $0x0  }
0x3f: {  	s24 =	sadd.s32 s24, s25;
	[sflag:s22] =	ssyncadd.s32 $0xFFFF8000  }
0x40: {  	[tilespmem:s17], [sflag:$0x4] =	stream.linear.gather [hbm4b:s24+s1], $0x100, $0x38;
	[tilespmem:$0x10200] =	vst v63  }
0x41: {  	_ =	swait.ge [sflag:s12], $0x100  }
0x42: {  	[sflag:s12] =	ssyncset.done $0x0  }
0x43: {  	[sflag:s12] =	ssyncadd.s32 $0xFFFFFF00  }
0x44: {  	[tilespmem:s18], [sflag:$0x1] =	stream.indirect.gather [hbm4b:s3+s13], $0x80, s17, s13, $0xb8;
	[tilespmem:$0x10200] =	vst v63  }
0x45: {  	_ = 	snop  }
0x46: {  	[tilespmem:s20], [sflag:$0x1] =	stream.indirect.gather [hbm4b:s3+s13], $0x80, s19, s13, $0xb8;
	[tilespmem:$0x10200] =	vst v63  }
0x47: {  	_ =	swait.ge [sflag:s16], $0x4000  }
0x48: {  	[sflag:s16] =	ssyncset.done $0x0  }
0x49: {  	[sflag:s16] =	ssyncadd.s32 $0xFFFFC000  }
0x4a: {  	s26 =	simm.s32 $0x80;
	_ =	swait.ge [sflag:s16], $0x4000  }
0x4b: {  	s28 =	simm.s32 $0xE0;
	s29 =	sadd.s32 $0x1000, s11;
	[sflag:s16] =	ssyncset.done $0x0  }
0x4c: {  	s25 =	simm.s32 $0xA0;
	s24 =	sadd.s32 $0x2000, s11;
	[sflag:s16] =	ssyncadd.s32 $0xFFFFC000  }
.LBB2_2:
0x4d: {  	[hbm4b:s29+s1] =	stream.linear.scatter [tilespmem:s18], [sflag:$0x3], $0x8000, $0x38;
	[tilespmem:$0x10200] =	vst v63  }
0x4e: {  	s29 =	smov.u32 s28  }
0x4f: {  	s30 =	sand.u32 $0xF80, s26;
	s26 =	sand.u32 $0x40, s26;
	_ =	swait.ge [sflag:s21], $0x8000  }
0x50: {  	s30 =	sor.u32 s5, s30;
	s26 =	sadd.s32 s4, s26;
	[sflag:s21] =	ssyncset.done $0x0  }
0x51: {  	s26 =	sadd.s32 s30, s26;
	s30 =	sadd.s32 s4, s30;
	[sflag:s21] =	ssyncadd.s32 $0xFFFF8000  }
0x52: {  	[tilespmem:s1], [sflag:$0x4] =	stream.linear.gather [hbm4b:s26+s1], $0x100, $0x38;
	[tilespmem:$0x10200] =	vst v63  }
0x53: {  	s31 =	sadd.s32 $0x40, s28;
	s26 =	sadd.s32 $0xFFFFFFE0, s29;
	_ =	swait.ge [sflag:s12], $0x100  }
0x54: {  	p0 =	sne.s32 s28, $0xFE0;
	[sflag:s12] =	ssyncset.done $0x0  }
0x55: {  	[sflag:s12] =	ssyncadd.s32 $0xFFFFFF00  }
0x56: {  	[tilespmem:s14], [sflag:$0x1] =	stream.indirect.gather [hbm4b:s3+s13], $0x80, s1, s13, $0xb8;
	[tilespmem:$0x10200] =	vst v63  }
0x57: {  	_ = 	snop  }
0x58: {  	[tilespmem:s15], [sflag:$0x1] =	stream.indirect.gather [hbm4b:s3+s13], $0x80, s13, s13, $0xb8;
	[tilespmem:$0x10200] =	vst v63  }
0x59: {  	_ =	swait.ge [sflag:s16], $0x4000  }
0x5a: {  	[sflag:s16] =	ssyncset.done $0x0  }
0x5b: {  	[sflag:s16] =	ssyncadd.s32 $0xFFFFC000  }
0x5c: {  	_ =	swait.ge [sflag:s16], $0x4000  }
0x5d: {  	[sflag:s16] =	ssyncset.done $0x0  }
0x5e: {  	[sflag:s16] =	ssyncadd.s32 $0xFFFFC000  }
0x5f: {  	[hbm4b:s24+s1] =	stream.linear.scatter [tilespmem:s14], [sflag:$0x2], $0x8000, $0x38;
	[tilespmem:$0x10200] =	vst v63  }
0x60: {  	_ =	swait.ge [sflag:s22], $0x8000  }
0x61: {  	s28 =	sand.u32 $0x60, s25;
	s25 =	smov.u32 s29;
	[sflag:s22] =	ssyncset.done $0x0  }
0x62: {  	s28 =	sadd.s32 s28, s30;
	[sflag:s22] =	ssyncadd.s32 $0xFFFF8000  }
0x63: {  	[tilespmem:s17], [sflag:$0x4] =	stream.linear.gather [hbm4b:s28+s1], $0x100, $0x38;
	[tilespmem:$0x10200] =	vst v63  }
0x64: {  	_ =	swait.ge [sflag:s12], $0x100  }
0x65: {  	[sflag:s12] =	ssyncset.done $0x0  }
0x66: {  	[sflag:s12] =	ssyncadd.s32 $0xFFFFFF00  }
0x67: {  	[tilespmem:s18], [sflag:$0x1] =	stream.indirect.gather [hbm4b:s3+s13], $0x80, s17, s13, $0xb8;
	[tilespmem:$0x10200] =	vst v63  }
0x68: {  	_ = 	snop  }
0x69: {  	[tilespmem:s20], [sflag:$0x1] =	stream.indirect.gather [hbm4b:s3+s13], $0x80, s19, s13, $0xb8;
	[tilespmem:$0x10200] =	vst v63  }
0x6a: {  	_ =	swait.ge [sflag:s16], $0x4000  }
.Ltmp0:
0x6b: {  	[sflag:s16] =	ssyncset.done $0x0;
	(pc) =	sbr.rel @p0 .LBB2_2-.Ltmp0, $4  }
0x6c: {  	[sflag:s16] =	ssyncadd.s32 $0xFFFFC000  }
0x6d: {  	_ =	swait.ge [sflag:s16], $0x4000  }
0x6e: {  	s29 =	sadd.s32 $0x1000, s24;
	[sflag:s16] =	ssyncset.done $0x0  }
0x6f: {  	s24 =	sadd.s32 $0x2000, s24;
	s28 =	smov.u32 s31;
	[sflag:s16] =	ssyncadd.s32 $0xFFFFC000  }
0x70: {  	[hbm4b:s29+s1] =	stream.linear.scatter [tilespmem:s18], [sflag:$0x3], $0x8000, $0x38;
	[tilespmem:$0x10200] =	vst v63  }
0x71: {  	s28 =	sand.u32 $0xF80, s26;
	s29 =	sand.u32 $0x40, s26;
	_ =	swait.ge [sflag:s21], $0x8000  }
0x72: {  	s28 =	sor.u32 s5, s28;
	s26 =	sadd.s32 s4, s29;
	[sflag:s21] =	ssyncset.done $0x0  }
0x73: {  	s26 =	sadd.s32 s28, s26;
	[sflag:s21] =	ssyncadd.s32 $0xFFFF8000  }
0x74: {  	[tilespmem:s1], [sflag:$0x4] =	stream.linear.gather [hbm4b:s26+s1], $0x100, $0x38;
	[tilespmem:$0x10200] =	vst v63  }
0x75: {  	_ =	swait.ge [sflag:s12], $0x100  }
0x76: {  	[sflag:s12] =	ssyncset.done $0x0  }
0x77: {  	[sflag:s12] =	ssyncadd.s32 $0xFFFFFF00  }
0x78: {  	[tilespmem:s14], [sflag:$0x1] =	stream.indirect.gather [hbm4b:s3+s13], $0x80, s1, s13, $0xb8;
	[tilespmem:$0x10200] =	vst v63  }
0x79: {  	_ = 	snop  }
0x7a: {  	[tilespmem:s15], [sflag:$0x1] =	stream.indirect.gather [hbm4b:s3+s13], $0x80, s13, s13, $0xb8;
	[tilespmem:$0x10200] =	vst v63  }
0x7b: {  	_ =	swait.ge [sflag:s16], $0x4000  }
0x7c: {  	[sflag:s16] =	ssyncset.done $0x0  }
0x7d: {  	[sflag:s16] =	ssyncadd.s32 $0xFFFFC000  }
0x7e: {  	_ =	swait.ge [sflag:s16], $0x4000  }
0x7f: {  	[sflag:s16] =	ssyncset.done $0x0  }
0x80: {  	[sflag:s16] =	ssyncadd.s32 $0xFFFFC000  }
0x81: {  	[hbm4b:s24+s1] =	stream.linear.scatter [tilespmem:s14], [sflag:$0x2], $0x8000, $0x38;
	[tilespmem:$0x10200] =	vst v63  }
0x82: {  	_ =	swait.ge [sflag:s22], $0x8000  }
0x83: {  	s25 =	sand.u32 $0x60, s25;
	s30 =	sadd.s32 s4, s28;
	[sflag:s22] =	ssyncset.done $0x0  }
0x84: {  	s25 =	sadd.s32 s25, s30;
	[sflag:s22] =	ssyncadd.s32 $0xFFFF8000  }
0x85: {  	[tilespmem:s17], [sflag:$0x4] =	stream.linear.gather [hbm4b:s25+s1], $0x100, $0x38;
	[tilespmem:$0x10200] =	vst v63  }
0x86: {  	_ =	swait.ge [sflag:s12], $0x100  }
0x87: {  	[sflag:s12] =	ssyncset.done $0x0  }
0x88: {  	[sflag:s12] =	ssyncadd.s32 $0xFFFFFF00  }
0x89: {  	[tilespmem:s18], [sflag:$0x1] =	stream.indirect.gather [hbm4b:s3+s13], $0x80, s17, s13, $0xb8;
	[tilespmem:$0x10200] =	vst v63  }
0x8a: {  	_ = 	snop  }
0x8b: {  	[tilespmem:s20], [sflag:$0x1] =	stream.indirect.gather [hbm4b:s3+s13], $0x80, s19, s13, $0xb8;
	[tilespmem:$0x10200] =	vst v63  }
0x8c: {  	_ =	swait.ge [sflag:s16], $0x4000  }
0x8d: {  	[sflag:s16] =	ssyncset.done $0x0  }
0x8e: {  	[sflag:s16] =	ssyncadd.s32 $0xFFFFC000  }
0x8f: {  	_ =	swait.ge [sflag:s16], $0x4000  }
0x90: {  	[sflag:s16] =	ssyncset.done $0x0  }
0x91: {  	s31 =	sadd.s32 $0x1000, s24;
	s23 =	sadd.s32 $0x1, s23;
	[sflag:s16] =	ssyncadd.s32 $0xFFFFC000  }
0x92: {  	[hbm4b:s31+s1] =	stream.linear.scatter [tilespmem:s18], [sflag:$0x3], $0x8000, $0x38;
	[tilespmem:$0x10200] =	vst v63  }
0x93: {  	p0 =	sne.s32 s23, s7;
	_ =	swait.ge [sflag:s21], $0x8000  }
.Ltmp1:
0x94: {  	[sflag:s21] =	ssyncset.done $0x0;
	(pc) =	sbr.rel @p0 .LBB2_1-.Ltmp1, $4  }
0x95: {  	[sflag:s21] =	ssyncadd.s32 $0xFFFF8000  }
0x96: {  	_ =	swait.ge [sflag:s22], $0x8000  }
0x97: {  	[sflag:s22] =	ssyncset.done $0x0  }
0x98: {  	[sflag:s22] =	ssyncadd.s32 $0xFFFF8000  }
0x99: {  	_ =	sfence.sel $0x180000  }
0x9a: {  	[bflag:$0x0] =	sbarrier.arrive $0xFFFF  }
0x9b: {  	p0 =	sne.s32 s2, $0x0;
	_ =	strace $0x90000050  }
0x9c: {  	s0 =	sadd.s32 @!p0 $0x100000, s0;
	[bflag:$0x2] =	sbarrier.arrive $0xFFFF  }
0x9d: {  	[sflag:s0] =	ssyncadd.tile.s32 @!p0 $0x1;
	_ =	shalt  }
.Lfunc_end2:
_tile_overlayer_lowered:
.L_overlay_start_2:
0x9e: {  	(tag) =	ssettag $0x2  }
0x9f: {  	s0 =	rddreg [dreg:$0x0];
	s2 =	stileid.u32  }
0xa0: {  	s1 =	rddreg [dreg:$0x1];
	p0 =	sne.s32 s2, $0x0  }
0xa1: {  	s3 =	rddreg [dreg:$0x2];
	[bflag:$0x3] =	sbarrier.arrive $0xFFFF;
	s2 =	simm.s32 @!p0 $0x1C04  }
0xa2: {  	[timem:s3], [sflag:s2] =	dma.local @!p0 [hbm:s0], s1  }
0xa3: {  	s0 =	simm.s32 @!p0 $0x4  }
0xa4: {  	_ =	swait.ge @!p0 [sflag:s0], s1  }
0xa5: {  	s1 =	ssub.s32 @!p0 $0x0, s1;
	[sflag:s0] =	ssyncset.done @!p0 $0x0  }
0xa6: {  	[sflag:s0] =	ssyncadd.s32 @!p0 s1  }
0xa7: {  	[bflag:$0x3] =	sbarrier.arrive $0xFFFF  }
0xa8: {  	_ =	shalt  }

// kernel: kernel.25.cloned.1.call-start
scs
__scs_entry_jumppad:
0x0: {  	(pc) =	sbr.rel $0x88, $3  }
0x1: {  	(tag) =	ssettag $0x0;
	lr =	simm.s32 $0x1  }
0x2: {  	[smem:$0x3F90] =	sst lr;
	_ =	strace $0xD0000000  }
0x3: {  	_ = 	snop  }
0x4: {  	_ = 	snop  }
0x5: {  	_ = 	snop  }
0x6: {  	_ = 	snop  }
0x7: {  	_ = 	snop  }
__scs_overlays_trampoline_lowered:
0x8: {  	[smem:$0x3F9F] =	sst s0  }
0x9: {  	[smem:$0x3FA0] =	sst s1  }
0xa: {  	[smem:$0x3FA1] =	sst s2  }
0xb: {  	[smem:$0x3FA2] =	sst s3  }
0xc: {  	[smem:$0x3FA3] =	sst s4  }
0xd: {  	[smem:$0x3FA4] =	sst s5  }
0xe: {  	[smem:$0x3FA5] =	sst s6  }
0xf: {  	[smem:$0x3FA6] =	sst s7  }
0x10: {  	[smem:$0x3FA7] =	sst s8  }
0x11: {  	[smem:$0x3FA8] =	sst s9;
	s0 =	simm.s32 @!p0 $0x0  }
0x12: {  	s1 =	sld [smem:$0x3F8E];
	s0 =	simm.s32 @p0 $0x1  }
0x13: {  	[smem:$0x3FA9] =	sst s0;
	s0 =	simm.s32 @!p1 $0x0  }
0x14: {  	s2 =	sld [smem:$0x3F8D];
	s0 =	simm.s32 @p1 $0x1  }
0x15: {  	[smem:$0x3FAA] =	sst s0;
	s0 =	simm.s32 @!p2 $0x0  }
0x16: {  	s3 =	sld [smem:$0x3FDB];
	s0 =	simm.s32 @p2 $0x1  }
0x17: {  	s4 =	simm.s32 $0x1BF5;
	[smem:$0x3FAC] =	sst s0  }
0x18: {  	s0 =	sld [smem:$0x3F8F];
	_ =	swait.ge [sflag:s4], $0x0  }
0x19: {  	s7 =	sld [smem:$0x3F90]  }
0x1a: {  	s8 =	sadd.s32 $0xFFFFE003, lr  }
0x1b: {  	s9 =	sadd.s32 $0xFFFFFEF7, lr;
	s5 =	simm.s32 $0xFFFFFFFF;
	p2 =	slt.u32 s8, $0xFFFFF086  }
0x1c: {  	p1 =	slt.u32 s9, $0xF7A;
	s5 =	simm.s32 @!p2 $0x0  }
0x1d: {  	s5 =	simm.s32 @p1 $0x1;
	p0 =	seq.s32 s7, s2  }
0x1e: {  	s7 =	smul.u32 @!p0 $0xF7A, s2;
	p2 =	seq.s32 @!p0 s5, $0x0  }
0x1f: {  	s9 =	smul.u32 $0xF7A, s1;
	s8 =	simm.s32 @!p0 $0x1BF5;
	p2 =	por !p2, p0  }
0x20: {  	[sflag:s8] =	ssyncset.s32 @!p0 $0xFFFFF086;
	s6 =	sadd.s32 @!p0 s3, s7;
	s7 =	simm.s32 @!p0 $0x108  }
0x21: {  	s3 =	sadd.s32 s3, s9;
	s6 =	sadd.s32 @!p0 $0x88, s6;
	s7 =	simm.s32 @p2 $0x1082  }
0x22: {  	[simem:s7], [sflag:s8] =	dma.local @!p0 [hbm:s6], $0xF7A  }
0x23: {  	s9 =	sor.u32 $0xD0000000, s2;
	s6 =	simm.s32 $0x108;
	_ =	swait.ge @!p0 [sflag:s8], $0x0  }
0x24: {  	s3 =	sadd.s32 $0x88, s3;
	s6 =	simm.s32 @!p1 $0x1082;
	[sflag:s4] =	ssyncset.s32 $0xFFFFF086  }
0x25: {  	[simem:s6], [sflag:s4] =	dma.local [hbm:s3], $0xF7A  }
0x26: {  	[smem:$0x3F90] =	sst s1;
	(tag) =	ssettag s2;
	_ =	strace s9  }
0x27: {  	s1 =	sld [smem:$0x3FA0]  }
0x28: {  	s2 =	sld [smem:$0x3FA1]  }
0x29: {  	s4 =	sld [smem:$0x3FA3]  }
0x2a: {  	p0 =	seq.s32 s5, $0x0;
	s5 =	sld [smem:$0x3FA4]  }
0x2b: {  	s6 =	sld [smem:$0x3FA5]  }
0x2c: {  	s7 =	sld [smem:$0x3FA6]  }
0x2d: {  	s3 =	simm.s32 $0x108;
	s8 =	sld [smem:$0x3FA7]  }
0x2e: {  	s3 =	simm.s32 @!p0 $0x1082;
	s9 =	sld [smem:$0x3FA8]  }
0x2f: {  	lr =	sadd.s32 s0, s3;
	s0 =	sld [smem:$0x3F9F]  }
0x30: {  	s3 =	sld [smem:$0x3FA2]  }
0x31: {  	[smem:$0x3FAB] =	sst s10  }
0x32: {  	s10 =	sld [smem:$0x3FA9];
	_ =	sdelay $0x3  }
0x33: {  	p0 =	seq.s32 s10, $0x1;
	s10 =	sld [smem:$0x3FAB];
	_ =	sdelay $0x3  }
0x34: {  	[smem:$0x3FAB] =	sst s10  }
0x35: {  	s10 =	sld [smem:$0x3FAA];
	_ =	sdelay $0x3  }
0x36: {  	p1 =	seq.s32 s10, $0x1;
	s10 =	sld [smem:$0x3FAB];
	_ =	sdelay $0x3  }
0x37: {  	[smem:$0x3FAB] =	sst s10  }
0x38: {  	s10 =	sld [smem:$0x3FAC]  }
0x39: {  	_ = 	snop;
	(pc) =	sbr.ind lr, $3  }
0x3a: {  	_ = 	snop  }
0x3b: {  	_ = 	snop  }
0x3c: {  	p2 =	seq.s32 s10, $0x1;
	s10 =	sld [smem:$0x3FAB]  }
0x3d: {  	_ =	shalt  }
0x3e: {  	_ =	shalt  }
0x3f: {  	_ =	shalt  }
0x40: {  	_ =	shalt  }
0x41: {  	_ =	shalt  }
0x42: {  	_ =	shalt  }
0x43: {  	_ =	shalt  }
0x44: {  	_ =	shalt  }
0x45: {  	_ =	shalt  }
0x46: {  	_ =	shalt  }
0x47: {  	_ =	shalt  }
0x48: {  	_ =	shalt  }
0x49: {  	_ =	shalt  }
0x4a: {  	_ =	shalt  }
0x4b: {  	_ =	shalt  }
0x4c: {  	_ =	shalt  }
0x4d: {  	_ =	shalt  }
0x4e: {  	_ =	shalt  }
0x4f: {  	_ =	shalt  }
0x50: {  	_ =	shalt  }
0x51: {  	_ =	shalt  }
0x52: {  	_ =	shalt  }
0x53: {  	_ =	shalt  }
0x54: {  	_ =	shalt  }
0x55: {  	_ =	shalt  }
0x56: {  	_ =	shalt  }
0x57: {  	_ =	shalt  }
0x58: {  	_ =	shalt  }
0x59: {  	_ =	shalt  }
0x5a: {  	_ =	shalt  }
0x5b: {  	_ =	shalt  }
0x5c: {  	_ =	shalt  }
0x5d: {  	_ =	shalt  }
0x5e: {  	_ =	shalt  }
0x5f: {  	_ =	shalt  }
0x60: {  	_ =	shalt  }
0x61: {  	_ =	shalt  }
0x62: {  	_ =	shalt  }
0x63: {  	_ =	shalt  }
0x64: {  	_ =	shalt  }
0x65: {  	_ =	shalt  }
0x66: {  	_ =	shalt  }
0x67: {  	_ =	shalt  }
0x68: {  	_ =	shalt  }
0x69: {  	_ =	shalt  }
0x6a: {  	_ =	shalt  }
0x6b: {  	_ =	shalt  }
0x6c: {  	_ =	shalt  }
0x6d: {  	_ =	shalt  }
0x6e: {  	_ =	shalt  }
0x6f: {  	_ =	shalt  }
0x70: {  	_ =	shalt  }
0x71: {  	_ =	shalt  }
0x72: {  	_ =	shalt  }
0x73: {  	_ =	shalt  }
0x74: {  	_ =	shalt  }
0x75: {  	_ =	shalt  }
0x76: {  	_ =	shalt  }
0x77: {  	_ =	shalt  }
0x78: {  	_ =	shalt  }
0x79: {  	_ =	shalt  }
0x7a: {  	_ =	shalt  }
0x7b: {  	_ =	shalt  }
0x7c: {  	_ =	shalt  }
0x7d: {  	_ =	shalt  }
0x7e: {  	_ =	shalt  }
0x7f: {  	_ =	shalt  }
0x80: {  	_ =	shalt  }
0x81: {  	_ =	shalt  }
0x82: {  	_ =	shalt  }
0x83: {  	_ =	shalt  }
0x84: {  	_ =	shalt  }
0x85: {  	_ =	shalt  }
0x86: {  	_ =	shalt  }
0x87: {  	_ =	shalt  }
.Lfunc_end0:
.L_simem_size_0:
called_computation.4_lowered:
.L_overlay_start_0:
0x88: {  	s2 =	sld [smem:$0x3FD9]  }
0x89: {  	s3 =	sld [smem:$0x3FFE];
	_ =	sdelay $0x1  }
0x8a: {  	s1 =	srdreg.scid  }
0x8b: {  	s0 =	sand.u32 $0x1, s1  }
0x8c: {  	s16 =	sshll.u32 s0, $0xA;
	s2 =	sadd.s32 s3, s2  }
0x8d: {  	s2 =	sadd.s32 s2, s16  }
0x8e: {  	[smem:$0x3FB7] =	sst s2  }
0x8f: {  	_ = 	snop  }
0x90: {  	(tm) =	ssettm $0x1  }
0x91: {  	s17 =	sld [smem:$0x3FFB];
	_ =	sdelay $0x3  }
0x92: {  	_ =	strace s17  }
0x93: {  	s2 =	sld [smem:$0x3FFC];
	_ =	sdelay $0x3  }
0x94: {  	_ =	strace s2  }
0x95: {  	s2 =	sld [smem:$0x3FFD];
	_ =	sdelay $0x3  }
0x96: {  	_ =	strace s2  }
0x97: {  	_ =	strace $0x8FFFFFFF  }
0x98: {  	s18 =	sld [smem:$0x3FDB];
	_ =	sdelay $0x1  }
0x99: {  	s19 =	simm.s32 $_scs_section_size  }
0x9a: {  	s4 =	simm.s32 $_size__tile_overlayer_lowered;
	s5 =	simm.s32 $_tile_overlayer_lowered  }
0x9b: {  	s22 =	simm.s32 $0x1BFF;
	s21 =	sshll.u32 s5, $0x1;
	s2 =	sadd.s32 s19, s18  }
0x9c: {  	s6 =	simm.s32 $0x0;
	s20 =	sshll.u32 s4, $0x1;
	s4 =	sadd.s32 s21, s2  }
0x9d: {  	[timem:s6], [sflag:s22] =	dma.local [hbm:s4], s20  }
0x9e: {  	_ =	swait.ge [sflag:s22], s20  }
0x9f: {  	s3 =	ssub.s32 $0x0, s20;
	[sflag:s22] =	ssyncset.done $0x0  }
0xa0: {  	[sflag:s22] =	ssyncadd.s32 s3;
	_ =	sdelay $0x1  }
0xa1: {  	s23 =	simm.s32 $0x1B8B  }
0xa2: {  	_ =	swait.ge [sflag:s23], $0x1  }
0xa3: {  	[sflag:s23] =	ssyncset.done $0x0  }
0xa4: {  	s25 =	simm.s32 $0x1B8E;
	s24 =	sld [smem:$0x3FFE];
	[sflag:s23] =	ssyncadd.s32 $0xFFFFFFFF  }
0xa5: {  	s26 =	simm.s32 $execute0_lowered;
	[smem:$0x3FD2] =	sst s25  }
0xa6: {  	s4 =	sshll.u32 s26, $0x1;
	_ =	strace $0x80000052;
	[dreg:$0x1] =	wrdreg $0xFFFFFFFF  }
0xa7: {  	s28 =	simm.s32 $_size_execute0_lowered;
	s2 =	sadd.s32 s2, s4;
	[dreg:$0x0] =	wrdreg $0x0  }
0xa8: {  	s4 =	sshll.u32 s28, $0x1;
	[dreg:$0x2] =	wrdreg s2  }
0xa9: {  	[dreg:$0x3] =	wrdreg s4  }
0xaa: {  	[dreg:$0x4] =	wrdreg $0xC0  }
0xab: {  	_ =	task [dreg:s6], $0x5FFFF  }
0xac: {  	[dreg:$0x1] =	wrdreg $0xFFFFFFFF  }
0xad: {  	[dreg:$0x0] =	wrdreg $0x60  }
0xae: {  	[dreg:$0x2] =	wrdreg s24  }
0xaf: {  	[dreg:$0x3] =	wrdreg $0x9  }
0xb0: {  	_ =	task.clear_ibuf [dreg:s6], $0x4FFFF;
	_ =	strace $0x90000052  }
0xb1: {  	s29 =	simm.s32 $0x9;
	_ =	strace $0x80000054  }
0xb2: {  	_ =	swait.ge [sflag:s29], $0x1  }
0xb3: {  	[sflag:s29] =	ssyncadd.s32 $0xFFFFFFFF  }
0xb4: {  	_ =	strace $0x90000054  }
0xb5: {  	_ =	sfence  }
0xb6: {  	s30 =	sld [smem:$0x0];
	_ =	sdelay $0x2  }
0xb7: {  	s31 =	sshll.u32 s1, $0xD;
	s1 =	sshrl.u32 s1, $0x2  }
0xb8: {  	s3 =	sand.u32 $0x4000, s31;
	s1 =	sadd.s32 s1, s30  }
0xb9: {  	s0 =	sor.u32 s3, s0;
	s1 =	sshll.u32 s1, $0x11  }
0xba: {  	s0 =	sor.u32 s1, s0  }
0xbb: {  	s0 =	sadd.s32 $0x8F2B, s0  }
0xbc: {  	[sflag:s0] =	ssyncadd.remote.s32 $0x1  }
0xbd: {  	_ =	sfence.sel $0xFFFF  }
0xbe: {  	[dreg:$0x0] =	wrdreg $0xFFFFFFFF;
	(pc) =	sbr.abs _section_cstart, $3  }
0xbf: {  	[dreg:$0x1] =	wrdreg $0xFFFFFFFF  }
0xc0: {  	_ =	task.clear_ibuf [dreg:s6], $0x2FFFF;
	_ =	strace $0x9FFFFFFF  }
0xc1: {  	(tm) =	ssettm $0x7FFFFFFF  }
tec
execute0_lowered:
.L_overlay_start_1:
0x0: {  	(tag) =	ssettag $0x1  }
0x1: {  	s5 =	rddreg [dreg:$0x0]  }
0x2: {  	s0 =	rddreg [dreg:$0x1];
	s1 =	simm.s32 $0x0;
	s2 =	srdreg.scid  }
0x3: {  	s12 =	simm.s32 $0x4;
	s13 =	simm.s32 $0x80;
	s14 =	simm.s32 $0x200  }
0x4: {  	s15 =	simm.s32 $0x4200;
	s16 =	simm.s32 $0x1;
	s17 =	simm.s32 $0x100  }
0x5: {  	s18 =	simm.s32 $0x8200;
	s19 =	simm.s32 $0x180;
	s20 =	simm.s32 $0xC200  }
0x6: {  	s21 =	simm.s32 $0x2;
	s22 =	simm.s32 $0x3;
	s23 =	simm.s32 $0x0  }
0x7: {  	[smem:$0x7FF] =	sst s1;
	s7 =	sand.u32 $0x1, s2;
	s3 =	sadd.s32 $0x1A600, s5  }
0x8: {  	s2 =	stileid.u32;
	s4 =	sadd.s32 $0x24A800, s5;
	s10 =	sadd.s32 $0x26A800, s5  }
0x9: {  	_ =	strace $0x80000053;
	s6 =	ssub.s32 $0x2, s7;
	s9 =	sshll.u32 s2, $0x1  }
0xa: {  	s30 =	sshll.u32 s2, $0x14;
	s31 =	sshll.u32 s7, $0x13;
	s8 =	sshrl.u32 s6, $0x1  }
0xb: {  	s29 =	sor.u32 s7, s9;
	s9 =	sadd.s32 s30, s10;
	s8 =	ssub.s32 s6, s8  }
0xc: {  	s5 =	sshll.u32 s29, $0xC;
	s6 =	sshll.u32 s29, $0x13;
	s11 =	sadd.s32 s31, s9  }
0xd: {  	s6 =	sadd.s32 s10, s6;
	s7 =	smax.u32 s8, $0x1;
	s8 =	sadd.s32 s5, s4  }
0xe: {  	s11 =	sadd.s32 $0x2000, s11;
	s9 =	sadd.s32 $0x20, s8;
	s10 =	sadd.s32 $0x1000, s6  }
.LBB2_1:
0xf: {  	[tilespmem:s1], [sflag:$0x4] =	stream.linear.gather [hbm4b:s8+s1], $0x100, $0x38;
	[tilespmem:$0x10200] =	vst v63  }
0x10: {  	_ =	swait.ge [sflag:s12], $0x100  }
0x11: {  	[sflag:s12] =	ssyncset.done $0x0  }
0x12: {  	[sflag:s12] =	ssyncadd.s32 $0xFFFFFF00  }
0x13: {  	[tilespmem:s14], [sflag:$0x1] =	stream.indirect.gather [hbm4b:s3+s13], $0x80, s1, s13, $0xb8;
	[tilespmem:$0x10200] =	vst v63  }
0x14: {  	_ = 	snop  }
0x15: {  	[tilespmem:s15], [sflag:$0x1] =	stream.indirect.gather [hbm4b:s3+s13], $0x80, s13, s13, $0xb8;
	[tilespmem:$0x10200] =	vst v63  }
0x16: {  	_ =	swait.ge [sflag:s16], $0x4000  }
0x17: {  	[sflag:s16] =	ssyncset.done $0x0  }
0x18: {  	[sflag:s16] =	ssyncadd.s32 $0xFFFFC000  }
0x19: {  	_ =	swait.ge [sflag:s16], $0x4000  }
0x1a: {  	[sflag:s16] =	ssyncset.done $0x0  }
0x1b: {  	[sflag:s16] =	ssyncadd.s32 $0xFFFFC000  }
0x1c: {  	[hbm4b:s6+s1] =	stream.linear.scatter [tilespmem:s14], [sflag:$0x2], $0x8000, $0x38;
	[tilespmem:$0x10200] =	vst v63  }
0x1d: {  	_ = 	snop  }
0x1e: {  	[tilespmem:s17], [sflag:$0x4] =	stream.linear.gather [hbm4b:s9+s1], $0x100, $0x38;
	[tilespmem:$0x10200] =	vst v63  }
0x1f: {  	_ =	swait.ge [sflag:s12], $0x100  }
0x20: {  	[sflag:s12] =	ssyncset.done $0x0  }
0x21: {  	[sflag:s12] =	ssyncadd.s32 $0xFFFFFF00  }
0x22: {  	[tilespmem:s18], [sflag:$0x1] =	stream.indirect.gather [hbm4b:s3+s13], $0x80, s17, s13, $0xb8;
	[tilespmem:$0x10200] =	vst v63  }
0x23: {  	_ = 	snop  }
0x24: {  	[tilespmem:s20], [sflag:$0x1] =	stream.indirect.gather [hbm4b:s3+s13], $0x80, s19, s13, $0xb8;
	[tilespmem:$0x10200] =	vst v63  }
0x25: {  	_ =	swait.ge [sflag:s16], $0x4000  }
0x26: {  	[sflag:s16] =	ssyncset.done $0x0  }
0x27: {  	[sflag:s16] =	ssyncadd.s32 $0xFFFFC000  }
0x28: {  	_ =	swait.ge [sflag:s16], $0x4000  }
0x29: {  	[sflag:s16] =	ssyncset.done $0x0  }
0x2a: {  	s24 =	simm.s32 $0x40;
	[sflag:s16] =	ssyncadd.s32 $0xFFFFC000  }
0x2b: {  	[hbm4b:s10+s1] =	stream.linear.scatter [tilespmem:s18], [sflag:$0x3], $0x8000, $0x38;
	[tilespmem:$0x10200] =	vst v63  }
0x2c: {  	s25 =	sand.u32 $0xF80, s24;
	s24 =	sand.u32 $0x40, s24;
	_ =	swait.ge [sflag:s21], $0x8000  }
0x2d: {  	s25 =	sor.u32 s5, s25;
	s24 =	sadd.s32 s4, s24;
	[sflag:s21] =	ssyncset.done $0x0  }
0x2e: {  	s24 =	sadd.s32 s25, s24;
	[sflag:s21] =	ssyncadd.s32 $0xFFFF8000  }
0x2f: {  	[tilespmem:s1], [sflag:$0x4] =	stream.linear.gather [hbm4b:s24+s1], $0x100, $0x38;
	[tilespmem:$0x10200] =	vst v63  }
0x30: {  	_ =	swait.ge [sflag:s12], $0x100  }
0x31: {  	[sflag:s12] =	ssyncset.done $0x0  }
0x32: {  	[sflag:s12] =	ssyncadd.s32 $0xFFFFFF00  }
0x33: {  	[tilespmem:s14], [sflag:$0x1] =	stream.indirect.gather [hbm4b:s3+s13], $0x80, s1, s13, $0xb8;
	[tilespmem:$0x10200] =	vst v63  }
0x34: {  	_ = 	snop  }
0x35: {  	[tilespmem:s15], [sflag:$0x1] =	stream.indirect.gather [hbm4b:s3+s13], $0x80, s13, s13, $0xb8;
	[tilespmem:$0x10200] =	vst v63  }
0x36: {  	_ =	swait.ge [sflag:s16], $0x4000  }
0x37: {  	[sflag:s16] =	ssyncset.done $0x0  }
0x38: {  	[sflag:s16] =	ssyncadd.s32 $0xFFFFC000  }
0x39: {  	_ =	swait.ge [sflag:s16], $0x4000  }
0x3a: {  	[sflag:s16] =	ssyncset.done $0x0  }
0x3b: {  	[sflag:s16] =	ssyncadd.s32 $0xFFFFC000  }
0x3c: {  	[hbm4b:s11+s1] =	stream.linear.scatter [tilespmem:s14], [sflag:$0x2], $0x8000, $0x38;
	[tilespmem:$0x10200] =	vst v63  }
0x3d: {  	s31 =	simm.s32 $0x60;
	_ =	swait.ge [sflag:s22], $0x8000  }
0x3e: {  	s25 =	sadd.s32 s4, s25;
	s24 =	sand.u32 $0x60, s31;
	[sflag:s22] =	ssyncset.done $0x0  }
0x3f: {  	s24 =	sadd.s32 s24, s25;
	[sflag:s22] =	ssyncadd.s32 $0xFFFF8000  }
0x40: {  	[tilespmem:s17], [sflag:$0x4] =	stream.linear.gather [hbm4b:s24+s1], $0x100, $0x38;
	[tilespmem:$0x10200] =	vst v63  }
0x41: {  	_ =	swait.ge [sflag:s12], $0x100  }
0x42: {  	[sflag:s12] =	ssyncset.done $0x0  }
0x43: {  	[sflag:s12] =	ssyncadd.s32 $0xFFFFFF00  }
0x44: {  	[tilespmem:s18], [sflag:$0x1] =	stream.indirect.gather [hbm4b:s3+s13], $0x80, s17, s13, $0xb8;
	[tilespmem:$0x10200] =	vst v63  }
0x45: {  	_ = 	snop  }
0x46: {  	[tilespmem:s20], [sflag:$0x1] =	stream.indirect.gather [hbm4b:s3+s13], $0x80, s19, s13, $0xb8;
	[tilespmem:$0x10200] =	vst v63  }
0x47: {  	_ =	swait.ge [sflag:s16], $0x4000  }
0x48: {  	[sflag:s16] =	ssyncset.done $0x0  }
0x49: {  	[sflag:s16] =	ssyncadd.s32 $0xFFFFC000  }
0x4a: {  	s26 =	simm.s32 $0x80;
	_ =	swait.ge [sflag:s16], $0x4000  }
0x4b: {  	s28 =	simm.s32 $0xE0;
	s29 =	sadd.s32 $0x1000, s11;
	[sflag:s16] =	ssyncset.done $0x0  }
0x4c: {  	s25 =	simm.s32 $0xA0;
	s24 =	sadd.s32 $0x2000, s11;
	[sflag:s16] =	ssyncadd.s32 $0xFFFFC000  }
.LBB2_2:
0x4d: {  	[hbm4b:s29+s1] =	stream.linear.scatter [tilespmem:s18], [sflag:$0x3], $0x8000, $0x38;
	[tilespmem:$0x10200] =	vst v63  }
0x4e: {  	s29 =	smov.u32 s28  }
0x4f: {  	s30 =	sand.u32 $0xF80, s26;
	s26 =	sand.u32 $0x40, s26;
	_ =	swait.ge [sflag:s21], $0x8000  }
0x50: {  	s30 =	sor.u32 s5, s30;
	s26 =	sadd.s32 s4, s26;
	[sflag:s21] =	ssyncset.done $0x0  }
0x51: {  	s26 =	sadd.s32 s30, s26;
	s30 =	sadd.s32 s4, s30;
	[sflag:s21] =	ssyncadd.s32 $0xFFFF8000  }
0x52: {  	[tilespmem:s1], [sflag:$0x4] =	stream.linear.gather [hbm4b:s26+s1], $0x100, $0x38;
	[tilespmem:$0x10200] =	vst v63  }
0x53: {  	s31 =	sadd.s32 $0x40, s28;
	s26 =	sadd.s32 $0xFFFFFFE0, s29;
	_ =	swait.ge [sflag:s12], $0x100  }
0x54: {  	p0 =	sne.s32 s28, $0xFE0;
	[sflag:s12] =	ssyncset.done $0x0  }
0x55: {  	[sflag:s12] =	ssyncadd.s32 $0xFFFFFF00  }
0x56: {  	[tilespmem:s14], [sflag:$0x1] =	stream.indirect.gather [hbm4b:s3+s13], $0x80, s1, s13, $0xb8;
	[tilespmem:$0x10200] =	vst v63  }
0x57: {  	_ = 	snop  }
0x58: {  	[tilespmem:s15], [sflag:$0x1] =	stream.indirect.gather [hbm4b:s3+s13], $0x80, s13, s13, $0xb8;
	[tilespmem:$0x10200] =	vst v63  }
0x59: {  	_ =	swait.ge [sflag:s16], $0x4000  }
0x5a: {  	[sflag:s16] =	ssyncset.done $0x0  }
0x5b: {  	[sflag:s16] =	ssyncadd.s32 $0xFFFFC000  }
0x5c: {  	_ =	swait.ge [sflag:s16], $0x4000  }
0x5d: {  	[sflag:s16] =	ssyncset.done $0x0  }
0x5e: {  	[sflag:s16] =	ssyncadd.s32 $0xFFFFC000  }
0x5f: {  	[hbm4b:s24+s1] =	stream.linear.scatter [tilespmem:s14], [sflag:$0x2], $0x8000, $0x38;
	[tilespmem:$0x10200] =	vst v63  }
0x60: {  	_ =	swait.ge [sflag:s22], $0x8000  }
0x61: {  	s28 =	sand.u32 $0x60, s25;
	s25 =	smov.u32 s29;
	[sflag:s22] =	ssyncset.done $0x0  }
0x62: {  	s28 =	sadd.s32 s28, s30;
	[sflag:s22] =	ssyncadd.s32 $0xFFFF8000  }
0x63: {  	[tilespmem:s17], [sflag:$0x4] =	stream.linear.gather [hbm4b:s28+s1], $0x100, $0x38;
	[tilespmem:$0x10200] =	vst v63  }
0x64: {  	_ =	swait.ge [sflag:s12], $0x100  }
0x65: {  	[sflag:s12] =	ssyncset.done $0x0  }
0x66: {  	[sflag:s12] =	ssyncadd.s32 $0xFFFFFF00  }
0x67: {  	[tilespmem:s18], [sflag:$0x1] =	stream.indirect.gather [hbm4b:s3+s13], $0x80, s17, s13, $0xb8;
	[tilespmem:$0x10200] =	vst v63  }
0x68: {  	_ = 	snop  }
0x69: {  	[tilespmem:s20], [sflag:$0x1] =	stream.indirect.gather [hbm4b:s3+s13], $0x80, s19, s13, $0xb8;
	[tilespmem:$0x10200] =	vst v63  }
0x6a: {  	_ =	swait.ge [sflag:s16], $0x4000  }
.Ltmp0:
0x6b: {  	[sflag:s16] =	ssyncset.done $0x0;
	(pc) =	sbr.rel @p0 .LBB2_2-.Ltmp0, $4  }
0x6c: {  	[sflag:s16] =	ssyncadd.s32 $0xFFFFC000  }
0x6d: {  	_ =	swait.ge [sflag:s16], $0x4000  }
0x6e: {  	s29 =	sadd.s32 $0x1000, s24;
	[sflag:s16] =	ssyncset.done $0x0  }
0x6f: {  	s24 =	sadd.s32 $0x2000, s24;
	s28 =	smov.u32 s31;
	[sflag:s16] =	ssyncadd.s32 $0xFFFFC000  }
0x70: {  	[hbm4b:s29+s1] =	stream.linear.scatter [tilespmem:s18], [sflag:$0x3], $0x8000, $0x38;
	[tilespmem:$0x10200] =	vst v63  }
0x71: {  	s28 =	sand.u32 $0xF80, s26;
	s29 =	sand.u32 $0x40, s26;
	_ =	swait.ge [sflag:s21], $0x8000  }
0x72: {  	s28 =	sor.u32 s5, s28;
	s26 =	sadd.s32 s4, s29;
	[sflag:s21] =	ssyncset.done $0x0  }
0x73: {  	s26 =	sadd.s32 s28, s26;
	[sflag:s21] =	ssyncadd.s32 $0xFFFF8000  }
0x74: {  	[tilespmem:s1], [sflag:$0x4] =	stream.linear.gather [hbm4b:s26+s1], $0x100, $0x38;
	[tilespmem:$0x10200] =	vst v63  }
0x75: {  	_ =	swait.ge [sflag:s12], $0x100  }
0x76: {  	[sflag:s12] =	ssyncset.done $0x0  }
0x77: {  	[sflag:s12] =	ssyncadd.s32 $0xFFFFFF00  }
0x78: {  	[tilespmem:s14], [sflag:$0x1] =	stream.indirect.gather [hbm4b:s3+s13], $0x80, s1, s13, $0xb8;
	[tilespmem:$0x10200] =	vst v63  }
0x79: {  	_ = 	snop  }
0x7a: {  	[tilespmem:s15], [sflag:$0x1] =	stream.indirect.gather [hbm4b:s3+s13], $0x80, s13, s13, $0xb8;
	[tilespmem:$0x10200] =	vst v63  }
0x7b: {  	_ =	swait.ge [sflag:s16], $0x4000  }
0x7c: {  	[sflag:s16] =	ssyncset.done $0x0  }
0x7d: {  	[sflag:s16] =	ssyncadd.s32 $0xFFFFC000  }
0x7e: {  	_ =	swait.ge [sflag:s16], $0x4000  }
0x7f: {  	[sflag:s16] =	ssyncset.done $0x0  }
0x80: {  	[sflag:s16] =	ssyncadd.s32 $0xFFFFC000  }
0x81: {  	[hbm4b:s24+s1] =	stream.linear.scatter [tilespmem:s14], [sflag:$0x2], $0x8000, $0x38;
	[tilespmem:$0x10200] =	vst v63  }
0x82: {  	_ =	swait.ge [sflag:s22], $0x8000  }
0x83: {  	s25 =	sand.u32 $0x60, s25;
	s30 =	sadd.s32 s4, s28;
	[sflag:s22] =	ssyncset.done $0x0  }
0x84: {  	s25 =	sadd.s32 s25, s30;
	[sflag:s22] =	ssyncadd.s32 $0xFFFF8000  }
0x85: {  	[tilespmem:s17], [sflag:$0x4] =	stream.linear.gather [hbm4b:s25+s1], $0x100, $0x38;
	[tilespmem:$0x10200] =	vst v63  }
0x86: {  	_ =	swait.ge [sflag:s12], $0x100  }
0x87: {  	[sflag:s12] =	ssyncset.done $0x0  }
0x88: {  	[sflag:s12] =	ssyncadd.s32 $0xFFFFFF00  }
0x89: {  	[tilespmem:s18], [sflag:$0x1] =	stream.indirect.gather [hbm4b:s3+s13], $0x80, s17, s13, $0xb8;
	[tilespmem:$0x10200] =	vst v63  }
0x8a: {  	_ = 	snop  }
0x8b: {  	[tilespmem:s20], [sflag:$0x1] =	stream.indirect.gather [hbm4b:s3+s13], $0x80, s19, s13, $0xb8;
	[tilespmem:$0x10200] =	vst v63  }
0x8c: {  	_ =	swait.ge [sflag:s16], $0x4000  }
0x8d: {  	[sflag:s16] =	ssyncset.done $0x0  }
0x8e: {  	[sflag:s16] =	ssyncadd.s32 $0xFFFFC000  }
0x8f: {  	_ =	swait.ge [sflag:s16], $0x4000  }
0x90: {  	[sflag:s16] =	ssyncset.done $0x0  }
0x91: {  	s31 =	sadd.s32 $0x1000, s24;
	s23 =	sadd.s32 $0x1, s23;
	[sflag:s16] =	ssyncadd.s32 $0xFFFFC000  }
0x92: {  	[hbm4b:s31+s1] =	stream.linear.scatter [tilespmem:s18], [sflag:$0x3], $0x8000, $0x38;
	[tilespmem:$0x10200] =	vst v63  }
0x93: {  	p0 =	sne.s32 s23, s7;
	_ =	swait.ge [sflag:s21], $0x8000  }
.Ltmp1:
0x94: {  	[sflag:s21] =	ssyncset.done $0x0;
	(pc) =	sbr.rel @p0 .LBB2_1-.Ltmp1, $4  }
0x95: {  	[sflag:s21] =	ssyncadd.s32 $0xFFFF8000  }
0x96: {  	_ =	swait.ge [sflag:s22], $0x8000  }
0x97: {  	[sflag:s22] =	ssyncset.done $0x0  }
0x98: {  	[sflag:s22] =	ssyncadd.s32 $0xFFFF8000  }
0x99: {  	_ =	sfence.sel $0x180000  }
0x9a: {  	[bflag:$0x0] =	sbarrier.arrive $0xFFFF  }
0x9b: {  	p0 =	sne.s32 s2, $0x0;
	_ =	strace $0x90000053  }
0x9c: {  	s0 =	sadd.s32 @!p0 $0x100000, s0;
	[bflag:$0x2] =	sbarrier.arrive $0xFFFF  }
0x9d: {  	[sflag:s0] =	ssyncadd.tile.s32 @!p0 $0x1;
	_ =	shalt  }
.Lfunc_end2:
_tile_overlayer_lowered:
.L_overlay_start_2:
0x9e: {  	(tag) =	ssettag $0x2  }
0x9f: {  	s0 =	rddreg [dreg:$0x0];
	s2 =	stileid.u32  }
0xa0: {  	s1 =	rddreg [dreg:$0x1];
	p0 =	sne.s32 s2, $0x0  }
0xa1: {  	s3 =	rddreg [dreg:$0x2];
	[bflag:$0x3] =	sbarrier.arrive $0xFFFF;
	s2 =	simm.s32 @!p0 $0x1C04  }
0xa2: {  	[timem:s3], [sflag:s2] =	dma.local @!p0 [hbm:s0], s1  }
0xa3: {  	s0 =	simm.s32 @!p0 $0x4  }
0xa4: {  	_ =	swait.ge @!p0 [sflag:s0], s1  }
0xa5: {  	s1 =	ssub.s32 @!p0 $0x0, s1;
	[sflag:s0] =	ssyncset.done @!p0 $0x0  }
0xa6: {  	[sflag:s0] =	ssyncadd.s32 @!p0 s1  }
0xa7: {  	[bflag:$0x3] =	sbarrier.arrive $0xFFFF  }
0xa8: {  	_ =	shalt  }

</sc_bundles>
